<compile_context>
chip_gen: v7x
topology: tpu7x:2x2x1
jax: 0.10.2.dev20260603
libtpu: 0.0.44.dev20260713+nightly
codegen_flags: <defaults>
</compile_context>

<pallas_src>
import functools

import jax
import jax.numpy as jnp
from jax import lax
from jax.experimental import pallas as pl
from jax.experimental.pallas import tpu as pltpu
from jax.experimental.pallas import tpu_sc as plsc

N_BITS = 20
LO_BITS = 10
D_MODEL = 64
TBL = 2048
NW = 32
WORDS = D_MODEL // 2
CHUNK = 512
GROUPS = CHUNK // 16


def _expand_body(table_ref, t_ref):
    r = lax.broadcasted_iota(jnp.int32, (TBL, N_BITS), 0)
    b = lax.broadcasted_iota(jnp.int32, (TBL, N_BITS), 1)
    low = r < 1024
    rr = jnp.where(low, r, r - 1024)
    bb = jnp.where(low, b, b - LO_BITS)
    valid = jnp.logical_and(bb >= 0, bb < LO_BITS)
    bit = jnp.bitwise_and(
        lax.shift_right_logical(rr, jnp.where(valid, bb, 0)), 1)
    m = jnp.where(valid, bit, 0).astype(jnp.float32)
    t = jnp.dot(m, table_ref[...], preferred_element_type=jnp.float32)
    u = lax.bitcast_convert_type(t, jnp.uint32)
    rnd = u + jnp.uint32(0x7FFF) + jnp.bitwise_and(
        jnp.right_shift(u, jnp.uint32(16)), jnp.uint32(1))
    hi16 = jnp.right_shift(rnd, jnp.uint32(16))
    words = []
    for h in range(2):
        a = hi16[:, 32 * h:32 * h + 16]
        c = hi16[:, 32 * h + 16:32 * h + 32]
        words.append(jnp.bitwise_or(a, jnp.left_shift(c, jnp.uint32(16))))
    packed = jnp.concatenate(words, axis=1)
    t_ref[...] = lax.bitcast_convert_type(packed, jnp.int32)


def _expand_table(table):
    return pl.pallas_call(
        _expand_body,
        out_shape=jax.ShapeDtypeStruct((TBL, WORDS), jnp.int32),
    )(table)


def _make_sc_kernel(n):
    rows_per_w = n // NW
    nchunk = rows_per_w // CHUNK
    mesh = plsc.VectorSubcoreMesh(core_axis_name="c", subcore_axis_name="s")

    @functools.partial(
        pl.kernel,
        out_type=jax.ShapeDtypeStruct((n, D_MODEL), jnp.float32),
        mesh=mesh,
        scratch_types=[
            pltpu.VMEM((TBL, WORDS), jnp.int32),
            pltpu.VMEM((CHUNK,), jnp.int32),
            pltpu.VMEM((CHUNK, D_MODEL), jnp.float32),
        ],
        compiler_params=pltpu.CompilerParams(
            use_tc_tiling_on_sc=False, needs_layout_passes=False),
    )
    def sc_lookup(x_hbm, t_hbm, out_hbm, t_v, x_v, o_v):
        wid = lax.axis_index("s") * 2 + lax.axis_index("c")
        row0 = wid * rows_per_w
        pltpu.sync_copy(t_hbm, t_v)

        def chunk_body(i, carry):
            base = row0 + i * CHUNK
            pltpu.sync_copy(x_hbm.at[pl.ds(base, CHUNK)], x_v)

            @plsc.parallel_loop(0, GROUPS)
            def group_body(g):
                xv = x_v[pl.ds(g * 16, 16)]
                lo_v = jnp.bitwise_and(xv, 1023)
                hi_v = jnp.bitwise_and(
                    lax.shift_right_logical(xv, LO_BITS), 1023) + 1024
                for l in range(16):
                    lo = lo_v[l]
                    hi = hi_v[l]
                    e = g * 16 + l
                    for h in range(2):
                        wl = t_v[lo, pl.ds(16 * h, 16)]
                        wh = t_v[hi, pl.ds(16 * h, 16)]
                        s = (plsc.bitcast(wl, jnp.bfloat16)
                             + plsc.bitcast(wh, jnp.bfloat16))
                        a, c = plsc.unpack(
                            s, format=plsc.PackFormat.INTERLEAVED)
                        o_v[e, pl.ds(32 * h, 16)] = a
                        o_v[e, pl.ds(32 * h + 16, 16)] = c

            pltpu.sync_copy(o_v, out_hbm.at[pl.ds(base, CHUNK)])
            return carry

        lax.fori_loop(0, nchunk, chunk_body, 0)

    return sc_lookup


def kernel(x, table):
    x_shape = x.shape
    n = x.size
    xf = x.reshape(n)
    t_packed = _expand_table(table)
    out = _make_sc_kernel(n)(xf, t_packed)
    return out.reshape(*x_shape, D_MODEL)

# --- scband reference (transcript-rebuilt; emitter-appended) ---
"""Pipeline reference for scband-binary-position-embedding-13194139533906 (READ-ONLY COPY).

The authoritative reference and input builder live on the scoring server;
editing this copy changes nothing except your own understanding.
"""

import jax, jax.numpy as jnp
import numpy as np
import math

N_POSITIONS = 1000000
N_BITS = math.ceil(math.log2(N_POSITIONS))  # 20
D_MODEL = 64
BATCH = 4096
HIST = 200


def setup_inputs(seed: int = 0) -> dict:
    key = jax.random.key(seed)
    k_x, k_w = jax.random.split(key)
    x = jax.random.randint(k_x, (BATCH, HIST), 0, N_POSITIONS, dtype=jnp.int32)
    w = jax.random.normal(k_w, (N_BITS, D_MODEL), dtype=jnp.float32)
    # match nn.Embedding init scale (N(0,1)) then F.normalize(dim=1, p=2)
    w = w / jnp.linalg.norm(w, axis=1, keepdims=True)
    return {"x": x, "table": w}


def reference(x, table):
    x_shape = x.shape
    xf = x.reshape(-1)                                   # [N]
    bit_indices = jnp.arange(N_BITS, dtype=xf.dtype)     # [n_bits]
    # binary_repr[b, n] = 1 iff bit b of position n is set
    binary_repr = ((xf[None, :] >> bit_indices[:, None]) & 1)  # [n_bits, N]
    mask = binary_repr.astype(table.dtype)
    # for each position: gather embedding rows of its active bits and sum.
    # sum_b mask[b, n] * table[b, :]  ==  mask.T @ table
    embeddings = mask.T @ table                          # [N, d_model]
    return embeddings.reshape(*x_shape, D_MODEL)

if __name__ == "__main__":
    import jax
    _d = setup_inputs()
    print(jax.jit(kernel)(*tuple(_d.values())))

</pallas_src>

<mosaic_0001>
#map = affine_map<(d0, d1) -> (0)>
#map1 = affine_map<(d0, d1) -> (0, 0)>
module attributes {stable_mosaic.version = 14 : i64} {
  func.func @sc_lookup(%arg0: i32, %arg1: i32, %arg2: memref<819200xi32, #tpu.memory_space<hbm>>, %arg3: memref<2048x32xi32, #tpu.memory_space<hbm>>, %arg4: memref<819200x64xf32, #tpu.memory_space<hbm>>, %arg5: memref<2048x32xi32, #tpu.memory_space<vmem>>, %arg6: memref<512xi32, #tpu.memory_space<vmem>>, %arg7: memref<512x64xf32, #tpu.memory_space<vmem>>) attributes {dimension_semantics = [#tpu.dimension_semantics<core_parallel>, #tpu.dimension_semantics<subcore_parallel>], iteration_bounds = array<i64: 2, 16>, scalar_prefetch = 0 : i64, scratch_operands = 3 : i64, tpu.core_type = #tpu.core_type<sc_vector_subcore>, window_params = [{transform_indices = #map}, {transform_indices = #map1}, {transform_indices = #map1}]} {
    %mul3A = arith.constant 2 : i32
    %mul3A_0 = arith.muli %arg1, %mul3A : i32
    %add3A = arith.addi %mul3A_0, %arg0 : i32
    %mul3A_1 = arith.constant 25600 : i32
    %mul3A_2 = arith.muli %add3A, %mul3A_1 : i32
    "tpu.region"() ({
      %run_scoped3A = tpu.sem_alloc : memref<!tpu.dma_semaphore, #tpu.memory_space<semaphore_mem>>
      tpu.enqueue_dma source(%arg3 : memref<2048x32xi32, #tpu.memory_space<hbm>>) target(%arg5 : memref<2048x32xi32, #tpu.memory_space<vmem>>) target_semaphore(%run_scoped3A : memref<!tpu.dma_semaphore, #tpu.memory_space<semaphore_mem>>)
      tpu.wait_dma2 semaphore(%run_scoped3A : memref<!tpu.dma_semaphore, #tpu.memory_space<semaphore_mem>>) src(%arg3 : memref<2048x32xi32, #tpu.memory_space<hbm>>) dst(%arg5 : memref<2048x32xi32, #tpu.memory_space<vmem>>)
      tpu.yield
    }) : () -> ()
    %scan3A = arith.constant 0 : i32
    %scan3A_3 = arith.constant 0 : i32
    %scan3A_4 = arith.constant 50 : i32
    %scan3A_5 = arith.addi %scan3A_3, %scan3A_4 : i32
    %scan3A_6 = arith.constant 1 : i32
    scf.for %scan3A_8 = %scan3A_3 to %scan3A_5 step %scan3A_6  : i32 {
      %mul3A_9 = arith.constant 512 : i32
      %mul3A_10 = arith.muli %scan3A_8, %mul3A_9 : i32
      %add3A_11 = arith.addi %mul3A_2, %mul3A_10 : i32
      "tpu.region"() ({
        %run_scoped3A = tpu.sem_alloc : memref<!tpu.dma_semaphore, #tpu.memory_space<semaphore_mem>>
        %dma_start3A = tpu.memref_slice %arg2[%add3A_11] : memref<819200xi32, #tpu.memory_space<hbm>> -> memref<512xi32, #tpu.memory_space<hbm>>
        %dma_start3A_14 = tpu.memref_slice %arg2[%add3A_11] : memref<819200xi32, #tpu.memory_space<hbm>> -> memref<512xi32, #tpu.memory_space<hbm>>
        tpu.enqueue_dma source(%dma_start3A_14 : memref<512xi32, #tpu.memory_space<hbm>>) target(%arg6 : memref<512xi32, #tpu.memory_space<vmem>>) target_semaphore(%run_scoped3A : memref<!tpu.dma_semaphore, #tpu.memory_space<semaphore_mem>>)
        %dma_wait3A = tpu.memref_slice %arg2[%add3A_11] : memref<819200xi32, #tpu.memory_space<hbm>> -> memref<512xi32, #tpu.memory_space<hbm>>
        %dma_wait3A_15 = tpu.memref_slice %arg2[%add3A_11] : memref<819200xi32, #tpu.memory_space<hbm>> -> memref<512xi32, #tpu.memory_space<hbm>>
        tpu.wait_dma2 semaphore(%run_scoped3A : memref<!tpu.dma_semaphore, #tpu.memory_space<semaphore_mem>>) src(%dma_wait3A_15 : memref<512xi32, #tpu.memory_space<hbm>>) dst(%arg6 : memref<512xi32, #tpu.memory_space<vmem>>)
        tpu.yield
      }) : () -> ()
      %parallel_loop3A = arith.constant 0 : i32
      %parallel_loop3A_12 = arith.constant 32 : i32
      %parallel_loop3A_13 = arith.constant 1 : i32
      scf.for %parallel_loop3A_14 = %parallel_loop3A to %parallel_loop3A_12 step %parallel_loop3A_13  : i32 {
        %parallel_loop3A_15 = arith.constant 16 : i32
        %parallel_loop3A_16 = arith.muli %parallel_loop3A_14, %parallel_loop3A_15 : i32
        %parallel_loop3A_17 = arith.index_cast %parallel_loop3A_16 : i32 to index
        %parallel_loop3A_18 = tpu.vector_load %arg6[%parallel_loop3A_17] {strides = array<i32>} : memref<512xi32, #tpu.memory_space<vmem>>, vector<16xi32>,
        %parallel_loop3A_19 = arith.constant 1023 : i32
        %parallel_loop3A_20 = vector.broadcast %parallel_loop3A_19 : i32 to vector<16xi32>
        %parallel_loop3A_21 = arith.andi %parallel_loop3A_18, %parallel_loop3A_20 : vector<16xi32>
        %parallel_loop3A_22 = arith.constant 10 : i32
        %parallel_loop3A_23 = vector.broadcast %parallel_loop3A_22 : i32 to vector<16xi32>
        %parallel_loop3A_24 = arith.shrui %parallel_loop3A_18, %parallel_loop3A_23 : vector<16xi32>
        %parallel_loop3A_25 = arith.constant 1023 : i32
        %parallel_loop3A_26 = vector.broadcast %parallel_loop3A_25 : i32 to vector<16xi32>
        %parallel_loop3A_27 = arith.andi %parallel_loop3A_24, %parallel_loop3A_26 : vector<16xi32>
        %parallel_loop3A_28 = arith.constant 1024 : i32
        %parallel_loop3A_29 = vector.broadcast %parallel_loop3A_28 : i32 to vector<16xi32>
        %parallel_loop3A_30 = arith.addi %parallel_loop3A_27, %parallel_loop3A_29 : vector<16xi32>
        %parallel_loop3A_31 = vector.extract_strided_slice %parallel_loop3A_21 {offsets = [0], sizes = [1], strides = [1]} : vector<16xi32> to vector<1xi32>
        %parallel_loop3A_32 = vector.extract %parallel_loop3A_31[0] : i32 from vector<1xi32>
        %parallel_loop3A_33 = vector.extract_strided_slice %parallel_loop3A_30 {offsets = [0], sizes = [1], strides = [1]} : vector<16xi32> to vector<1xi32>
        %parallel_loop3A_34 = vector.extract %parallel_loop3A_33[0] : i32 from vector<1xi32>
        %parallel_loop3A_35 = arith.constant 16 : i32
        %parallel_loop3A_36 = arith.muli %parallel_loop3A_14, %parallel_loop3A_35 : i32
        %parallel_loop3A_37 = arith.constant 0 : i32
        %parallel_loop3A_38 = arith.addi %parallel_loop3A_36, %parallel_loop3A_37 : i32
        %parallel_loop3A_39 = arith.index_cast %parallel_loop3A_32 : i32 to index
        %parallel_loop3A_40 = arith.constant 0 : index
        %parallel_loop3A_41 = tpu.vector_load %arg5[%parallel_loop3A_39, %parallel_loop3A_40] {strides = array<i32>} : memref<2048x32xi32, #tpu.memory_space<vmem>>, vector<16xi32>,
        %parallel_loop3A_42 = arith.index_cast %parallel_loop3A_34 : i32 to index
        %parallel_loop3A_43 = arith.constant 0 : index
        %parallel_loop3A_44 = tpu.vector_load %arg5[%parallel_loop3A_42, %parallel_loop3A_43] {strides = array<i32>} : memref<2048x32xi32, #tpu.memory_space<vmem>>, vector<16xi32>,
        %parallel_loop3A_45 = vector.bitcast %parallel_loop3A_41 : vector<16xi32> to vector<32xbf16>
        %parallel_loop3A_46 = vector.bitcast %parallel_loop3A_44 : vector<16xi32> to vector<32xbf16>
        %parallel_loop3A_47 = arith.addf %parallel_loop3A_45, %parallel_loop3A_46 : vector<32xbf16>
        %parallel_loop3A_48 = tpu.unpack_subelements %parallel_loop3A_47, 0 {pack_format = #tpu.pack_format<interleaved>} : vector<32xbf16> -> vector<16xf32>
        %parallel_loop3A_49 = tpu.unpack_subelements %parallel_loop3A_47, 1 {pack_format = #tpu.pack_format<interleaved>} : vector<32xbf16> -> vector<16xf32>
        %parallel_loop3A_50 = arith.index_cast %parallel_loop3A_38 : i32 to index
        %parallel_loop3A_51 = arith.constant 0 : index
        %parallel_loop3A_52 = tpu.vector_load %arg7[%parallel_loop3A_50, %parallel_loop3A_51] {strides = array<i32>} : memref<512x64xf32, #tpu.memory_space<vmem>>, vector<16xf32>,
        tpu.vector_store %arg7[%parallel_loop3A_50, %parallel_loop3A_51], %parallel_loop3A_48 {strides = array<i32>} : memref<512x64xf32, #tpu.memory_space<vmem>>, vector<16xf32>,
        %parallel_loop3A_53 = arith.index_cast %parallel_loop3A_38 : i32 to index
        %parallel_loop3A_54 = arith.constant 16 : index
        %parallel_loop3A_55 = tpu.vector_load %arg7[%parallel_loop3A_53, %parallel_loop3A_54] {strides = array<i32>} : memref<512x64xf32, #tpu.memory_space<vmem>>, vector<16xf32>,
        tpu.vector_store %arg7[%parallel_loop3A_53, %parallel_loop3A_54], %parallel_loop3A_49 {strides = array<i32>} : memref<512x64xf32, #tpu.memory_space<vmem>>, vector<16xf32>,
        %parallel_loop3A_56 = arith.index_cast %parallel_loop3A_32 : i32 to index
        %parallel_loop3A_57 = arith.constant 16 : index
        %parallel_loop3A_58 = tpu.vector_load %arg5[%parallel_loop3A_56, %parallel_loop3A_57] {strides = array<i32>} : memref<2048x32xi32, #tpu.memory_space<vmem>>, vector<16xi32>,
        %parallel_loop3A_59 = arith.index_cast %parallel_loop3A_34 : i32 to index
        %parallel_loop3A_60 = arith.constant 16 : index
        %parallel_loop3A_61 = tpu.vector_load %arg5[%parallel_loop3A_59, %parallel_loop3A_60] {strides = array<i32>} : memref<2048x32xi32, #tpu.memory_space<vmem>>, vector<16xi32>,
        %parallel_loop3A_62 = vector.bitcast %parallel_loop3A_58 : vector<16xi32> to vector<32xbf16>
        %parallel_loop3A_63 = vector.bitcast %parallel_loop3A_61 : vector<16xi32> to vector<32xbf16>
        %parallel_loop3A_64 = arith.addf %parallel_loop3A_62, %parallel_loop3A_63 : vector<32xbf16>
        %parallel_loop3A_65 = tpu.unpack_subelements %parallel_loop3A_64, 0 {pack_format = #tpu.pack_format<interleaved>} : vector<32xbf16> -> vector<16xf32>
        %parallel_loop3A_66 = tpu.unpack_subelements %parallel_loop3A_64, 1 {pack_format = #tpu.pack_format<interleaved>} : vector<32xbf16> -> vector<16xf32>
        %parallel_loop3A_67 = arith.index_cast %parallel_loop3A_38 : i32 to index
        %parallel_loop3A_68 = arith.constant 32 : index
        %parallel_loop3A_69 = tpu.vector_load %arg7[%parallel_loop3A_67, %parallel_loop3A_68] {strides = array<i32>} : memref<512x64xf32, #tpu.memory_space<vmem>>, vector<16xf32>,
        tpu.vector_store %arg7[%parallel_loop3A_67, %parallel_loop3A_68], %parallel_loop3A_65 {strides = array<i32>} : memref<512x64xf32, #tpu.memory_space<vmem>>, vector<16xf32>,
        %parallel_loop3A_70 = arith.index_cast %parallel_loop3A_38 : i32 to index
        %parallel_loop3A_71 = arith.constant 48 : index
        %parallel_loop3A_72 = tpu.vector_load %arg7[%parallel_loop3A_70, %parallel_loop3A_71] {strides = array<i32>} : memref<512x64xf32, #tpu.memory_space<vmem>>, vector<16xf32>,
        tpu.vector_store %arg7[%parallel_loop3A_70, %parallel_loop3A_71], %parallel_loop3A_66 {strides = array<i32>} : memref<512x64xf32, #tpu.memory_space<vmem>>, vector<16xf32>,
        %parallel_loop3A_73 = vector.extract_strided_slice %parallel_loop3A_21 {offsets = [1], sizes = [1], strides = [1]} : vector<16xi32> to vector<1xi32>
        %parallel_loop3A_74 = vector.extract %parallel_loop3A_73[0] : i32 from vector<1xi32>
        %parallel_loop3A_75 = vector.extract_strided_slice %parallel_loop3A_30 {offsets = [1], sizes = [1], strides = [1]} : vector<16xi32> to vector<1xi32>
        %parallel_loop3A_76 = vector.extract %parallel_loop3A_75[0] : i32 from vector<1xi32>
        %parallel_loop3A_77 = arith.constant 16 : i32
        %parallel_loop3A_78 = arith.muli %parallel_loop3A_14, %parallel_loop3A_77 : i32
        %parallel_loop3A_79 = arith.constant 1 : i32
        %parallel_loop3A_80 = arith.addi %parallel_loop3A_78, %parallel_loop3A_79 : i32
        %parallel_loop3A_81 = arith.index_cast %parallel_loop3A_74 : i32 to index
        %parallel_loop3A_82 = arith.constant 0 : index
        %parallel_loop3A_83 = tpu.vector_load %arg5[%parallel_loop3A_81, %parallel_loop3A_82] {strides = array<i32>} : memref<2048x32xi32, #tpu.memory_space<vmem>>, vector<16xi32>,
        %parallel_loop3A_84 = arith.index_cast %parallel_loop3A_76 : i32 to index
        %parallel_loop3A_85 = arith.constant 0 : index
        %parallel_loop3A_86 = tpu.vector_load %arg5[%parallel_loop3A_84, %parallel_loop3A_85] {strides = array<i32>} : memref<2048x32xi32, #tpu.memory_space<vmem>>, vector<16xi32>,
        %parallel_loop3A_87 = vector.bitcast %parallel_loop3A_83 : vector<16xi32> to vector<32xbf16>
        %parallel_loop3A_88 = vector.bitcast %parallel_loop3A_86 : vector<16xi32> to vector<32xbf16>
        %parallel_loop3A_89 = arith.addf %parallel_loop3A_87, %parallel_loop3A_88 : vector<32xbf16>
        %parallel_loop3A_90 = tpu.unpack_subelements %parallel_loop3A_89, 0 {pack_format = #tpu.pack_format<interleaved>} : vector<32xbf16> -> vector<16xf32>
        %parallel_loop3A_91 = tpu.unpack_subelements %parallel_loop3A_89, 1 {pack_format = #tpu.pack_format<interleaved>} : vector<32xbf16> -> vector<16xf32>
        %parallel_loop3A_92 = arith.index_cast %parallel_loop3A_80 : i32 to index
        %parallel_loop3A_93 = arith.constant 0 : index
        %parallel_loop3A_94 = tpu.vector_load %arg7[%parallel_loop3A_92, %parallel_loop3A_93] {strides = array<i32>} : memref<512x64xf32, #tpu.memory_space<vmem>>, vector<16xf32>,
        tpu.vector_store %arg7[%parallel_loop3A_92, %parallel_loop3A_93], %parallel_loop3A_90 {strides = array<i32>} : memref<512x64xf32, #tpu.memory_space<vmem>>, vector<16xf32>,
        %parallel_loop3A_95 = arith.index_cast %parallel_loop3A_80 : i32 to index
        %parallel_loop3A_96 = arith.constant 16 : index
        %parallel_loop3A_97 = tpu.vector_load %arg7[%parallel_loop3A_95, %parallel_loop3A_96] {strides = array<i32>} : memref<512x64xf32, #tpu.memory_space<vmem>>, vector<16xf32>,
        tpu.vector_store %arg7[%parallel_loop3A_95, %parallel_loop3A_96], %parallel_loop3A_91 {strides = array<i32>} : memref<512x64xf32, #tpu.memory_space<vmem>>, vector<16xf32>,
        %parallel_loop3A_98 = arith.index_cast %parallel_loop3A_74 : i32 to index
        %parallel_loop3A_99 = arith.constant 16 : index
        %parallel_loop3A_100 = tpu.vector_load %arg5[%parallel_loop3A_98, %parallel_loop3A_99] {strides = array<i32>} : memref<2048x32xi32, #tpu.memory_space<vmem>>, vector<16xi32>,
        %parallel_loop3A_101 = arith.index_cast %parallel_loop3A_76 : i32 to index
        %parallel_loop3A_102 = arith.constant 16 : index
        %parallel_loop3A_103 = tpu.vector_load %arg5[%parallel_loop3A_101, %parallel_loop3A_102] {strides = array<i32>} : memref<2048x32xi32, #tpu.memory_space<vmem>>, vector<16xi32>,
        %parallel_loop3A_104 = vector.bitcast %parallel_loop3A_100 : vector<16xi32> to vector<32xbf16>
        %parallel_loop3A_105 = vector.bitcast %parallel_loop3A_103 : vector<16xi32> to vector<32xbf16>
        %parallel_loop3A_106 = arith.addf %parallel_loop3A_104, %parallel_loop3A_105 : vector<32xbf16>
        %parallel_loop3A_107 = tpu.unpack_subelements %parallel_loop3A_106, 0 {pack_format = #tpu.pack_format<interleaved>} : vector<32xbf16> -> vector<16xf32>
        %parallel_loop3A_108 = tpu.unpack_subelements %parallel_loop3A_106, 1 {pack_format = #tpu.pack_format<interleaved>} : vector<32xbf16> -> vector<16xf32>
        %parallel_loop3A_109 = arith.index_cast %parallel_loop3A_80 : i32 to index
        %parallel_loop3A_110 = arith.constant 32 : index
        %parallel_loop3A_111 = tpu.vector_load %arg7[%parallel_loop3A_109, %parallel_loop3A_110] {strides = array<i32>} : memref<512x64xf32, #tpu.memory_space<vmem>>, vector<16xf32>,
        tpu.vector_store %arg7[%parallel_loop3A_109, %parallel_loop3A_110], %parallel_loop3A_107 {strides = array<i32>} : memref<512x64xf32, #tpu.memory_space<vmem>>, vector<16xf32>,
        %parallel_loop3A_112 = arith.index_cast %parallel_loop3A_80 : i32 to index
        %parallel_loop3A_113 = arith.constant 48 : index
        %parallel_loop3A_114 = tpu.vector_load %arg7[%parallel_loop3A_112, %parallel_loop3A_113] {strides = array<i32>} : memref<512x64xf32, #tpu.memory_space<vmem>>, vector<16xf32>,
        tpu.vector_store %arg7[%parallel_loop3A_112, %parallel_loop3A_113], %parallel_loop3A_108 {strides = array<i32>} : memref<512x64xf32, #tpu.memory_space<vmem>>, vector<16xf32>,
        %parallel_loop3A_115 = vector.extract_strided_slice %parallel_loop3A_21 {offsets = [2], sizes = [1], strides = [1]} : vector<16xi32> to vector<1xi32>
        %parallel_loop3A_116 = vector.extract %parallel_loop3A_115[0] : i32 from vector<1xi32>
        %parallel_loop3A_117 = vector.extract_strided_slice %parallel_loop3A_30 {offsets = [2], sizes = [1], strides = [1]} : vector<16xi32> to vector<1xi32>
        %parallel_loop3A_118 = vector.extract %parallel_loop3A_117[0] : i32 from vector<1xi32>
        %parallel_loop3A_119 = arith.constant 16 : i32
        %parallel_loop3A_120 = arith.muli %parallel_loop3A_14, %parallel_loop3A_119 : i32
        %parallel_loop3A_121 = arith.constant 2 : i32
        %parallel_loop3A_122 = arith.addi %parallel_loop3A_120, %parallel_loop3A_121 : i32
        %parallel_loop3A_123 = arith.index_cast %parallel_loop3A_116 : i32 to index
        %parallel_loop3A_124 = arith.constant 0 : index
        %parallel_loop3A_125 = tpu.vector_load %arg5[%parallel_loop3A_123, %parallel_loop3A_124] {strides = array<i32>} : memref<2048x32xi32, #tpu.memory_space<vmem>>, vector<16xi32>,
        %parallel_loop3A_126 = arith.index_cast %parallel_loop3A_118 : i32 to index
        %parallel_loop3A_127 = arith.constant 0 : index
        %parallel_loop3A_128 = tpu.vector_load %arg5[%parallel_loop3A_126, %parallel_loop3A_127] {strides = array<i32>} : memref<2048x32xi32, #tpu.memory_space<vmem>>, vector<16xi32>,
        %parallel_loop3A_129 = vector.bitcast %parallel_loop3A_125 : vector<16xi32> to vector<32xbf16>
        %parallel_loop3A_130 = vector.bitcast %parallel_loop3A_128 : vector<16xi32> to vector<32xbf16>
        %parallel_loop3A_131 = arith.addf %parallel_loop3A_129, %parallel_loop3A_130 : vector<32xbf16>
        %parallel_loop3A_132 = tpu.unpack_subelements %parallel_loop3A_131, 0 {pack_format = #tpu.pack_format<interleaved>} : vector<32xbf16> -> vector<16xf32>
        %parallel_loop3A_133 = tpu.unpack_subelements %parallel_loop3A_131, 1 {pack_format = #tpu.pack_format<interleaved>} : vector<32xbf16> -> vector<16xf32>
        %parallel_loop3A_134 = arith.index_cast %parallel_loop3A_122 : i32 to index
        %parallel_loop3A_135 = arith.constant 0 : index
        %parallel_loop3A_136 = tpu.vector_load %arg7[%parallel_loop3A_134, %parallel_loop3A_135] {strides = array<i32>} : memref<512x64xf32, #tpu.memory_space<vmem>>, vector<16xf32>,
        tpu.vector_store %arg7[%parallel_loop3A_134, %parallel_loop3A_135], %parallel_loop3A_132 {strides = array<i32>} : memref<512x64xf32, #tpu.memory_space<vmem>>, vector<16xf32>,
        %parallel_loop3A_137 = arith.index_cast %parallel_loop3A_122 : i32 to index
        %parallel_loop3A_138 = arith.constant 16 : index
        %parallel_loop3A_139 = tpu.vector_load %arg7[%parallel_loop3A_137, %parallel_loop3A_138] {strides = array<i32>} : memref<512x64xf32, #tpu.memory_space<vmem>>, vector<16xf32>,
        tpu.vector_store %arg7[%parallel_loop3A_137, %parallel_loop3A_138], %parallel_loop3A_133 {strides = array<i32>} : memref<512x64xf32, #tpu.memory_space<vmem>>, vector<16xf32>,
        %parallel_loop3A_140 = arith.index_cast %parallel_loop3A_116 : i32 to index
        %parallel_loop3A_141 = arith.constant 16 : index
        %parallel_loop3A_142 = tpu.vector_load %arg5[%parallel_loop3A_140, %parallel_loop3A_141] {strides = array<i32>} : memref<2048x32xi32, #tpu.memory_space<vmem>>, vector<16xi32>,
        %parallel_loop3A_143 = arith.index_cast %parallel_loop3A_118 : i32 to index
        %parallel_loop3A_144 = arith.constant 16 : index
        %parallel_loop3A_145 = tpu.vector_load %arg5[%parallel_loop3A_143, %parallel_loop3A_144] {strides = array<i32>} : memref<2048x32xi32, #tpu.memory_space<vmem>>, vector<16xi32>,
        %parallel_loop3A_146 = vector.bitcast %parallel_loop3A_142 : vector<16xi32> to vector<32xbf16>
        %parallel_loop3A_147 = vector.bitcast %parallel_loop3A_145 : vector<16xi32> to vector<32xbf16>
        %parallel_loop3A_148 = arith.addf %parallel_loop3A_146, %parallel_loop3A_147 : vector<32xbf16>
        %parallel_loop3A_149 = tpu.unpack_subelements %parallel_loop3A_148, 0 {pack_format = #tpu.pack_format<interleaved>} : vector<32xbf16> -> vector<16xf32>
        %parallel_loop3A_150 = tpu.unpack_subelements %parallel_loop3A_148, 1 {pack_format = #tpu.pack_format<interleaved>} : vector<32xbf16> -> vector<16xf32>
        %parallel_loop3A_151 = arith.index_cast %parallel_loop3A_122 : i32 to index
        %parallel_loop3A_152 = arith.constant 32 : index
        %parallel_loop3A_153 = tpu.vector_load %arg7[%parallel_loop3A_151, %parallel_loop3A_152] {strides = array<i32>} : memref<512x64xf32, #tpu.memory_space<vmem>>, vector<16xf32>,
        tpu.vector_store %arg7[%parallel_loop3A_151, %parallel_loop3A_152], %parallel_loop3A_149 {strides = array<i32>} : memref<512x64xf32, #tpu.memory_space<vmem>>, vector<16xf32>,
        %parallel_loop3A_154 = arith.index_cast %parallel_loop3A_122 : i32 to index
        %parallel_loop3A_155 = arith.constant 48 : index
        %parallel_loop3A_156 = tpu.vector_load %arg7[%parallel_loop3A_154, %parallel_loop3A_155] {strides = array<i32>} : memref<512x64xf32, #tpu.memory_space<vmem>>, vector<16xf32>,
        tpu.vector_store %arg7[%parallel_loop3A_154, %parallel_loop3A_155], %parallel_loop3A_150 {strides = array<i32>} : memref<512x64xf32, #tpu.memory_space<vmem>>, vector<16xf32>,
        %parallel_loop3A_157 = vector.extract_strided_slice %parallel_loop3A_21 {offsets = [3], sizes = [1], strides = [1]} : vector<16xi32> to vector<1xi32>
        %parallel_loop3A_158 = vector.extract %parallel_loop3A_157[0] : i32 from vector<1xi32>
        %parallel_loop3A_159 = vector.extract_strided_slice %parallel_loop3A_30 {offsets = [3], sizes = [1], strides = [1]} : vector<16xi32> to vector<1xi32>
        %parallel_loop3A_160 = vector.extract %parallel_loop3A_159[0] : i32 from vector<1xi32>
        %parallel_loop3A_161 = arith.constant 16 : i32
        %parallel_loop3A_162 = arith.muli %parallel_loop3A_14, %parallel_loop3A_161 : i32
        %parallel_loop3A_163 = arith.constant 3 : i32
        %parallel_loop3A_164 = arith.addi %parallel_loop3A_162, %parallel_loop3A_163 : i32
        %parallel_loop3A_165 = arith.index_cast %parallel_loop3A_158 : i32 to index
        %parallel_loop3A_166 = arith.constant 0 : index
        %parallel_loop3A_167 = tpu.vector_load %arg5[%parallel_loop3A_165, %parallel_loop3A_166] {strides = array<i32>} : memref<2048x32xi32, #tpu.memory_space<vmem>>, vector<16xi32>,
        %parallel_loop3A_168 = arith.index_cast %parallel_loop3A_160 : i32 to index
        %parallel_loop3A_169 = arith.constant 0 : index
        %parallel_loop3A_170 = tpu.vector_load %arg5[%parallel_loop3A_168, %parallel_loop3A_169] {strides = array<i32>} : memref<2048x32xi32, #tpu.memory_space<vmem>>, vector<16xi32>,
        %parallel_loop3A_171 = vector.bitcast %parallel_loop3A_167 : vector<16xi32> to vector<32xbf16>
        %parallel_loop3A_172 = vector.bitcast %parallel_loop3A_170 : vector<16xi32> to vector<32xbf16>
        %parallel_loop3A_173 = arith.addf %parallel_loop3A_171, %parallel_loop3A_172 : vector<32xbf16>
        %parallel_loop3A_174 = tpu.unpack_subelements %parallel_loop3A_173, 0 {pack_format = #tpu.pack_format<interleaved>} : vector<32xbf16> -> vector<16xf32>
        %parallel_loop3A_175 = tpu.unpack_subelements %parallel_loop3A_173, 1 {pack_format = #tpu.pack_format<interleaved>} : vector<32xbf16> -> vector<16xf32>
        %parallel_loop3A_176 = arith.index_cast %parallel_loop3A_164 : i32 to index
        %parallel_loop3A_177 = arith.constant 0 : index
        %parallel_loop3A_178 = tpu.vector_load %arg7[%parallel_loop3A_176, %parallel_loop3A_177] {strides = array<i32>} : memref<512x64xf32, #tpu.memory_space<vmem>>, vector<16xf32>,
        tpu.vector_store %arg7[%parallel_loop3A_176, %parallel_loop3A_177], %parallel_loop3A_174 {strides = array<i32>} : memref<512x64xf32, #tpu.memory_space<vmem>>, vector<16xf32>,
        %parallel_loop3A_179 = arith.index_cast %parallel_loop3A_164 : i32 to index
        %parallel_loop3A_180 = arith.constant 16 : index
        %parallel_loop3A_181 = tpu.vector_load %arg7[%parallel_loop3A_179, %parallel_loop3A_180] {strides = array<i32>} : memref<512x64xf32, #tpu.memory_space<vmem>>, vector<16xf32>,
        tpu.vector_store %arg7[%parallel_loop3A_179, %parallel_loop3A_180], %parallel_loop3A_175 {strides = array<i32>} : memref<512x64xf32, #tpu.memory_space<vmem>>, vector<16xf32>,
        %parallel_loop3A_182 = arith.index_cast %parallel_loop3A_158 : i32 to index
        %parallel_loop3A_183 = arith.constant 16 : index
        %parallel_loop3A_184 = tpu.vector_load %arg5[%parallel_loop3A_182, %parallel_loop3A_183] {strides = array<i32>} : memref<2048x32xi32, #tpu.memory_space<vmem>>, vector<16xi32>,
        %parallel_loop3A_185 = arith.index_cast %parallel_loop3A_160 : i32 to index
        %parallel_loop3A_186 = arith.constant 16 : index
        %parallel_loop3A_187 = tpu.vector_load %arg5[%parallel_loop3A_185, %parallel_loop3A_186] {strides = array<i32>} : memref<2048x32xi32, #tpu.memory_space<vmem>>, vector<16xi32>,
        %parallel_loop3A_188 = vector.bitcast %parallel_loop3A_184 : vector<16xi32> to vector<32xbf16>
        %parallel_loop3A_189 = vector.bitcast %parallel_loop3A_187 : vector<16xi32> to vector<32xbf16>
        %parallel_loop3A_190 = arith.addf %parallel_loop3A_188, %parallel_loop3A_189 : vector<32xbf16>
        %parallel_loop3A_191 = tpu.unpack_subelements %parallel_loop3A_190, 0 {pack_format = #tpu.pack_format<interleaved>} : vector<32xbf16> -> vector<16xf32>
        %parallel_loop3A_192 = tpu.unpack_subelements %parallel_loop3A_190, 1 {pack_format = #tpu.pack_format<interleaved>} : vector<32xbf16> -> vector<16xf32>
        %parallel_loop3A_193 = arith.index_cast %parallel_loop3A_164 : i32 to index
        %parallel_loop3A_194 = arith.constant 32 : index
        %parallel_loop3A_195 = tpu.vector_load %arg7[%parallel_loop3A_193, %parallel_loop3A_194] {strides = array<i32>} : memref<512x64xf32, #tpu.memory_space<vmem>>, vector<16xf32>,
        tpu.vector_store %arg7[%parallel_loop3A_193, %parallel_loop3A_194], %parallel_loop3A_191 {strides = array<i32>} : memref<512x64xf32, #tpu.memory_space<vmem>>, vector<16xf32>,
        %parallel_loop3A_196 = arith.index_cast %parallel_loop3A_164 : i32 to index
        %parallel_loop3A_197 = arith.constant 48 : index
        %parallel_loop3A_198 = tpu.vector_load %arg7[%parallel_loop3A_196, %parallel_loop3A_197] {strides = array<i32>} : memref<512x64xf32, #tpu.memory_space<vmem>>, vector<16xf32>,
        tpu.vector_store %arg7[%parallel_loop3A_196, %parallel_loop3A_197], %parallel_loop3A_192 {strides = array<i32>} : memref<512x64xf32, #tpu.memory_space<vmem>>, vector<16xf32>,
        %parallel_loop3A_199 = vector.extract_strided_slice %parallel_loop3A_21 {offsets = [4], sizes = [1], strides = [1]} : vector<16xi32> to vector<1xi32>
        %parallel_loop3A_200 = vector.extract %parallel_loop3A_199[0] : i32 from vector<1xi32>
        %parallel_loop3A_201 = vector.extract_strided_slice %parallel_loop3A_30 {offsets = [4], sizes = [1], strides = [1]} : vector<16xi32> to vector<1xi32>
        %parallel_loop3A_202 = vector.extract %parallel_loop3A_201[0] : i32 from vector<1xi32>
        %parallel_loop3A_203 = arith.constant 16 : i32
        %parallel_loop3A_204 = arith.muli %parallel_loop3A_14, %parallel_loop3A_203 : i32
        %parallel_loop3A_205 = arith.constant 4 : i32
        %parallel_loop3A_206 = arith.addi %parallel_loop3A_204, %parallel_loop3A_205 : i32
        %parallel_loop3A_207 = arith.index_cast %parallel_loop3A_200 : i32 to index
        %parallel_loop3A_208 = arith.constant 0 : index
        %parallel_loop3A_209 = tpu.vector_load %arg5[%parallel_loop3A_207, %parallel_loop3A_208] {strides = array<i32>} : memref<2048x32xi32, #tpu.memory_space<vmem>>, vector<16xi32>,
        %parallel_loop3A_210 = arith.index_cast %parallel_loop3A_202 : i32 to index
        %parallel_loop3A_211 = arith.constant 0 : index
        %parallel_loop3A_212 = tpu.vector_load %arg5[%parallel_loop3A_210, %parallel_loop3A_211] {strides = array<i32>} : memref<2048x32xi32, #tpu.memory_space<vmem>>, vector<16xi32>,
        %parallel_loop3A_213 = vector.bitcast %parallel_loop3A_209 : vector<16xi32> to vector<32xbf16>
        %parallel_loop3A_214 = vector.bitcast %parallel_loop3A_212 : vector<16xi32> to vector<32xbf16>
        %parallel_loop3A_215 = arith.addf %parallel_loop3A_213, %parallel_loop3A_214 : vector<32xbf16>
        %parallel_loop3A_216 = tpu.unpack_subelements %parallel_loop3A_215, 0 {pack_format = #tpu.pack_format<interleaved>} : vector<32xbf16> -> vector<16xf32>
        %parallel_loop3A_217 = tpu.unpack_subelements %parallel_loop3A_215, 1 {pack_format = #tpu.pack_format<interleaved>} : vector<32xbf16> -> vector<16xf32>
        %parallel_loop3A_218 = arith.index_cast %parallel_loop3A_206 : i32 to index
        %parallel_loop3A_219 = arith.constant 0 : index
        %parallel_loop3A_220 = tpu.vector_load %arg7[%parallel_loop3A_218, %parallel_loop3A_219] {strides = array<i32>} : memref<512x64xf32, #tpu.memory_space<vmem>>, vector<16xf32>,
        tpu.vector_store %arg7[%parallel_loop3A_218, %parallel_loop3A_219], %parallel_loop3A_216 {strides = array<i32>} : memref<512x64xf32, #tpu.memory_space<vmem>>, vector<16xf32>,
        %parallel_loop3A_221 = arith.index_cast %parallel_loop3A_206 : i32 to index
        %parallel_loop3A_222 = arith.constant 16 : index
        %parallel_loop3A_223 = tpu.vector_load %arg7[%parallel_loop3A_221, %parallel_loop3A_222] {strides = array<i32>} : memref<512x64xf32, #tpu.memory_space<vmem>>, vector<16xf32>,
        tpu.vector_store %arg7[%parallel_loop3A_221, %parallel_loop3A_222], %parallel_loop3A_217 {strides = array<i32>} : memref<512x64xf32, #tpu.memory_space<vmem>>, vector<16xf32>,
        %parallel_loop3A_224 = arith.index_cast %parallel_loop3A_200 : i32 to index
        %parallel_loop3A_225 = arith.constant 16 : index
        %parallel_loop3A_226 = tpu.vector_load %arg5[%parallel_loop3A_224, %parallel_loop3A_225] {strides = array<i32>} : memref<2048x32xi32, #tpu.memory_space<vmem>>, vector<16xi32>,
        %parallel_loop3A_227 = arith.index_cast %parallel_loop3A_202 : i32 to index
        %parallel_loop3A_228 = arith.constant 16 : index
        %parallel_loop3A_229 = tpu.vector_load %arg5[%parallel_loop3A_227, %parallel_loop3A_228] {strides = array<i32>} : memref<2048x32xi32, #tpu.memory_space<vmem>>, vector<16xi32>,
        %parallel_loop3A_230 = vector.bitcast %parallel_loop3A_226 : vector<16xi32> to vector<32xbf16>
        %parallel_loop3A_231 = vector.bitcast %parallel_loop3A_229 : vector<16xi32> to vector<32xbf16>
        %parallel_loop3A_232 = arith.addf %parallel_loop3A_230, %parallel_loop3A_231 : vector<32xbf16>
        %parallel_loop3A_233 = tpu.unpack_subelements %parallel_loop3A_232, 0 {pack_format = #tpu.pack_format<interleaved>} : vector<32xbf16> -> vector<16xf32>
        %parallel_loop3A_234 = tpu.unpack_subelements %parallel_loop3A_232, 1 {pack_format = #tpu.pack_format<interleaved>} : vector<32xbf16> -> vector<16xf32>
        %parallel_loop3A_235 = arith.index_cast %parallel_loop3A_206 : i32 to index
        %parallel_loop3A_236 = arith.constant 32 : index
        %parallel_loop3A_237 = tpu.vector_load %arg7[%parallel_loop3A_235, %parallel_loop3A_236] {strides = array<i32>} : memref<512x64xf32, #tpu.memory_space<vmem>>, vector<16xf32>,
        tpu.vector_store %arg7[%parallel_loop3A_235, %parallel_loop3A_236], %parallel_loop3A_233 {strides = array<i32>} : memref<512x64xf32, #tpu.memory_space<vmem>>, vector<16xf32>,
        %parallel_loop3A_238 = arith.index_cast %parallel_loop3A_206 : i32 to index
        %parallel_loop3A_239 = arith.constant 48 : index
        %parallel_loop3A_240 = tpu.vector_load %arg7[%parallel_loop3A_238, %parallel_loop3A_239] {strides = array<i32>} : memref<512x64xf32, #tpu.memory_space<vmem>>, vector<16xf32>,
        tpu.vector_store %arg7[%parallel_loop3A_238, %parallel_loop3A_239], %parallel_loop3A_234 {strides = array<i32>} : memref<512x64xf32, #tpu.memory_space<vmem>>, vector<16xf32>,
        %parallel_loop3A_241 = vector.extract_strided_slice %parallel_loop3A_21 {offsets = [5], sizes = [1], strides = [1]} : vector<16xi32> to vector<1xi32>
        %parallel_loop3A_242 = vector.extract %parallel_loop3A_241[0] : i32 from vector<1xi32>
        %parallel_loop3A_243 = vector.extract_strided_slice %parallel_loop3A_30 {offsets = [5], sizes = [1], strides = [1]} : vector<16xi32> to vector<1xi32>
        %parallel_loop3A_244 = vector.extract %parallel_loop3A_243[0] : i32 from vector<1xi32>
        %parallel_loop3A_245 = arith.constant 16 : i32
        %parallel_loop3A_246 = arith.muli %parallel_loop3A_14, %parallel_loop3A_245 : i32
        %parallel_loop3A_247 = arith.constant 5 : i32
        %parallel_loop3A_248 = arith.addi %parallel_loop3A_246, %parallel_loop3A_247 : i32
        %parallel_loop3A_249 = arith.index_cast %parallel_loop3A_242 : i32 to index
        %parallel_loop3A_250 = arith.constant 0 : index
        %parallel_loop3A_251 = tpu.vector_load %arg5[%parallel_loop3A_249, %parallel_loop3A_250] {strides = array<i32>} : memref<2048x32xi32, #tpu.memory_space<vmem>>, vector<16xi32>,
        %parallel_loop3A_252 = arith.index_cast %parallel_loop3A_244 : i32 to index
        %parallel_loop3A_253 = arith.constant 0 : index
        %parallel_loop3A_254 = tpu.vector_load %arg5[%parallel_loop3A_252, %parallel_loop3A_253] {strides = array<i32>} : memref<2048x32xi32, #tpu.memory_space<vmem>>, vector<16xi32>,
        %parallel_loop3A_255 = vector.bitcast %parallel_loop3A_251 : vector<16xi32> to vector<32xbf16>
        %parallel_loop3A_256 = vector.bitcast %parallel_loop3A_254 : vector<16xi32> to vector<32xbf16>
        %parallel_loop3A_257 = arith.addf %parallel_loop3A_255, %parallel_loop3A_256 : vector<32xbf16>
        %parallel_loop3A_258 = tpu.unpack_subelements %parallel_loop3A_257, 0 {pack_format = #tpu.pack_format<interleaved>} : vector<32xbf16> -> vector<16xf32>
        %parallel_loop3A_259 = tpu.unpack_subelements %parallel_loop3A_257, 1 {pack_format = #tpu.pack_format<interleaved>} : vector<32xbf16> -> vector<16xf32>
        %parallel_loop3A_260 = arith.index_cast %parallel_loop3A_248 : i32 to index
        %parallel_loop3A_261 = arith.constant 0 : index
        %parallel_loop3A_262 = tpu.vector_load %arg7[%parallel_loop3A_260, %parallel_loop3A_261] {strides = array<i32>} : memref<512x64xf32, #tpu.memory_space<vmem>>, vector<16xf32>,
        tpu.vector_store %arg7[%parallel_loop3A_260, %parallel_loop3A_261], %parallel_loop3A_258 {strides = array<i32>} : memref<512x64xf32, #tpu.memory_space<vmem>>, vector<16xf32>,
        %parallel_loop3A_263 = arith.index_cast %parallel_loop3A_248 : i32 to index
        %parallel_loop3A_264 = arith.constant 16 : index
        %parallel_loop3A_265 = tpu.vector_load %arg7[%parallel_loop3A_263, %parallel_loop3A_264] {strides = array<i32>} : memref<512x64xf32, #tpu.memory_space<vmem>>, vector<16xf32>,
        tpu.vector_store %arg7[%parallel_loop3A_263, %parallel_loop3A_264], %parallel_loop3A_259 {strides = array<i32>} : memref<512x64xf32, #tpu.memory_space<vmem>>, vector<16xf32>,
        %parallel_loop3A_266 = arith.index_cast %parallel_loop3A_242 : i32 to index
        %parallel_loop3A_267 = arith.constant 16 : index
        %parallel_loop3A_268 = tpu.vector_load %arg5[%parallel_loop3A_266, %parallel_loop3A_267] {strides = array<i32>} : memref<2048x32xi32, #tpu.memory_space<vmem>>, vector<16xi32>,
        %parallel_loop3A_269 = arith.index_cast %parallel_loop3A_244 : i32 to index
        %parallel_loop3A_270 = arith.constant 16 : index
        %parallel_loop3A_271 = tpu.vector_load %arg5[%parallel_loop3A_269, %parallel_loop3A_270] {strides = array<i32>} : memref<2048x32xi32, #tpu.memory_space<vmem>>, vector<16xi32>,
        %parallel_loop3A_272 = vector.bitcast %parallel_loop3A_268 : vector<16xi32> to vector<32xbf16>
        %parallel_loop3A_273 = vector.bitcast %parallel_loop3A_271 : vector<16xi32> to vector<32xbf16>
        %parallel_loop3A_274 = arith.addf %parallel_loop3A_272, %parallel_loop3A_273 : vector<32xbf16>
        %parallel_loop3A_275 = tpu.unpack_subelements %parallel_loop3A_274, 0 {pack_format = #tpu.pack_format<interleaved>} : vector<32xbf16> -> vector<16xf32>
        %parallel_loop3A_276 = tpu.unpack_subelements %parallel_loop3A_274, 1 {pack_format = #tpu.pack_format<interleaved>} : vector<32xbf16> -> vector<16xf32>
        %parallel_loop3A_277 = arith.index_cast %parallel_loop3A_248 : i32 to index
        %parallel_loop3A_278 = arith.constant 32 : index
        %parallel_loop3A_279 = tpu.vector_load %arg7[%parallel_loop3A_277, %parallel_loop3A_278] {strides = array<i32>} : memref<512x64xf32, #tpu.memory_space<vmem>>, vector<16xf32>,
        tpu.vector_store %arg7[%parallel_loop3A_277, %parallel_loop3A_278], %parallel_loop3A_275 {strides = array<i32>} : memref<512x64xf32, #tpu.memory_space<vmem>>, vector<16xf32>,
        %parallel_loop3A_280 = arith.index_cast %parallel_loop3A_248 : i32 to index
        %parallel_loop3A_281 = arith.constant 48 : index
        %parallel_loop3A_282 = tpu.vector_load %arg7[%parallel_loop3A_280, %parallel_loop3A_281] {strides = array<i32>} : memref<512x64xf32, #tpu.memory_space<vmem>>, vector<16xf32>,
        tpu.vector_store %arg7[%parallel_loop3A_280, %parallel_loop3A_281], %parallel_loop3A_276 {strides = array<i32>} : memref<512x64xf32, #tpu.memory_space<vmem>>, vector<16xf32>,
        %parallel_loop3A_283 = vector.extract_strided_slice %parallel_loop3A_21 {offsets = [6], sizes = [1], strides = [1]} : vector<16xi32> to vector<1xi32>
        %parallel_loop3A_284 = vector.extract %parallel_loop3A_283[0] : i32 from vector<1xi32>
        %parallel_loop3A_285 = vector.extract_strided_slice %parallel_loop3A_30 {offsets = [6], sizes = [1], strides = [1]} : vector<16xi32> to vector<1xi32>
        %parallel_loop3A_286 = vector.extract %parallel_loop3A_285[0] : i32 from vector<1xi32>
        %parallel_loop3A_287 = arith.constant 16 : i32
        %parallel_loop3A_288 = arith.muli %parallel_loop3A_14, %parallel_loop3A_287 : i32
        %parallel_loop3A_289 = arith.constant 6 : i32
        %parallel_loop3A_290 = arith.addi %parallel_loop3A_288, %parallel_loop3A_289 : i32
        %parallel_loop3A_291 = arith.index_cast %parallel_loop3A_284 : i32 to index
        %parallel_loop3A_292 = arith.constant 0 : index
        %parallel_loop3A_293 = tpu.vector_load %arg5[%parallel_loop3A_291, %parallel_loop3A_292] {strides = array<i32>} : memref<2048x32xi32, #tpu.memory_space<vmem>>, vector<16xi32>,
        %parallel_loop3A_294 = arith.index_cast %parallel_loop3A_286 : i32 to index
        %parallel_loop3A_295 = arith.constant 0 : index
        %parallel_loop3A_296 = tpu.vector_load %arg5[%parallel_loop3A_294, %parallel_loop3A_295] {strides = array<i32>} : memref<2048x32xi32, #tpu.memory_space<vmem>>, vector<16xi32>,
        %parallel_loop3A_297 = vector.bitcast %parallel_loop3A_293 : vector<16xi32> to vector<32xbf16>
        %parallel_loop3A_298 = vector.bitcast %parallel_loop3A_296 : vector<16xi32> to vector<32xbf16>
        %parallel_loop3A_299 = arith.addf %parallel_loop3A_297, %parallel_loop3A_298 : vector<32xbf16>
        %parallel_loop3A_300 = tpu.unpack_subelements %parallel_loop3A_299, 0 {pack_format = #tpu.pack_format<interleaved>} : vector<32xbf16> -> vector<16xf32>
        %parallel_loop3A_301 = tpu.unpack_subelements %parallel_loop3A_299, 1 {pack_format = #tpu.pack_format<interleaved>} : vector<32xbf16> -> vector<16xf32>
        %parallel_loop3A_302 = arith.index_cast %parallel_loop3A_290 : i32 to index
        %parallel_loop3A_303 = arith.constant 0 : index
        %parallel_loop3A_304 = tpu.vector_load %arg7[%parallel_loop3A_302, %parallel_loop3A_303] {strides = array<i32>} : memref<512x64xf32, #tpu.memory_space<vmem>>, vector<16xf32>,
        tpu.vector_store %arg7[%parallel_loop3A_302, %parallel_loop3A_303], %parallel_loop3A_300 {strides = array<i32>} : memref<512x64xf32, #tpu.memory_space<vmem>>, vector<16xf32>,
        %parallel_loop3A_305 = arith.index_cast %parallel_loop3A_290 : i32 to index
        %parallel_loop3A_306 = arith.constant 16 : index
        %parallel_loop3A_307 = tpu.vector_load %arg7[%parallel_loop3A_305, %parallel_loop3A_306] {strides = array<i32>} : memref<512x64xf32, #tpu.memory_space<vmem>>, vector<16xf32>,
        tpu.vector_store %arg7[%parallel_loop3A_305, %parallel_loop3A_306], %parallel_loop3A_301 {strides = array<i32>} : memref<512x64xf32, #tpu.memory_space<vmem>>, vector<16xf32>,
        %parallel_loop3A_308 = arith.index_cast %parallel_loop3A_284 : i32 to index
        %parallel_loop3A_309 = arith.constant 16 : index
        %parallel_loop3A_310 = tpu.vector_load %arg5[%parallel_loop3A_308, %parallel_loop3A_309] {strides = array<i32>} : memref<2048x32xi32, #tpu.memory_space<vmem>>, vector<16xi32>,
        %parallel_loop3A_311 = arith.index_cast %parallel_loop3A_286 : i32 to index
        %parallel_loop3A_312 = arith.constant 16 : index
        %parallel_loop3A_313 = tpu.vector_load %arg5[%parallel_loop3A_311, %parallel_loop3A_312] {strides = array<i32>} : memref<2048x32xi32, #tpu.memory_space<vmem>>, vector<16xi32>,
        %parallel_loop3A_314 = vector.bitcast %parallel_loop3A_310 : vector<16xi32> to vector<32xbf16>
        %parallel_loop3A_315 = vector.bitcast %parallel_loop3A_313 : vector<16xi32> to vector<32xbf16>
        %parallel_loop3A_316 = arith.addf %parallel_loop3A_314, %parallel_loop3A_315 : vector<32xbf16>
        %parallel_loop3A_317 = tpu.unpack_subelements %parallel_loop3A_316, 0 {pack_format = #tpu.pack_format<interleaved>} : vector<32xbf16> -> vector<16xf32>
        %parallel_loop3A_318 = tpu.unpack_subelements %parallel_loop3A_316, 1 {pack_format = #tpu.pack_format<interleaved>} : vector<32xbf16> -> vector<16xf32>
        %parallel_loop3A_319 = arith.index_cast %parallel_loop3A_290 : i32 to index
        %parallel_loop3A_320 = arith.constant 32 : index
        %parallel_loop3A_321 = tpu.vector_load %arg7[%parallel_loop3A_319, %parallel_loop3A_320] {strides = array<i32>} : memref<512x64xf32, #tpu.memory_space<vmem>>, vector<16xf32>,
        tpu.vector_store %arg7[%parallel_loop3A_319, %parallel_loop3A_320], %parallel_loop3A_317 {strides = array<i32>} : memref<512x64xf32, #tpu.memory_space<vmem>>, vector<16xf32>,
        %parallel_loop3A_322 = arith.index_cast %parallel_loop3A_290 : i32 to index
        %parallel_loop3A_323 = arith.constant 48 : index
        %parallel_loop3A_324 = tpu.vector_load %arg7[%parallel_loop3A_322, %parallel_loop3A_323] {strides = array<i32>} : memref<512x64xf32, #tpu.memory_space<vmem>>, vector<16xf32>,
        tpu.vector_store %arg7[%parallel_loop3A_322, %parallel_loop3A_323], %parallel_loop3A_318 {strides = array<i32>} : memref<512x64xf32, #tpu.memory_space<vmem>>, vector<16xf32>,
        %parallel_loop3A_325 = vector.extract_strided_slice %parallel_loop3A_21 {offsets = [7], sizes = [1], strides = [1]} : vector<16xi32> to vector<1xi32>
        %parallel_loop3A_326 = vector.extract %parallel_loop3A_325[0] : i32 from vector<1xi32>
        %parallel_loop3A_327 = vector.extract_strided_slice %parallel_loop3A_30 {offsets = [7], sizes = [1], strides = [1]} : vector<16xi32> to vector<1xi32>
        %parallel_loop3A_328 = vector.extract %parallel_loop3A_327[0] : i32 from vector<1xi32>
        %parallel_loop3A_329 = arith.constant 16 : i32
        %parallel_loop3A_330 = arith.muli %parallel_loop3A_14, %parallel_loop3A_329 : i32
        %parallel_loop3A_331 = arith.constant 7 : i32
        %parallel_loop3A_332 = arith.addi %parallel_loop3A_330, %parallel_loop3A_331 : i32
        %parallel_loop3A_333 = arith.index_cast %parallel_loop3A_326 : i32 to index
        %parallel_loop3A_334 = arith.constant 0 : index
        %parallel_loop3A_335 = tpu.vector_load %arg5[%parallel_loop3A_333, %parallel_loop3A_334] {strides = array<i32>} : memref<2048x32xi32, #tpu.memory_space<vmem>>, vector<16xi32>,
        %parallel_loop3A_336 = arith.index_cast %parallel_loop3A_328 : i32 to index
        %parallel_loop3A_337 = arith.constant 0 : index
        %parallel_loop3A_338 = tpu.vector_load %arg5[%parallel_loop3A_336, %parallel_loop3A_337] {strides = array<i32>} : memref<2048x32xi32, #tpu.memory_space<vmem>>, vector<16xi32>,
        %parallel_loop3A_339 = vector.bitcast %parallel_loop3A_335 : vector<16xi32> to vector<32xbf16>
        %parallel_loop3A_340 = vector.bitcast %parallel_loop3A_338 : vector<16xi32> to vector<32xbf16>
        %parallel_loop3A_341 = arith.addf %parallel_loop3A_339, %parallel_loop3A_340 : vector<32xbf16>
        %parallel_loop3A_342 = tpu.unpack_subelements %parallel_loop3A_341, 0 {pack_format = #tpu.pack_format<interleaved>} : vector<32xbf16> -> vector<16xf32>
        %parallel_loop3A_343 = tpu.unpack_subelements %parallel_loop3A_341, 1 {pack_format = #tpu.pack_format<interleaved>} : vector<32xbf16> -> vector<16xf32>
        %parallel_loop3A_344 = arith.index_cast %parallel_loop3A_332 : i32 to index
        %parallel_loop3A_345 = arith.constant 0 : index
        %parallel_loop3A_346 = tpu.vector_load %arg7[%parallel_loop3A_344, %parallel_loop3A_345] {strides = array<i32>} : memref<512x64xf32, #tpu.memory_space<vmem>>, vector<16xf32>,
        tpu.vector_store %arg7[%parallel_loop3A_344, %parallel_loop3A_345], %parallel_loop3A_342 {strides = array<i32>} : memref<512x64xf32, #tpu.memory_space<vmem>>, vector<16xf32>,
        %parallel_loop3A_347 = arith.index_cast %parallel_loop3A_332 : i32 to index
        %parallel_loop3A_348 = arith.constant 16 : index
        %parallel_loop3A_349 = tpu.vector_load %arg7[%parallel_loop3A_347, %parallel_loop3A_348] {strides = array<i32>} : memref<512x64xf32, #tpu.memory_space<vmem>>, vector<16xf32>,
        tpu.vector_store %arg7[%parallel_loop3A_347, %parallel_loop3A_348], %parallel_loop3A_343 {strides = array<i32>} : memref<512x64xf32, #tpu.memory_space<vmem>>, vector<16xf32>,
        %parallel_loop3A_350 = arith.index_cast %parallel_loop3A_326 : i32 to index
        %parallel_loop3A_351 = arith.constant 16 : index
        %parallel_loop3A_352 = tpu.vector_load %arg5[%parallel_loop3A_350, %parallel_loop3A_351] {strides = array<i32>} : memref<2048x32xi32, #tpu.memory_space<vmem>>, vector<16xi32>,
        %parallel_loop3A_353 = arith.index_cast %parallel_loop3A_328 : i32 to index
        %parallel_loop3A_354 = arith.constant 16 : index
        %parallel_loop3A_355 = tpu.vector_load %arg5[%parallel_loop3A_353, %parallel_loop3A_354] {strides = array<i32>} : memref<2048x32xi32, #tpu.memory_space<vmem>>, vector<16xi32>,
        %parallel_loop3A_356 = vector.bitcast %parallel_loop3A_352 : vector<16xi32> to vector<32xbf16>
        %parallel_loop3A_357 = vector.bitcast %parallel_loop3A_355 : vector<16xi32> to vector<32xbf16>
        %parallel_loop3A_358 = arith.addf %parallel_loop3A_356, %parallel_loop3A_357 : vector<32xbf16>
        %parallel_loop3A_359 = tpu.unpack_subelements %parallel_loop3A_358, 0 {pack_format = #tpu.pack_format<interleaved>} : vector<32xbf16> -> vector<16xf32>
        %parallel_loop3A_360 = tpu.unpack_subelements %parallel_loop3A_358, 1 {pack_format = #tpu.pack_format<interleaved>} : vector<32xbf16> -> vector<16xf32>
        %parallel_loop3A_361 = arith.index_cast %parallel_loop3A_332 : i32 to index
        %parallel_loop3A_362 = arith.constant 32 : index
        %parallel_loop3A_363 = tpu.vector_load %arg7[%parallel_loop3A_361, %parallel_loop3A_362] {strides = array<i32>} : memref<512x64xf32, #tpu.memory_space<vmem>>, vector<16xf32>,
        tpu.vector_store %arg7[%parallel_loop3A_361, %parallel_loop3A_362], %parallel_loop3A_359 {strides = array<i32>} : memref<512x64xf32, #tpu.memory_space<vmem>>, vector<16xf32>,
        %parallel_loop3A_364 = arith.index_cast %parallel_loop3A_332 : i32 to index
        %parallel_loop3A_365 = arith.constant 48 : index
        %parallel_loop3A_366 = tpu.vector_load %arg7[%parallel_loop3A_364, %parallel_loop3A_365] {strides = array<i32>} : memref<512x64xf32, #tpu.memory_space<vmem>>, vector<16xf32>,
        tpu.vector_store %arg7[%parallel_loop3A_364, %parallel_loop3A_365], %parallel_loop3A_360 {strides = array<i32>} : memref<512x64xf32, #tpu.memory_space<vmem>>, vector<16xf32>,
        %parallel_loop3A_367 = vector.extract_strided_slice %parallel_loop3A_21 {offsets = [8], sizes = [1], strides = [1]} : vector<16xi32> to vector<1xi32>
        %parallel_loop3A_368 = vector.extract %parallel_loop3A_367[0] : i32 from vector<1xi32>
        %parallel_loop3A_369 = vector.extract_strided_slice %parallel_loop3A_30 {offsets = [8], sizes = [1], strides = [1]} : vector<16xi32> to vector<1xi32>
        %parallel_loop3A_370 = vector.extract %parallel_loop3A_369[0] : i32 from vector<1xi32>
        %parallel_loop3A_371 = arith.constant 16 : i32
        %parallel_loop3A_372 = arith.muli %parallel_loop3A_14, %parallel_loop3A_371 : i32
        %parallel_loop3A_373 = arith.constant 8 : i32
        %parallel_loop3A_374 = arith.addi %parallel_loop3A_372, %parallel_loop3A_373 : i32
        %parallel_loop3A_375 = arith.index_cast %parallel_loop3A_368 : i32 to index
        %parallel_loop3A_376 = arith.constant 0 : index
        %parallel_loop3A_377 = tpu.vector_load %arg5[%parallel_loop3A_375, %parallel_loop3A_376] {strides = array<i32>} : memref<2048x32xi32, #tpu.memory_space<vmem>>, vector<16xi32>,
        %parallel_loop3A_378 = arith.index_cast %parallel_loop3A_370 : i32 to index
        %parallel_loop3A_379 = arith.constant 0 : index
        %parallel_loop3A_380 = tpu.vector_load %arg5[%parallel_loop3A_378, %parallel_loop3A_379] {strides = array<i32>} : memref<2048x32xi32, #tpu.memory_space<vmem>>, vector<16xi32>,
        %parallel_loop3A_381 = vector.bitcast %parallel_loop3A_377 : vector<16xi32> to vector<32xbf16>
        %parallel_loop3A_382 = vector.bitcast %parallel_loop3A_380 : vector<16xi32> to vector<32xbf16>
        %parallel_loop3A_383 = arith.addf %parallel_loop3A_381, %parallel_loop3A_382 : vector<32xbf16>
        %parallel_loop3A_384 = tpu.unpack_subelements %parallel_loop3A_383, 0 {pack_format = #tpu.pack_format<interleaved>} : vector<32xbf16> -> vector<16xf32>
        %parallel_loop3A_385 = tpu.unpack_subelements %parallel_loop3A_383, 1 {pack_format = #tpu.pack_format<interleaved>} : vector<32xbf16> -> vector<16xf32>
        %parallel_loop3A_386 = arith.index_cast %parallel_loop3A_374 : i32 to index
        %parallel_loop3A_387 = arith.constant 0 : index
        %parallel_loop3A_388 = tpu.vector_load %arg7[%parallel_loop3A_386, %parallel_loop3A_387] {strides = array<i32>} : memref<512x64xf32, #tpu.memory_space<vmem>>, vector<16xf32>,
        tpu.vector_store %arg7[%parallel_loop3A_386, %parallel_loop3A_387], %parallel_loop3A_384 {strides = array<i32>} : memref<512x64xf32, #tpu.memory_space<vmem>>, vector<16xf32>,
        %parallel_loop3A_389 = arith.index_cast %parallel_loop3A_374 : i32 to index
        %parallel_loop3A_390 = arith.constant 16 : index
        %parallel_loop3A_391 = tpu.vector_load %arg7[%parallel_loop3A_389, %parallel_loop3A_390] {strides = array<i32>} : memref<512x64xf32, #tpu.memory_space<vmem>>, vector<16xf32>,
        tpu.vector_store %arg7[%parallel_loop3A_389, %parallel_loop3A_390], %parallel_loop3A_385 {strides = array<i32>} : memref<512x64xf32, #tpu.memory_space<vmem>>, vector<16xf32>,
        %parallel_loop3A_392 = arith.index_cast %parallel_loop3A_368 : i32 to index
        %parallel_loop3A_393 = arith.constant 16 : index
        %parallel_loop3A_394 = tpu.vector_load %arg5[%parallel_loop3A_392, %parallel_loop3A_393] {strides = array<i32>} : memref<2048x32xi32, #tpu.memory_space<vmem>>, vector<16xi32>,
        %parallel_loop3A_395 = arith.index_cast %parallel_loop3A_370 : i32 to index
        %parallel_loop3A_396 = arith.constant 16 : index
        %parallel_loop3A_397 = tpu.vector_load %arg5[%parallel_loop3A_395, %parallel_loop3A_396] {strides = array<i32>} : memref<2048x32xi32, #tpu.memory_space<vmem>>, vector<16xi32>,
        %parallel_loop3A_398 = vector.bitcast %parallel_loop3A_394 : vector<16xi32> to vector<32xbf16>
        %parallel_loop3A_399 = vector.bitcast %parallel_loop3A_397 : vector<16xi32> to vector<32xbf16>
        %parallel_loop3A_400 = arith.addf %parallel_loop3A_398, %parallel_loop3A_399 : vector<32xbf16>
        %parallel_loop3A_401 = tpu.unpack_subelements %parallel_loop3A_400, 0 {pack_format = #tpu.pack_format<interleaved>} : vector<32xbf16> -> vector<16xf32>
        %parallel_loop3A_402 = tpu.unpack_subelements %parallel_loop3A_400, 1 {pack_format = #tpu.pack_format<interleaved>} : vector<32xbf16> -> vector<16xf32>
        %parallel_loop3A_403 = arith.index_cast %parallel_loop3A_374 : i32 to index
        %parallel_loop3A_404 = arith.constant 32 : index
        %parallel_loop3A_405 = tpu.vector_load %arg7[%parallel_loop3A_403, %parallel_loop3A_404] {strides = array<i32>} : memref<512x64xf32, #tpu.memory_space<vmem>>, vector<16xf32>,
        tpu.vector_store %arg7[%parallel_loop3A_403, %parallel_loop3A_404], %parallel_loop3A_401 {strides = array<i32>} : memref<512x64xf32, #tpu.memory_space<vmem>>, vector<16xf32>,
        %parallel_loop3A_406 = arith.index_cast %parallel_loop3A_374 : i32 to index
        %parallel_loop3A_407 = arith.constant 48 : index
        %parallel_loop3A_408 = tpu.vector_load %arg7[%parallel_loop3A_406, %parallel_loop3A_407] {strides = array<i32>} : memref<512x64xf32, #tpu.memory_space<vmem>>, vector<16xf32>,
        tpu.vector_store %arg7[%parallel_loop3A_406, %parallel_loop3A_407], %parallel_loop3A_402 {strides = array<i32>} : memref<512x64xf32, #tpu.memory_space<vmem>>, vector<16xf32>,
        %parallel_loop3A_409 = vector.extract_strided_slice %parallel_loop3A_21 {offsets = [9], sizes = [1], strides = [1]} : vector<16xi32> to vector<1xi32>
        %parallel_loop3A_410 = vector.extract %parallel_loop3A_409[0] : i32 from vector<1xi32>
        %parallel_loop3A_411 = vector.extract_strided_slice %parallel_loop3A_30 {offsets = [9], sizes = [1], strides = [1]} : vector<16xi32> to vector<1xi32>
        %parallel_loop3A_412 = vector.extract %parallel_loop3A_411[0] : i32 from vector<1xi32>
        %parallel_loop3A_413 = arith.constant 16 : i32
        %parallel_loop3A_414 = arith.muli %parallel_loop3A_14, %parallel_loop3A_413 : i32
        %parallel_loop3A_415 = arith.constant 9 : i32
        %parallel_loop3A_416 = arith.addi %parallel_loop3A_414, %parallel_loop3A_415 : i32
        %parallel_loop3A_417 = arith.index_cast %parallel_loop3A_410 : i32 to index
        %parallel_loop3A_418 = arith.constant 0 : index
        %parallel_loop3A_419 = tpu.vector_load %arg5[%parallel_loop3A_417, %parallel_loop3A_418] {strides = array<i32>} : memref<2048x32xi32, #tpu.memory_space<vmem>>, vector<16xi32>,
        %parallel_loop3A_420 = arith.index_cast %parallel_loop3A_412 : i32 to index
        %parallel_loop3A_421 = arith.constant 0 : index
        %parallel_loop3A_422 = tpu.vector_load %arg5[%parallel_loop3A_420, %parallel_loop3A_421] {strides = array<i32>} : memref<2048x32xi32, #tpu.memory_space<vmem>>, vector<16xi32>,
        %parallel_loop3A_423 = vector.bitcast %parallel_loop3A_419 : vector<16xi32> to vector<32xbf16>
        %parallel_loop3A_424 = vector.bitcast %parallel_loop3A_422 : vector<16xi32> to vector<32xbf16>
        %parallel_loop3A_425 = arith.addf %parallel_loop3A_423, %parallel_loop3A_424 : vector<32xbf16>
        %parallel_loop3A_426 = tpu.unpack_subelements %parallel_loop3A_425, 0 {pack_format = #tpu.pack_format<interleaved>} : vector<32xbf16> -> vector<16xf32>
        %parallel_loop3A_427 = tpu.unpack_subelements %parallel_loop3A_425, 1 {pack_format = #tpu.pack_format<interleaved>} : vector<32xbf16> -> vector<16xf32>
        %parallel_loop3A_428 = arith.index_cast %parallel_loop3A_416 : i32 to index
        %parallel_loop3A_429 = arith.constant 0 : index
        %parallel_loop3A_430 = tpu.vector_load %arg7[%parallel_loop3A_428, %parallel_loop3A_429] {strides = array<i32>} : memref<512x64xf32, #tpu.memory_space<vmem>>, vector<16xf32>,
        tpu.vector_store %arg7[%parallel_loop3A_428, %parallel_loop3A_429], %parallel_loop3A_426 {strides = array<i32>} : memref<512x64xf32, #tpu.memory_space<vmem>>, vector<16xf32>,
        %parallel_loop3A_431 = arith.index_cast %parallel_loop3A_416 : i32 to index
        %parallel_loop3A_432 = arith.constant 16 : index
        %parallel_loop3A_433 = tpu.vector_load %arg7[%parallel_loop3A_431, %parallel_loop3A_432] {strides = array<i32>} : memref<512x64xf32, #tpu.memory_space<vmem>>, vector<16xf32>,
        tpu.vector_store %arg7[%parallel_loop3A_431, %parallel_loop3A_432], %parallel_loop3A_427 {strides = array<i32>} : memref<512x64xf32, #tpu.memory_space<vmem>>, vector<16xf32>,
        %parallel_loop3A_434 = arith.index_cast %parallel_loop3A_410 : i32 to index
        %parallel_loop3A_435 = arith.constant 16 : index
        %parallel_loop3A_436 = tpu.vector_load %arg5[%parallel_loop3A_434, %parallel_loop3A_435] {strides = array<i32>} : memref<2048x32xi32, #tpu.memory_space<vmem>>, vector<16xi32>,
        %parallel_loop3A_437 = arith.index_cast %parallel_loop3A_412 : i32 to index
        %parallel_loop3A_438 = arith.constant 16 : index
        %parallel_loop3A_439 = tpu.vector_load %arg5[%parallel_loop3A_437, %parallel_loop3A_438] {strides = array<i32>} : memref<2048x32xi32, #tpu.memory_space<vmem>>, vector<16xi32>,
        %parallel_loop3A_440 = vector.bitcast %parallel_loop3A_436 : vector<16xi32> to vector<32xbf16>
        %parallel_loop3A_441 = vector.bitcast %parallel_loop3A_439 : vector<16xi32> to vector<32xbf16>
        %parallel_loop3A_442 = arith.addf %parallel_loop3A_440, %parallel_loop3A_441 : vector<32xbf16>
        %parallel_loop3A_443 = tpu.unpack_subelements %parallel_loop3A_442, 0 {pack_format = #tpu.pack_format<interleaved>} : vector<32xbf16> -> vector<16xf32>
        %parallel_loop3A_444 = tpu.unpack_subelements %parallel_loop3A_442, 1 {pack_format = #tpu.pack_format<interleaved>} : vector<32xbf16> -> vector<16xf32>
        %parallel_loop3A_445 = arith.index_cast %parallel_loop3A_416 : i32 to index
        %parallel_loop3A_446 = arith.constant 32 : index
        %parallel_loop3A_447 = tpu.vector_load %arg7[%parallel_loop3A_445, %parallel_loop3A_446] {strides = array<i32>} : memref<512x64xf32, #tpu.memory_space<vmem>>, vector<16xf32>,
        tpu.vector_store %arg7[%parallel_loop3A_445, %parallel_loop3A_446], %parallel_loop3A_443 {strides = array<i32>} : memref<512x64xf32, #tpu.memory_space<vmem>>, vector<16xf32>,
        %parallel_loop3A_448 = arith.index_cast %parallel_loop3A_416 : i32 to index
        %parallel_loop3A_449 = arith.constant 48 : index
        %parallel_loop3A_450 = tpu.vector_load %arg7[%parallel_loop3A_448, %parallel_loop3A_449] {strides = array<i32>} : memref<512x64xf32, #tpu.memory_space<vmem>>, vector<16xf32>,
        tpu.vector_store %arg7[%parallel_loop3A_448, %parallel_loop3A_449], %parallel_loop3A_444 {strides = array<i32>} : memref<512x64xf32, #tpu.memory_space<vmem>>, vector<16xf32>,
        %parallel_loop3A_451 = vector.extract_strided_slice %parallel_loop3A_21 {offsets = [10], sizes = [1], strides = [1]} : vector<16xi32> to vector<1xi32>
        %parallel_loop3A_452 = vector.extract %parallel_loop3A_451[0] : i32 from vector<1xi32>
        %parallel_loop3A_453 = vector.extract_strided_slice %parallel_loop3A_30 {offsets = [10], sizes = [1], strides = [1]} : vector<16xi32> to vector<1xi32>
        %parallel_loop3A_454 = vector.extract %parallel_loop3A_453[0] : i32 from vector<1xi32>
        %parallel_loop3A_455 = arith.constant 16 : i32
        %parallel_loop3A_456 = arith.muli %parallel_loop3A_14, %parallel_loop3A_455 : i32
        %parallel_loop3A_457 = arith.constant 10 : i32
        %parallel_loop3A_458 = arith.addi %parallel_loop3A_456, %parallel_loop3A_457 : i32
        %parallel_loop3A_459 = arith.index_cast %parallel_loop3A_452 : i32 to index
        %parallel_loop3A_460 = arith.constant 0 : index
        %parallel_loop3A_461 = tpu.vector_load %arg5[%parallel_loop3A_459, %parallel_loop3A_460] {strides = array<i32>} : memref<2048x32xi32, #tpu.memory_space<vmem>>, vector<16xi32>,
        %parallel_loop3A_462 = arith.index_cast %parallel_loop3A_454 : i32 to index
        %parallel_loop3A_463 = arith.constant 0 : index
        %parallel_loop3A_464 = tpu.vector_load %arg5[%parallel_loop3A_462, %parallel_loop3A_463] {strides = array<i32>} : memref<2048x32xi32, #tpu.memory_space<vmem>>, vector<16xi32>,
        %parallel_loop3A_465 = vector.bitcast %parallel_loop3A_461 : vector<16xi32> to vector<32xbf16>
        %parallel_loop3A_466 = vector.bitcast %parallel_loop3A_464 : vector<16xi32> to vector<32xbf16>
        %parallel_loop3A_467 = arith.addf %parallel_loop3A_465, %parallel_loop3A_466 : vector<32xbf16>
        %parallel_loop3A_468 = tpu.unpack_subelements %parallel_loop3A_467, 0 {pack_format = #tpu.pack_format<interleaved>} : vector<32xbf16> -> vector<16xf32>
        %parallel_loop3A_469 = tpu.unpack_subelements %parallel_loop3A_467, 1 {pack_format = #tpu.pack_format<interleaved>} : vector<32xbf16> -> vector<16xf32>
        %parallel_loop3A_470 = arith.index_cast %parallel_loop3A_458 : i32 to index
        %parallel_loop3A_471 = arith.constant 0 : index
        %parallel_loop3A_472 = tpu.vector_load %arg7[%parallel_loop3A_470, %parallel_loop3A_471] {strides = array<i32>} : memref<512x64xf32, #tpu.memory_space<vmem>>, vector<16xf32>,
        tpu.vector_store %arg7[%parallel_loop3A_470, %parallel_loop3A_471], %parallel_loop3A_468 {strides = array<i32>} : memref<512x64xf32, #tpu.memory_space<vmem>>, vector<16xf32>,
        %parallel_loop3A_473 = arith.index_cast %parallel_loop3A_458 : i32 to index
        %parallel_loop3A_474 = arith.constant 16 : index
        %parallel_loop3A_475 = tpu.vector_load %arg7[%parallel_loop3A_473, %parallel_loop3A_474] {strides = array<i32>} : memref<512x64xf32, #tpu.memory_space<vmem>>, vector<16xf32>,
        tpu.vector_store %arg7[%parallel_loop3A_473, %parallel_loop3A_474], %parallel_loop3A_469 {strides = array<i32>} : memref<512x64xf32, #tpu.memory_space<vmem>>, vector<16xf32>,
        %parallel_loop3A_476 = arith.index_cast %parallel_loop3A_452 : i32 to index
        %parallel_loop3A_477 = arith.constant 16 : index
        %parallel_loop3A_478 = tpu.vector_load %arg5[%parallel_loop3A_476, %parallel_loop3A_477] {strides = array<i32>} : memref<2048x32xi32, #tpu.memory_space<vmem>>, vector<16xi32>,
        %parallel_loop3A_479 = arith.index_cast %parallel_loop3A_454 : i32 to index
        %parallel_loop3A_480 = arith.constant 16 : index
        %parallel_loop3A_481 = tpu.vector_load %arg5[%parallel_loop3A_479, %parallel_loop3A_480] {strides = array<i32>} : memref<2048x32xi32, #tpu.memory_space<vmem>>, vector<16xi32>,
        %parallel_loop3A_482 = vector.bitcast %parallel_loop3A_478 : vector<16xi32> to vector<32xbf16>
        %parallel_loop3A_483 = vector.bitcast %parallel_loop3A_481 : vector<16xi32> to vector<32xbf16>
        %parallel_loop3A_484 = arith.addf %parallel_loop3A_482, %parallel_loop3A_483 : vector<32xbf16>
        %parallel_loop3A_485 = tpu.unpack_subelements %parallel_loop3A_484, 0 {pack_format = #tpu.pack_format<interleaved>} : vector<32xbf16> -> vector<16xf32>
        %parallel_loop3A_486 = tpu.unpack_subelements %parallel_loop3A_484, 1 {pack_format = #tpu.pack_format<interleaved>} : vector<32xbf16> -> vector<16xf32>
        %parallel_loop3A_487 = arith.index_cast %parallel_loop3A_458 : i32 to index
        %parallel_loop3A_488 = arith.constant 32 : index
        %parallel_loop3A_489 = tpu.vector_load %arg7[%parallel_loop3A_487, %parallel_loop3A_488] {strides = array<i32>} : memref<512x64xf32, #tpu.memory_space<vmem>>, vector<16xf32>,
        tpu.vector_store %arg7[%parallel_loop3A_487, %parallel_loop3A_488], %parallel_loop3A_485 {strides = array<i32>} : memref<512x64xf32, #tpu.memory_space<vmem>>, vector<16xf32>,
        %parallel_loop3A_490 = arith.index_cast %parallel_loop3A_458 : i32 to index
        %parallel_loop3A_491 = arith.constant 48 : index
        %parallel_loop3A_492 = tpu.vector_load %arg7[%parallel_loop3A_490, %parallel_loop3A_491] {strides = array<i32>} : memref<512x64xf32, #tpu.memory_space<vmem>>, vector<16xf32>,
        tpu.vector_store %arg7[%parallel_loop3A_490, %parallel_loop3A_491], %parallel_loop3A_486 {strides = array<i32>} : memref<512x64xf32, #tpu.memory_space<vmem>>, vector<16xf32>,
        %parallel_loop3A_493 = vector.extract_strided_slice %parallel_loop3A_21 {offsets = [11], sizes = [1], strides = [1]} : vector<16xi32> to vector<1xi32>
        %parallel_loop3A_494 = vector.extract %parallel_loop3A_493[0] : i32 from vector<1xi32>
        %parallel_loop3A_495 = vector.extract_strided_slice %parallel_loop3A_30 {offsets = [11], sizes = [1], strides = [1]} : vector<16xi32> to vector<1xi32>
        %parallel_loop3A_496 = vector.extract %parallel_loop3A_495[0] : i32 from vector<1xi32>
        %parallel_loop3A_497 = arith.constant 16 : i32
        %parallel_loop3A_498 = arith.muli %parallel_loop3A_14, %parallel_loop3A_497 : i32
        %parallel_loop3A_499 = arith.constant 11 : i32
        %parallel_loop3A_500 = arith.addi %parallel_loop3A_498, %parallel_loop3A_499 : i32
        %parallel_loop3A_501 = arith.index_cast %parallel_loop3A_494 : i32 to index
        %parallel_loop3A_502 = arith.constant 0 : index
        %parallel_loop3A_503 = tpu.vector_load %arg5[%parallel_loop3A_501, %parallel_loop3A_502] {strides = array<i32>} : memref<2048x32xi32, #tpu.memory_space<vmem>>, vector<16xi32>,
        %parallel_loop3A_504 = arith.index_cast %parallel_loop3A_496 : i32 to index
        %parallel_loop3A_505 = arith.constant 0 : index
        %parallel_loop3A_506 = tpu.vector_load %arg5[%parallel_loop3A_504, %parallel_loop3A_505] {strides = array<i32>} : memref<2048x32xi32, #tpu.memory_space<vmem>>, vector<16xi32>,
        %parallel_loop3A_507 = vector.bitcast %parallel_loop3A_503 : vector<16xi32> to vector<32xbf16>
        %parallel_loop3A_508 = vector.bitcast %parallel_loop3A_506 : vector<16xi32> to vector<32xbf16>
        %parallel_loop3A_509 = arith.addf %parallel_loop3A_507, %parallel_loop3A_508 : vector<32xbf16>
        %parallel_loop3A_510 = tpu.unpack_subelements %parallel_loop3A_509, 0 {pack_format = #tpu.pack_format<interleaved>} : vector<32xbf16> -> vector<16xf32>
        %parallel_loop3A_511 = tpu.unpack_subelements %parallel_loop3A_509, 1 {pack_format = #tpu.pack_format<interleaved>} : vector<32xbf16> -> vector<16xf32>
        %parallel_loop3A_512 = arith.index_cast %parallel_loop3A_500 : i32 to index
        %parallel_loop3A_513 = arith.constant 0 : index
        %parallel_loop3A_514 = tpu.vector_load %arg7[%parallel_loop3A_512, %parallel_loop3A_513] {strides = array<i32>} : memref<512x64xf32, #tpu.memory_space<vmem>>, vector<16xf32>,
        tpu.vector_store %arg7[%parallel_loop3A_512, %parallel_loop3A_513], %parallel_loop3A_510 {strides = array<i32>} : memref<512x64xf32, #tpu.memory_space<vmem>>, vector<16xf32>,
        %parallel_loop3A_515 = arith.index_cast %parallel_loop3A_500 : i32 to index
        %parallel_loop3A_516 = arith.constant 16 : index
        %parallel_loop3A_517 = tpu.vector_load %arg7[%parallel_loop3A_515, %parallel_loop3A_516] {strides = array<i32>} : memref<512x64xf32, #tpu.memory_space<vmem>>, vector<16xf32>,
        tpu.vector_store %arg7[%parallel_loop3A_515, %parallel_loop3A_516], %parallel_loop3A_511 {strides = array<i32>} : memref<512x64xf32, #tpu.memory_space<vmem>>, vector<16xf32>,
        %parallel_loop3A_518 = arith.index_cast %parallel_loop3A_494 : i32 to index
        %parallel_loop3A_519 = arith.constant 16 : index
        %parallel_loop3A_520 = tpu.vector_load %arg5[%parallel_loop3A_518, %parallel_loop3A_519] {strides = array<i32>} : memref<2048x32xi32, #tpu.memory_space<vmem>>, vector<16xi32>,
        %parallel_loop3A_521 = arith.index_cast %parallel_loop3A_496 : i32 to index
        %parallel_loop3A_522 = arith.constant 16 : index
        %parallel_loop3A_523 = tpu.vector_load %arg5[%parallel_loop3A_521, %parallel_loop3A_522] {strides = array<i32>} : memref<2048x32xi32, #tpu.memory_space<vmem>>, vector<16xi32>,
        %parallel_loop3A_524 = vector.bitcast %parallel_loop3A_520 : vector<16xi32> to vector<32xbf16>
        %parallel_loop3A_525 = vector.bitcast %parallel_loop3A_523 : vector<16xi32> to vector<32xbf16>
        %parallel_loop3A_526 = arith.addf %parallel_loop3A_524, %parallel_loop3A_525 : vector<32xbf16>
        %parallel_loop3A_527 = tpu.unpack_subelements %parallel_loop3A_526, 0 {pack_format = #tpu.pack_format<interleaved>} : vector<32xbf16> -> vector<16xf32>
        %parallel_loop3A_528 = tpu.unpack_subelements %parallel_loop3A_526, 1 {pack_format = #tpu.pack_format<interleaved>} : vector<32xbf16> -> vector<16xf32>
        %parallel_loop3A_529 = arith.index_cast %parallel_loop3A_500 : i32 to index
        %parallel_loop3A_530 = arith.constant 32 : index
        %parallel_loop3A_531 = tpu.vector_load %arg7[%parallel_loop3A_529, %parallel_loop3A_530] {strides = array<i32>} : memref<512x64xf32, #tpu.memory_space<vmem>>, vector<16xf32>,
        tpu.vector_store %arg7[%parallel_loop3A_529, %parallel_loop3A_530], %parallel_loop3A_527 {strides = array<i32>} : memref<512x64xf32, #tpu.memory_space<vmem>>, vector<16xf32>,
        %parallel_loop3A_532 = arith.index_cast %parallel_loop3A_500 : i32 to index
        %parallel_loop3A_533 = arith.constant 48 : index
        %parallel_loop3A_534 = tpu.vector_load %arg7[%parallel_loop3A_532, %parallel_loop3A_533] {strides = array<i32>} : memref<512x64xf32, #tpu.memory_space<vmem>>, vector<16xf32>,
        tpu.vector_store %arg7[%parallel_loop3A_532, %parallel_loop3A_533], %parallel_loop3A_528 {strides = array<i32>} : memref<512x64xf32, #tpu.memory_space<vmem>>, vector<16xf32>,
        %parallel_loop3A_535 = vector.extract_strided_slice %parallel_loop3A_21 {offsets = [12], sizes = [1], strides = [1]} : vector<16xi32> to vector<1xi32>
        %parallel_loop3A_536 = vector.extract %parallel_loop3A_535[0] : i32 from vector<1xi32>
        %parallel_loop3A_537 = vector.extract_strided_slice %parallel_loop3A_30 {offsets = [12], sizes = [1], strides = [1]} : vector<16xi32> to vector<1xi32>
        %parallel_loop3A_538 = vector.extract %parallel_loop3A_537[0] : i32 from vector<1xi32>
        %parallel_loop3A_539 = arith.constant 16 : i32
        %parallel_loop3A_540 = arith.muli %parallel_loop3A_14, %parallel_loop3A_539 : i32
        %parallel_loop3A_541 = arith.constant 12 : i32
        %parallel_loop3A_542 = arith.addi %parallel_loop3A_540, %parallel_loop3A_541 : i32
        %parallel_loop3A_543 = arith.index_cast %parallel_loop3A_536 : i32 to index
        %parallel_loop3A_544 = arith.constant 0 : index
        %parallel_loop3A_545 = tpu.vector_load %arg5[%parallel_loop3A_543, %parallel_loop3A_544] {strides = array<i32>} : memref<2048x32xi32, #tpu.memory_space<vmem>>, vector<16xi32>,
        %parallel_loop3A_546 = arith.index_cast %parallel_loop3A_538 : i32 to index
        %parallel_loop3A_547 = arith.constant 0 : index
        %parallel_loop3A_548 = tpu.vector_load %arg5[%parallel_loop3A_546, %parallel_loop3A_547] {strides = array<i32>} : memref<2048x32xi32, #tpu.memory_space<vmem>>, vector<16xi32>,
        %parallel_loop3A_549 = vector.bitcast %parallel_loop3A_545 : vector<16xi32> to vector<32xbf16>
        %parallel_loop3A_550 = vector.bitcast %parallel_loop3A_548 : vector<16xi32> to vector<32xbf16>
        %parallel_loop3A_551 = arith.addf %parallel_loop3A_549, %parallel_loop3A_550 : vector<32xbf16>
        %parallel_loop3A_552 = tpu.unpack_subelements %parallel_loop3A_551, 0 {pack_format = #tpu.pack_format<interleaved>} : vector<32xbf16> -> vector<16xf32>
        %parallel_loop3A_553 = tpu.unpack_subelements %parallel_loop3A_551, 1 {pack_format = #tpu.pack_format<interleaved>} : vector<32xbf16> -> vector<16xf32>
        %parallel_loop3A_554 = arith.index_cast %parallel_loop3A_542 : i32 to index
        %parallel_loop3A_555 = arith.constant 0 : index
        %parallel_loop3A_556 = tpu.vector_load %arg7[%parallel_loop3A_554, %parallel_loop3A_555] {strides = array<i32>} : memref<512x64xf32, #tpu.memory_space<vmem>>, vector<16xf32>,
        tpu.vector_store %arg7[%parallel_loop3A_554, %parallel_loop3A_555], %parallel_loop3A_552 {strides = array<i32>} : memref<512x64xf32, #tpu.memory_space<vmem>>, vector<16xf32>,
        %parallel_loop3A_557 = arith.index_cast %parallel_loop3A_542 : i32 to index
        %parallel_loop3A_558 = arith.constant 16 : index
        %parallel_loop3A_559 = tpu.vector_load %arg7[%parallel_loop3A_557, %parallel_loop3A_558] {strides = array<i32>} : memref<512x64xf32, #tpu.memory_space<vmem>>, vector<16xf32>,
        tpu.vector_store %arg7[%parallel_loop3A_557, %parallel_loop3A_558], %parallel_loop3A_553 {strides = array<i32>} : memref<512x64xf32, #tpu.memory_space<vmem>>, vector<16xf32>,
        %parallel_loop3A_560 = arith.index_cast %parallel_loop3A_536 : i32 to index
        %parallel_loop3A_561 = arith.constant 16 : index
        %parallel_loop3A_562 = tpu.vector_load %arg5[%parallel_loop3A_560, %parallel_loop3A_561] {strides = array<i32>} : memref<2048x32xi32, #tpu.memory_space<vmem>>, vector<16xi32>,
        %parallel_loop3A_563 = arith.index_cast %parallel_loop3A_538 : i32 to index
        %parallel_loop3A_564 = arith.constant 16 : index
        %parallel_loop3A_565 = tpu.vector_load %arg5[%parallel_loop3A_563, %parallel_loop3A_564] {strides = array<i32>} : memref<2048x32xi32, #tpu.memory_space<vmem>>, vector<16xi32>,
        %parallel_loop3A_566 = vector.bitcast %parallel_loop3A_562 : vector<16xi32> to vector<32xbf16>
        %parallel_loop3A_567 = vector.bitcast %parallel_loop3A_565 : vector<16xi32> to vector<32xbf16>
        %parallel_loop3A_568 = arith.addf %parallel_loop3A_566, %parallel_loop3A_567 : vector<32xbf16>
        %parallel_loop3A_569 = tpu.unpack_subelements %parallel_loop3A_568, 0 {pack_format = #tpu.pack_format<interleaved>} : vector<32xbf16> -> vector<16xf32>
        %parallel_loop3A_570 = tpu.unpack_subelements %parallel_loop3A_568, 1 {pack_format = #tpu.pack_format<interleaved>} : vector<32xbf16> -> vector<16xf32>
        %parallel_loop3A_571 = arith.index_cast %parallel_loop3A_542 : i32 to index
        %parallel_loop3A_572 = arith.constant 32 : index
        %parallel_loop3A_573 = tpu.vector_load %arg7[%parallel_loop3A_571, %parallel_loop3A_572] {strides = array<i32>} : memref<512x64xf32, #tpu.memory_space<vmem>>, vector<16xf32>,
        tpu.vector_store %arg7[%parallel_loop3A_571, %parallel_loop3A_572], %parallel_loop3A_569 {strides = array<i32>} : memref<512x64xf32, #tpu.memory_space<vmem>>, vector<16xf32>,
        %parallel_loop3A_574 = arith.index_cast %parallel_loop3A_542 : i32 to index
        %parallel_loop3A_575 = arith.constant 48 : index
        %parallel_loop3A_576 = tpu.vector_load %arg7[%parallel_loop3A_574, %parallel_loop3A_575] {strides = array<i32>} : memref<512x64xf32, #tpu.memory_space<vmem>>, vector<16xf32>,
        tpu.vector_store %arg7[%parallel_loop3A_574, %parallel_loop3A_575], %parallel_loop3A_570 {strides = array<i32>} : memref<512x64xf32, #tpu.memory_space<vmem>>, vector<16xf32>,
        %parallel_loop3A_577 = vector.extract_strided_slice %parallel_loop3A_21 {offsets = [13], sizes = [1], strides = [1]} : vector<16xi32> to vector<1xi32>
        %parallel_loop3A_578 = vector.extract %parallel_loop3A_577[0] : i32 from vector<1xi32>
        %parallel_loop3A_579 = vector.extract_strided_slice %parallel_loop3A_30 {offsets = [13], sizes = [1], strides = [1]} : vector<16xi32> to vector<1xi32>
        %parallel_loop3A_580 = vector.extract %parallel_loop3A_579[0] : i32 from vector<1xi32>
        %parallel_loop3A_581 = arith.constant 16 : i32
        %parallel_loop3A_582 = arith.muli %parallel_loop3A_14, %parallel_loop3A_581 : i32
        %parallel_loop3A_583 = arith.constant 13 : i32
        %parallel_loop3A_584 = arith.addi %parallel_loop3A_582, %parallel_loop3A_583 : i32
        %parallel_loop3A_585 = arith.index_cast %parallel_loop3A_578 : i32 to index
        %parallel_loop3A_586 = arith.constant 0 : index
        %parallel_loop3A_587 = tpu.vector_load %arg5[%parallel_loop3A_585, %parallel_loop3A_586] {strides = array<i32>} : memref<2048x32xi32, #tpu.memory_space<vmem>>, vector<16xi32>,
        %parallel_loop3A_588 = arith.index_cast %parallel_loop3A_580 : i32 to index
        %parallel_loop3A_589 = arith.constant 0 : index
        %parallel_loop3A_590 = tpu.vector_load %arg5[%parallel_loop3A_588, %parallel_loop3A_589] {strides = array<i32>} : memref<2048x32xi32, #tpu.memory_space<vmem>>, vector<16xi32>,
        %parallel_loop3A_591 = vector.bitcast %parallel_loop3A_587 : vector<16xi32> to vector<32xbf16>
        %parallel_loop3A_592 = vector.bitcast %parallel_loop3A_590 : vector<16xi32> to vector<32xbf16>
        %parallel_loop3A_593 = arith.addf %parallel_loop3A_591, %parallel_loop3A_592 : vector<32xbf16>
        %parallel_loop3A_594 = tpu.unpack_subelements %parallel_loop3A_593, 0 {pack_format = #tpu.pack_format<interleaved>} : vector<32xbf16> -> vector<16xf32>
        %parallel_loop3A_595 = tpu.unpack_subelements %parallel_loop3A_593, 1 {pack_format = #tpu.pack_format<interleaved>} : vector<32xbf16> -> vector<16xf32>
        %parallel_loop3A_596 = arith.index_cast %parallel_loop3A_584 : i32 to index
        %parallel_loop3A_597 = arith.constant 0 : index
        %parallel_loop3A_598 = tpu.vector_load %arg7[%parallel_loop3A_596, %parallel_loop3A_597] {strides = array<i32>} : memref<512x64xf32, #tpu.memory_space<vmem>>, vector<16xf32>,
        tpu.vector_store %arg7[%parallel_loop3A_596, %parallel_loop3A_597], %parallel_loop3A_594 {strides = array<i32>} : memref<512x64xf32, #tpu.memory_space<vmem>>, vector<16xf32>,
        %parallel_loop3A_599 = arith.index_cast %parallel_loop3A_584 : i32 to index
        %parallel_loop3A_600 = arith.constant 16 : index
        %parallel_loop3A_601 = tpu.vector_load %arg7[%parallel_loop3A_599, %parallel_loop3A_600] {strides = array<i32>} : memref<512x64xf32, #tpu.memory_space<vmem>>, vector<16xf32>,
        tpu.vector_store %arg7[%parallel_loop3A_599, %parallel_loop3A_600], %parallel_loop3A_595 {strides = array<i32>} : memref<512x64xf32, #tpu.memory_space<vmem>>, vector<16xf32>,
        %parallel_loop3A_602 = arith.index_cast %parallel_loop3A_578 : i32 to index
        %parallel_loop3A_603 = arith.constant 16 : index
        %parallel_loop3A_604 = tpu.vector_load %arg5[%parallel_loop3A_602, %parallel_loop3A_603] {strides = array<i32>} : memref<2048x32xi32, #tpu.memory_space<vmem>>, vector<16xi32>,
        %parallel_loop3A_605 = arith.index_cast %parallel_loop3A_580 : i32 to index
        %parallel_loop3A_606 = arith.constant 16 : index
        %parallel_loop3A_607 = tpu.vector_load %arg5[%parallel_loop3A_605, %parallel_loop3A_606] {strides = array<i32>} : memref<2048x32xi32, #tpu.memory_space<vmem>>, vector<16xi32>,
        %parallel_loop3A_608 = vector.bitcast %parallel_loop3A_604 : vector<16xi32> to vector<32xbf16>
        %parallel_loop3A_609 = vector.bitcast %parallel_loop3A_607 : vector<16xi32> to vector<32xbf16>
        %parallel_loop3A_610 = arith.addf %parallel_loop3A_608, %parallel_loop3A_609 : vector<32xbf16>
        %parallel_loop3A_611 = tpu.unpack_subelements %parallel_loop3A_610, 0 {pack_format = #tpu.pack_format<interleaved>} : vector<32xbf16> -> vector<16xf32>
        %parallel_loop3A_612 = tpu.unpack_subelements %parallel_loop3A_610, 1 {pack_format = #tpu.pack_format<interleaved>} : vector<32xbf16> -> vector<16xf32>
        %parallel_loop3A_613 = arith.index_cast %parallel_loop3A_584 : i32 to index
        %parallel_loop3A_614 = arith.constant 32 : index
        %parallel_loop3A_615 = tpu.vector_load %arg7[%parallel_loop3A_613, %parallel_loop3A_614] {strides = array<i32>} : memref<512x64xf32, #tpu.memory_space<vmem>>, vector<16xf32>,
        tpu.vector_store %arg7[%parallel_loop3A_613, %parallel_loop3A_614], %parallel_loop3A_611 {strides = array<i32>} : memref<512x64xf32, #tpu.memory_space<vmem>>, vector<16xf32>,
        %parallel_loop3A_616 = arith.index_cast %parallel_loop3A_584 : i32 to index
        %parallel_loop3A_617 = arith.constant 48 : index
        %parallel_loop3A_618 = tpu.vector_load %arg7[%parallel_loop3A_616, %parallel_loop3A_617] {strides = array<i32>} : memref<512x64xf32, #tpu.memory_space<vmem>>, vector<16xf32>,
        tpu.vector_store %arg7[%parallel_loop3A_616, %parallel_loop3A_617], %parallel_loop3A_612 {strides = array<i32>} : memref<512x64xf32, #tpu.memory_space<vmem>>, vector<16xf32>,
        %parallel_loop3A_619 = vector.extract_strided_slice %parallel_loop3A_21 {offsets = [14], sizes = [1], strides = [1]} : vector<16xi32> to vector<1xi32>
        %parallel_loop3A_620 = vector.extract %parallel_loop3A_619[0] : i32 from vector<1xi32>
        %parallel_loop3A_621 = vector.extract_strided_slice %parallel_loop3A_30 {offsets = [14], sizes = [1], strides = [1]} : vector<16xi32> to vector<1xi32>
        %parallel_loop3A_622 = vector.extract %parallel_loop3A_621[0] : i32 from vector<1xi32>
        %parallel_loop3A_623 = arith.constant 16 : i32
        %parallel_loop3A_624 = arith.muli %parallel_loop3A_14, %parallel_loop3A_623 : i32
        %parallel_loop3A_625 = arith.constant 14 : i32
        %parallel_loop3A_626 = arith.addi %parallel_loop3A_624, %parallel_loop3A_625 : i32
        %parallel_loop3A_627 = arith.index_cast %parallel_loop3A_620 : i32 to index
        %parallel_loop3A_628 = arith.constant 0 : index
        %parallel_loop3A_629 = tpu.vector_load %arg5[%parallel_loop3A_627, %parallel_loop3A_628] {strides = array<i32>} : memref<2048x32xi32, #tpu.memory_space<vmem>>, vector<16xi32>,
        %parallel_loop3A_630 = arith.index_cast %parallel_loop3A_622 : i32 to index
        %parallel_loop3A_631 = arith.constant 0 : index
        %parallel_loop3A_632 = tpu.vector_load %arg5[%parallel_loop3A_630, %parallel_loop3A_631] {strides = array<i32>} : memref<2048x32xi32, #tpu.memory_space<vmem>>, vector<16xi32>,
        %parallel_loop3A_633 = vector.bitcast %parallel_loop3A_629 : vector<16xi32> to vector<32xbf16>
        %parallel_loop3A_634 = vector.bitcast %parallel_loop3A_632 : vector<16xi32> to vector<32xbf16>
        %parallel_loop3A_635 = arith.addf %parallel_loop3A_633, %parallel_loop3A_634 : vector<32xbf16>
        %parallel_loop3A_636 = tpu.unpack_subelements %parallel_loop3A_635, 0 {pack_format = #tpu.pack_format<interleaved>} : vector<32xbf16> -> vector<16xf32>
        %parallel_loop3A_637 = tpu.unpack_subelements %parallel_loop3A_635, 1 {pack_format = #tpu.pack_format<interleaved>} : vector<32xbf16> -> vector<16xf32>
        %parallel_loop3A_638 = arith.index_cast %parallel_loop3A_626 : i32 to index
        %parallel_loop3A_639 = arith.constant 0 : index
        %parallel_loop3A_640 = tpu.vector_load %arg7[%parallel_loop3A_638, %parallel_loop3A_639] {strides = array<i32>} : memref<512x64xf32, #tpu.memory_space<vmem>>, vector<16xf32>,
        tpu.vector_store %arg7[%parallel_loop3A_638, %parallel_loop3A_639], %parallel_loop3A_636 {strides = array<i32>} : memref<512x64xf32, #tpu.memory_space<vmem>>, vector<16xf32>,
        %parallel_loop3A_641 = arith.index_cast %parallel_loop3A_626 : i32 to index
        %parallel_loop3A_642 = arith.constant 16 : index
        %parallel_loop3A_643 = tpu.vector_load %arg7[%parallel_loop3A_641, %parallel_loop3A_642] {strides = array<i32>} : memref<512x64xf32, #tpu.memory_space<vmem>>, vector<16xf32>,
        tpu.vector_store %arg7[%parallel_loop3A_641, %parallel_loop3A_642], %parallel_loop3A_637 {strides = array<i32>} : memref<512x64xf32, #tpu.memory_space<vmem>>, vector<16xf32>,
        %parallel_loop3A_644 = arith.index_cast %parallel_loop3A_620 : i32 to index
        %parallel_loop3A_645 = arith.constant 16 : index
        %parallel_loop3A_646 = tpu.vector_load %arg5[%parallel_loop3A_644, %parallel_loop3A_645] {strides = array<i32>} : memref<2048x32xi32, #tpu.memory_space<vmem>>, vector<16xi32>,
        %parallel_loop3A_647 = arith.index_cast %parallel_loop3A_622 : i32 to index
        %parallel_loop3A_648 = arith.constant 16 : index
        %parallel_loop3A_649 = tpu.vector_load %arg5[%parallel_loop3A_647, %parallel_loop3A_648] {strides = array<i32>} : memref<2048x32xi32, #tpu.memory_space<vmem>>, vector<16xi32>,
        %parallel_loop3A_650 = vector.bitcast %parallel_loop3A_646 : vector<16xi32> to vector<32xbf16>
        %parallel_loop3A_651 = vector.bitcast %parallel_loop3A_649 : vector<16xi32> to vector<32xbf16>
        %parallel_loop3A_652 = arith.addf %parallel_loop3A_650, %parallel_loop3A_651 : vector<32xbf16>
        %parallel_loop3A_653 = tpu.unpack_subelements %parallel_loop3A_652, 0 {pack_format = #tpu.pack_format<interleaved>} : vector<32xbf16> -> vector<16xf32>
        %parallel_loop3A_654 = tpu.unpack_subelements %parallel_loop3A_652, 1 {pack_format = #tpu.pack_format<interleaved>} : vector<32xbf16> -> vector<16xf32>
        %parallel_loop3A_655 = arith.index_cast %parallel_loop3A_626 : i32 to index
        %parallel_loop3A_656 = arith.constant 32 : index
        %parallel_loop3A_657 = tpu.vector_load %arg7[%parallel_loop3A_655, %parallel_loop3A_656] {strides = array<i32>} : memref<512x64xf32, #tpu.memory_space<vmem>>, vector<16xf32>,
        tpu.vector_store %arg7[%parallel_loop3A_655, %parallel_loop3A_656], %parallel_loop3A_653 {strides = array<i32>} : memref<512x64xf32, #tpu.memory_space<vmem>>, vector<16xf32>,
        %parallel_loop3A_658 = arith.index_cast %parallel_loop3A_626 : i32 to index
        %parallel_loop3A_659 = arith.constant 48 : index
        %parallel_loop3A_660 = tpu.vector_load %arg7[%parallel_loop3A_658, %parallel_loop3A_659] {strides = array<i32>} : memref<512x64xf32, #tpu.memory_space<vmem>>, vector<16xf32>,
        tpu.vector_store %arg7[%parallel_loop3A_658, %parallel_loop3A_659], %parallel_loop3A_654 {strides = array<i32>} : memref<512x64xf32, #tpu.memory_space<vmem>>, vector<16xf32>,
        %parallel_loop3A_661 = vector.extract_strided_slice %parallel_loop3A_21 {offsets = [15], sizes = [1], strides = [1]} : vector<16xi32> to vector<1xi32>
        %parallel_loop3A_662 = vector.extract %parallel_loop3A_661[0] : i32 from vector<1xi32>
        %parallel_loop3A_663 = vector.extract_strided_slice %parallel_loop3A_30 {offsets = [15], sizes = [1], strides = [1]} : vector<16xi32> to vector<1xi32>
        %parallel_loop3A_664 = vector.extract %parallel_loop3A_663[0] : i32 from vector<1xi32>
        %parallel_loop3A_665 = arith.constant 16 : i32
        %parallel_loop3A_666 = arith.muli %parallel_loop3A_14, %parallel_loop3A_665 : i32
        %parallel_loop3A_667 = arith.constant 15 : i32
        %parallel_loop3A_668 = arith.addi %parallel_loop3A_666, %parallel_loop3A_667 : i32
        %parallel_loop3A_669 = arith.index_cast %parallel_loop3A_662 : i32 to index
        %parallel_loop3A_670 = arith.constant 0 : index
        %parallel_loop3A_671 = tpu.vector_load %arg5[%parallel_loop3A_669, %parallel_loop3A_670] {strides = array<i32>} : memref<2048x32xi32, #tpu.memory_space<vmem>>, vector<16xi32>,
        %parallel_loop3A_672 = arith.index_cast %parallel_loop3A_664 : i32 to index
        %parallel_loop3A_673 = arith.constant 0 : index
        %parallel_loop3A_674 = tpu.vector_load %arg5[%parallel_loop3A_672, %parallel_loop3A_673] {strides = array<i32>} : memref<2048x32xi32, #tpu.memory_space<vmem>>, vector<16xi32>,
        %parallel_loop3A_675 = vector.bitcast %parallel_loop3A_671 : vector<16xi32> to vector<32xbf16>
        %parallel_loop3A_676 = vector.bitcast %parallel_loop3A_674 : vector<16xi32> to vector<32xbf16>
        %parallel_loop3A_677 = arith.addf %parallel_loop3A_675, %parallel_loop3A_676 : vector<32xbf16>
        %parallel_loop3A_678 = tpu.unpack_subelements %parallel_loop3A_677, 0 {pack_format = #tpu.pack_format<interleaved>} : vector<32xbf16> -> vector<16xf32>
        %parallel_loop3A_679 = tpu.unpack_subelements %parallel_loop3A_677, 1 {pack_format = #tpu.pack_format<interleaved>} : vector<32xbf16> -> vector<16xf32>
        %parallel_loop3A_680 = arith.index_cast %parallel_loop3A_668 : i32 to index
        %parallel_loop3A_681 = arith.constant 0 : index
        %parallel_loop3A_682 = tpu.vector_load %arg7[%parallel_loop3A_680, %parallel_loop3A_681] {strides = array<i32>} : memref<512x64xf32, #tpu.memory_space<vmem>>, vector<16xf32>,
        tpu.vector_store %arg7[%parallel_loop3A_680, %parallel_loop3A_681], %parallel_loop3A_678 {strides = array<i32>} : memref<512x64xf32, #tpu.memory_space<vmem>>, vector<16xf32>,
        %parallel_loop3A_683 = arith.index_cast %parallel_loop3A_668 : i32 to index
        %parallel_loop3A_684 = arith.constant 16 : index
        %parallel_loop3A_685 = tpu.vector_load %arg7[%parallel_loop3A_683, %parallel_loop3A_684] {strides = array<i32>} : memref<512x64xf32, #tpu.memory_space<vmem>>, vector<16xf32>,
        tpu.vector_store %arg7[%parallel_loop3A_683, %parallel_loop3A_684], %parallel_loop3A_679 {strides = array<i32>} : memref<512x64xf32, #tpu.memory_space<vmem>>, vector<16xf32>,
        %parallel_loop3A_686 = arith.index_cast %parallel_loop3A_662 : i32 to index
        %parallel_loop3A_687 = arith.constant 16 : index
        %parallel_loop3A_688 = tpu.vector_load %arg5[%parallel_loop3A_686, %parallel_loop3A_687] {strides = array<i32>} : memref<2048x32xi32, #tpu.memory_space<vmem>>, vector<16xi32>,
        %parallel_loop3A_689 = arith.index_cast %parallel_loop3A_664 : i32 to index
        %parallel_loop3A_690 = arith.constant 16 : index
        %parallel_loop3A_691 = tpu.vector_load %arg5[%parallel_loop3A_689, %parallel_loop3A_690] {strides = array<i32>} : memref<2048x32xi32, #tpu.memory_space<vmem>>, vector<16xi32>,
        %parallel_loop3A_692 = vector.bitcast %parallel_loop3A_688 : vector<16xi32> to vector<32xbf16>
        %parallel_loop3A_693 = vector.bitcast %parallel_loop3A_691 : vector<16xi32> to vector<32xbf16>
        %parallel_loop3A_694 = arith.addf %parallel_loop3A_692, %parallel_loop3A_693 : vector<32xbf16>
        %parallel_loop3A_695 = tpu.unpack_subelements %parallel_loop3A_694, 0 {pack_format = #tpu.pack_format<interleaved>} : vector<32xbf16> -> vector<16xf32>
        %parallel_loop3A_696 = tpu.unpack_subelements %parallel_loop3A_694, 1 {pack_format = #tpu.pack_format<interleaved>} : vector<32xbf16> -> vector<16xf32>
        %parallel_loop3A_697 = arith.index_cast %parallel_loop3A_668 : i32 to index
        %parallel_loop3A_698 = arith.constant 32 : index
        %parallel_loop3A_699 = tpu.vector_load %arg7[%parallel_loop3A_697, %parallel_loop3A_698] {strides = array<i32>} : memref<512x64xf32, #tpu.memory_space<vmem>>, vector<16xf32>,
        tpu.vector_store %arg7[%parallel_loop3A_697, %parallel_loop3A_698], %parallel_loop3A_695 {strides = array<i32>} : memref<512x64xf32, #tpu.memory_space<vmem>>, vector<16xf32>,
        %parallel_loop3A_700 = arith.index_cast %parallel_loop3A_668 : i32 to index
        %parallel_loop3A_701 = arith.constant 48 : index
        %parallel_loop3A_702 = tpu.vector_load %arg7[%parallel_loop3A_700, %parallel_loop3A_701] {strides = array<i32>} : memref<512x64xf32, #tpu.memory_space<vmem>>, vector<16xf32>,
        tpu.vector_store %arg7[%parallel_loop3A_700, %parallel_loop3A_701], %parallel_loop3A_696 {strides = array<i32>} : memref<512x64xf32, #tpu.memory_space<vmem>>, vector<16xf32>,
      } {sc.loop_unroll_factor = 1 : i64, sc.parallel_access}
      "tpu.region"() ({
        %run_scoped3A = tpu.sem_alloc : memref<!tpu.dma_semaphore, #tpu.memory_space<semaphore_mem>>
        %dma_start3A = arith.constant 0 : i32
        %dma_start3A_14 = tpu.memref_slice %arg4[%add3A_11, %dma_start3A] : memref<819200x64xf32, #tpu.memory_space<hbm>> -> memref<512x64xf32, #tpu.memory_space<hbm>>
        %dma_start3A_15 = arith.constant 0 : i32
        %dma_start3A_16 = tpu.memref_slice %arg4[%add3A_11, %dma_start3A_15] : memref<819200x64xf32, #tpu.memory_space<hbm>> -> memref<512x64xf32, #tpu.memory_space<hbm>>
        tpu.enqueue_dma source(%arg7 : memref<512x64xf32, #tpu.memory_space<vmem>>) target(%dma_start3A_16 : memref<512x64xf32, #tpu.memory_space<hbm>>) target_semaphore(%run_scoped3A : memref<!tpu.dma_semaphore, #tpu.memory_space<semaphore_mem>>)
        %dma_wait3A = arith.constant 0 : i32
        %dma_wait3A_17 = tpu.memref_slice %arg4[%add3A_11, %dma_wait3A] : memref<819200x64xf32, #tpu.memory_space<hbm>> -> memref<512x64xf32, #tpu.memory_space<hbm>>
        %dma_wait3A_18 = arith.constant 0 : i32
        %dma_wait3A_19 = tpu.memref_slice %arg4[%add3A_11, %dma_wait3A_18] : memref<819200x64xf32, #tpu.memory_space<hbm>> -> memref<512x64xf32, #tpu.memory_space<hbm>>
        tpu.wait_dma2 semaphore(%run_scoped3A : memref<!tpu.dma_semaphore, #tpu.memory_space<semaphore_mem>>) src(%arg7 : memref<512x64xf32, #tpu.memory_space<vmem>>) dst(%dma_wait3A_19 : memref<512x64xf32, #tpu.memory_space<hbm>>)
        tpu.yield
      }) : () -> ()
    }
    %scan3A_7 = arith.constant 50 : i32
    return
  }
}

module attributes {stable_mosaic.version = 14 : i64} {
  func.func @_expand_body(%arg0: memref<20x64xf32, #tpu.memory_space<vmem>>, %arg1: memref<2048x32xi32, #tpu.memory_space<vmem>>) attributes {dimension_semantics = [], scalar_prefetch = 0 : i64, scratch_operands = 0 : i64, tpu.core_type = #tpu.core_type<tc>} {
    %iota3A = tpu.iota {dimensions = array<i32: 0>} : vector<2048x20xi32>
    %iota3A_0 = tpu.iota {dimensions = array<i32: 1>} : vector<2048x20xi32>
    %lt3A = arith.constant 1024 : i32
    %lt3A_1 = vector.broadcast %lt3A : i32 to vector<2048x20xi32>
    %lt3A_2 = arith.cmpi slt, %iota3A, %lt3A_1 : vector<2048x20xi32>
    %sub3A = arith.constant 1024 : i32
    %sub3A_3 = vector.broadcast %sub3A : i32 to vector<2048x20xi32>
    %sub3A_4 = arith.subi %iota3A, %sub3A_3 : vector<2048x20xi32>
    %select_n3A = arith.select %lt3A_2, %iota3A, %sub3A_4 : vector<2048x20xi1>, vector<2048x20xi32>
    %sub3A_5 = arith.constant 10 : i32
    %sub3A_6 = vector.broadcast %sub3A_5 : i32 to vector<2048x20xi32>
    %sub3A_7 = arith.subi %iota3A_0, %sub3A_6 : vector<2048x20xi32>
    %select_n3A_8 = arith.select %lt3A_2, %iota3A_0, %sub3A_7 : vector<2048x20xi1>, vector<2048x20xi32>
    %ge3A = arith.constant 0 : i32
    %ge3A_9 = vector.broadcast %ge3A : i32 to vector<2048x20xi32>
    %ge3A_10 = arith.cmpi sge, %select_n3A_8, %ge3A_9 : vector<2048x20xi32>
    %lt3A_11 = arith.constant 10 : i32
    %lt3A_12 = vector.broadcast %lt3A_11 : i32 to vector<2048x20xi32>
    %lt3A_13 = arith.cmpi slt, %select_n3A_8, %lt3A_12 : vector<2048x20xi32>
    %and3A = arith.andi %ge3A_10, %lt3A_13 : vector<2048x20xi1>
    %jit3A = arith.constant 0 : i32
    %broadcast_in_dim3A = vector.broadcast %jit3A : i32 to vector<2048x20xi32>
    %select_n3A_14 = arith.select %and3A, %select_n3A_8, %broadcast_in_dim3A : vector<2048x20xi1>, vector<2048x20xi32>
    %shift_right_logical3A = arith.shrui %select_n3A, %select_n3A_14 : vector<2048x20xi32>
    %and3A_15 = arith.constant 1 : i32
    %and3A_16 = vector.broadcast %and3A_15 : i32 to vector<2048x20xi32>
    %and3A_17 = arith.andi %shift_right_logical3A, %and3A_16 : vector<2048x20xi32>
    %jit3A_18 = arith.constant 0 : i32
    %broadcast_in_dim3A_19 = vector.broadcast %jit3A_18 : i32 to vector<2048x20xi32>
    %select_n3A_20 = arith.select %and3A, %and3A_17, %broadcast_in_dim3A_19 : vector<2048x20xi1>, vector<2048x20xi32>
    %convert_element_type3A = arith.sitofp %select_n3A_20 : vector<2048x20xi32> to vector<2048x20xf32>
    %get3A = arith.constant 0 : index
    %get3A_21 = arith.constant 0 : index
    %get3A_22 = vector.load %arg0[%get3A, %get3A_21] : memref<20x64xf32, #tpu.memory_space<vmem>>, vector<20x64xf32>
    %dot_general3A = arith.constant dense<0.000000e+00> : vector<2048x64xf32>
    %dot_general3A_23 = tpu.matmul %convert_element_type3A, %get3A_22, %dot_general3A {dimension_numbers = #tpu.dot_dimension_numbers<[1], [0], [0], [1], [0, 0, 1, 1], [], []>, transpose_lhs_hint = false} : vector<2048x20xf32>, vector<20x64xf32>, vector<2048x64xf32> -> vector<2048x64xf32>
    %bitcast_convert_type3A = tpu.bitcast %dot_general3A_23 : vector<2048x64xf32> -> vector<2048x64xi32>
    %add3A = arith.constant 32767 : i32
    %add3A_24 = vector.broadcast %add3A : i32 to vector<2048x64xi32>
    %add3A_25 = arith.addi %bitcast_convert_type3A, %add3A_24 : vector<2048x64xi32>
    %shift_right_logical3A_26 = arith.constant 16 : i32
    %shift_right_logical3A_27 = vector.broadcast %shift_right_logical3A_26 : i32 to vector<2048x64xi32>
    %shift_right_logical3A_28 = arith.shrui %bitcast_convert_type3A, %shift_right_logical3A_27 : vector<2048x64xi32>
    %and3A_29 = arith.constant 1 : i32
    %and3A_30 = vector.broadcast %and3A_29 : i32 to vector<2048x64xi32>
    %and3A_31 = arith.andi %shift_right_logical3A_28, %and3A_30 : vector<2048x64xi32>
    %add3A_32 = arith.addi %add3A_25, %and3A_31 : vector<2048x64xi32>
    %shift_right_logical3A_33 = arith.constant 16 : i32
    %shift_right_logical3A_34 = vector.broadcast %shift_right_logical3A_33 : i32 to vector<2048x64xi32>
    %shift_right_logical3A_35 = arith.shrui %add3A_32, %shift_right_logical3A_34 : vector<2048x64xi32>
    %slice3A = vector.extract_strided_slice %shift_right_logical3A_35 {offsets = [0, 0], sizes = [2048, 16], strides = [1, 1]} : vector<2048x64xi32> to vector<2048x16xi32>
    %slice3A_36 = vector.extract_strided_slice %shift_right_logical3A_35 {offsets = [0, 16], sizes = [2048, 16], strides = [1, 1]} : vector<2048x64xi32> to vector<2048x16xi32>
    %shift_left3A = arith.constant 16 : i32
    %shift_left3A_37 = vector.broadcast %shift_left3A : i32 to vector<2048x16xi32>
    %shift_left3A_38 = arith.shli %slice3A_36, %shift_left3A_37 : vector<2048x16xi32>
    %or3A = arith.ori %slice3A, %shift_left3A_38 : vector<2048x16xi32>
    %slice3A_39 = vector.extract_strided_slice %shift_right_logical3A_35 {offsets = [0, 32], sizes = [2048, 16], strides = [1, 1]} : vector<2048x64xi32> to vector<2048x16xi32>
    %slice3A_40 = vector.extract_strided_slice %shift_right_logical3A_35 {offsets = [0, 48], sizes = [2048, 16], strides = [1, 1]} : vector<2048x64xi32> to vector<2048x16xi32>
    %shift_left3A_41 = arith.constant 16 : i32
    %shift_left3A_42 = vector.broadcast %shift_left3A_41 : i32 to vector<2048x16xi32>
    %shift_left3A_43 = arith.shli %slice3A_40, %shift_left3A_42 : vector<2048x16xi32>
    %or3A_44 = arith.ori %slice3A_39, %shift_left3A_43 : vector<2048x16xi32>
    %concatenate3A = tpu.concatenate %or3A, %or3A_44 in 1 : vector<2048x16xi32>, vector<2048x16xi32> -> vector<2048x32xi32>
    %bitcast_convert_type3A_45 = tpu.bitcast %concatenate3A : vector<2048x32xi32> -> vector<2048x32xi32>
    %swap3A = arith.constant 0 : index
    %swap3A_46 = arith.constant 0 : index
    %swap3A_47 = vector.load %arg1[%swap3A, %swap3A_46] : memref<2048x32xi32, #tpu.memory_space<vmem>>, vector<2048x32xi32>
    tpu.vector_store %arg1[%swap3A, %swap3A_46], %bitcast_convert_type3A_45 {strides = array<i32>} : memref<2048x32xi32, #tpu.memory_space<vmem>>, vector<2048x32xi32>,
    return
  }
}

</mosaic_0001>

<sc_bundles>
// kernel: kernel.4.cloned.1.call-start
scs
__scs_entry_jumppad:
0x0: {  	(pc) =	sbr.rel $0x88, $3  }
0x1: {  	(tag) =	ssettag $0x0;
	lr =	simm.s32 $0x1  }
0x2: {  	[smem:$0x3F9F] =	sst lr;
	_ =	strace $0xD0000000  }
0x3: {  	_ = 	snop  }
0x4: {  	_ = 	snop  }
0x5: {  	_ = 	snop  }
0x6: {  	_ = 	snop  }
0x7: {  	_ = 	snop  }
__scs_overlays_trampoline_lowered:
0x8: {  	[smem:$0x3FAE] =	sst s0  }
0x9: {  	[smem:$0x3FAF] =	sst s1  }
0xa: {  	[smem:$0x3FB0] =	sst s2  }
0xb: {  	[smem:$0x3FB1] =	sst s3  }
0xc: {  	[smem:$0x3FB2] =	sst s4  }
0xd: {  	[smem:$0x3FB3] =	sst s5  }
0xe: {  	[smem:$0x3FB4] =	sst s6  }
0xf: {  	[smem:$0x3FB5] =	sst s7  }
0x10: {  	[smem:$0x3FB6] =	sst s8  }
0x11: {  	[smem:$0x3FB7] =	sst s9;
	s0 =	simm.s32 @!p0 $0x0  }
0x12: {  	s1 =	sld [smem:$0x3F9D];
	s0 =	simm.s32 @p0 $0x1  }
0x13: {  	[smem:$0x3FB8] =	sst s0;
	s0 =	simm.s32 @!p1 $0x0  }
0x14: {  	s2 =	sld [smem:$0x3F9C];
	s0 =	simm.s32 @p1 $0x1  }
0x15: {  	[smem:$0x3FB9] =	sst s0;
	s0 =	simm.s32 @!p2 $0x0  }
0x16: {  	s3 =	sld [smem:$0x3FDB];
	s0 =	simm.s32 @p2 $0x1  }
0x17: {  	s4 =	simm.s32 $0x1BF5;
	[smem:$0x3FBB] =	sst s0  }
0x18: {  	s0 =	sld [smem:$0x3F9E];
	_ =	swait.ge [sflag:s4], $0x0  }
0x19: {  	s7 =	sld [smem:$0x3F9F]  }
0x1a: {  	s8 =	sadd.s32 $0xFFFFE003, lr  }
0x1b: {  	s9 =	sadd.s32 $0xFFFFFEF7, lr;
	s5 =	simm.s32 $0xFFFFFFFF;
	p2 =	slt.u32 s8, $0xFFFFF086  }
0x1c: {  	p1 =	slt.u32 s9, $0xF7A;
	s5 =	simm.s32 @!p2 $0x0  }
0x1d: {  	s5 =	simm.s32 @p1 $0x1;
	p0 =	seq.s32 s7, s2  }
0x1e: {  	s7 =	smul.u32 @!p0 $0xF7A, s2;
	p2 =	seq.s32 @!p0 s5, $0x0  }
0x1f: {  	s9 =	smul.u32 $0xF7A, s1;
	s8 =	simm.s32 @!p0 $0x1BF5;
	p2 =	por !p2, p0  }
0x20: {  	[sflag:s8] =	ssyncset.s32 @!p0 $0xFFFFF086;
	s6 =	sadd.s32 @!p0 s3, s7;
	s7 =	simm.s32 @!p0 $0x108  }
0x21: {  	s3 =	sadd.s32 s3, s9;
	s6 =	sadd.s32 @!p0 $0x88, s6;
	s7 =	simm.s32 @p2 $0x1082  }
0x22: {  	[simem:s7], [sflag:s8] =	dma.local @!p0 [hbm:s6], $0xF7A  }
0x23: {  	s9 =	sor.u32 $0xD0000000, s2;
	s6 =	simm.s32 $0x108;
	_ =	swait.ge @!p0 [sflag:s8], $0x0  }
0x24: {  	s3 =	sadd.s32 $0x88, s3;
	s6 =	simm.s32 @!p1 $0x1082;
	[sflag:s4] =	ssyncset.s32 $0xFFFFF086  }
0x25: {  	[simem:s6], [sflag:s4] =	dma.local [hbm:s3], $0xF7A  }
0x26: {  	[smem:$0x3F9F] =	sst s1;
	(tag) =	ssettag s2;
	_ =	strace s9  }
0x27: {  	s1 =	sld [smem:$0x3FAF]  }
0x28: {  	s2 =	sld [smem:$0x3FB0]  }
0x29: {  	s4 =	sld [smem:$0x3FB2]  }
0x2a: {  	p0 =	seq.s32 s5, $0x0;
	s5 =	sld [smem:$0x3FB3]  }
0x2b: {  	s6 =	sld [smem:$0x3FB4]  }
0x2c: {  	s7 =	sld [smem:$0x3FB5]  }
0x2d: {  	s3 =	simm.s32 $0x108;
	s8 =	sld [smem:$0x3FB6]  }
0x2e: {  	s3 =	simm.s32 @!p0 $0x1082;
	s9 =	sld [smem:$0x3FB7]  }
0x2f: {  	lr =	sadd.s32 s0, s3;
	s0 =	sld [smem:$0x3FAE]  }
0x30: {  	s3 =	sld [smem:$0x3FB1]  }
0x31: {  	[smem:$0x3FBA] =	sst s10  }
0x32: {  	s10 =	sld [smem:$0x3FB8];
	_ =	sdelay $0x3  }
0x33: {  	p0 =	seq.s32 s10, $0x1;
	s10 =	sld [smem:$0x3FBA];
	_ =	sdelay $0x3  }
0x34: {  	[smem:$0x3FBA] =	sst s10  }
0x35: {  	s10 =	sld [smem:$0x3FB9];
	_ =	sdelay $0x3  }
0x36: {  	p1 =	seq.s32 s10, $0x1;
	s10 =	sld [smem:$0x3FBA];
	_ =	sdelay $0x3  }
0x37: {  	[smem:$0x3FBA] =	sst s10  }
0x38: {  	s10 =	sld [smem:$0x3FBB]  }
0x39: {  	_ = 	snop;
	(pc) =	sbr.ind lr, $3  }
0x3a: {  	_ = 	snop  }
0x3b: {  	_ = 	snop  }
0x3c: {  	p2 =	seq.s32 s10, $0x1;
	s10 =	sld [smem:$0x3FBA]  }
0x3d: {  	_ =	shalt  }
0x3e: {  	_ =	shalt  }
0x3f: {  	_ =	shalt  }
0x40: {  	_ =	shalt  }
0x41: {  	_ =	shalt  }
0x42: {  	_ =	shalt  }
0x43: {  	_ =	shalt  }
0x44: {  	_ =	shalt  }
0x45: {  	_ =	shalt  }
0x46: {  	_ =	shalt  }
0x47: {  	_ =	shalt  }
0x48: {  	_ =	shalt  }
0x49: {  	_ =	shalt  }
0x4a: {  	_ =	shalt  }
0x4b: {  	_ =	shalt  }
0x4c: {  	_ =	shalt  }
0x4d: {  	_ =	shalt  }
0x4e: {  	_ =	shalt  }
0x4f: {  	_ =	shalt  }
0x50: {  	_ =	shalt  }
0x51: {  	_ =	shalt  }
0x52: {  	_ =	shalt  }
0x53: {  	_ =	shalt  }
0x54: {  	_ =	shalt  }
0x55: {  	_ =	shalt  }
0x56: {  	_ =	shalt  }
0x57: {  	_ =	shalt  }
0x58: {  	_ =	shalt  }
0x59: {  	_ =	shalt  }
0x5a: {  	_ =	shalt  }
0x5b: {  	_ =	shalt  }
0x5c: {  	_ =	shalt  }
0x5d: {  	_ =	shalt  }
0x5e: {  	_ =	shalt  }
0x5f: {  	_ =	shalt  }
0x60: {  	_ =	shalt  }
0x61: {  	_ =	shalt  }
0x62: {  	_ =	shalt  }
0x63: {  	_ =	shalt  }
0x64: {  	_ =	shalt  }
0x65: {  	_ =	shalt  }
0x66: {  	_ =	shalt  }
0x67: {  	_ =	shalt  }
0x68: {  	_ =	shalt  }
0x69: {  	_ =	shalt  }
0x6a: {  	_ =	shalt  }
0x6b: {  	_ =	shalt  }
0x6c: {  	_ =	shalt  }
0x6d: {  	_ =	shalt  }
0x6e: {  	_ =	shalt  }
0x6f: {  	_ =	shalt  }
0x70: {  	_ =	shalt  }
0x71: {  	_ =	shalt  }
0x72: {  	_ =	shalt  }
0x73: {  	_ =	shalt  }
0x74: {  	_ =	shalt  }
0x75: {  	_ =	shalt  }
0x76: {  	_ =	shalt  }
0x77: {  	_ =	shalt  }
0x78: {  	_ =	shalt  }
0x79: {  	_ =	shalt  }
0x7a: {  	_ =	shalt  }
0x7b: {  	_ =	shalt  }
0x7c: {  	_ =	shalt  }
0x7d: {  	_ =	shalt  }
0x7e: {  	_ =	shalt  }
0x7f: {  	_ =	shalt  }
0x80: {  	_ =	shalt  }
0x81: {  	_ =	shalt  }
0x82: {  	_ =	shalt  }
0x83: {  	_ =	shalt  }
0x84: {  	_ =	shalt  }
0x85: {  	_ =	shalt  }
0x86: {  	_ =	shalt  }
0x87: {  	_ =	shalt  }
.Lfunc_end0:
.L_simem_size_0:
called_computation.1_lowered:
.L_overlay_start_0:
0x88: {  	s2 =	sld [smem:$0x3FD9]  }
0x89: {  	s3 =	sld [smem:$0x3FFE];
	_ =	sdelay $0x1  }
0x8a: {  	s1 =	srdreg.scid  }
0x8b: {  	s0 =	sand.u32 $0x1, s1  }
0x8c: {  	s17 =	sshll.u32 s0, $0xA;
	s2 =	sadd.s32 s3, s2  }
0x8d: {  	s2 =	sadd.s32 s2, s17  }
0x8e: {  	[smem:$0x3FC6] =	sst s2  }
0x8f: {  	_ = 	snop  }
0x90: {  	s2 =	sld [smem:$0x3FD0];
	(tm) =	ssettm $0x1  }
0x91: {  	s18 =	sld [smem:$0x3FFB];
	_ =	sdelay $0x3  }
0x92: {  	_ =	strace s18  }
0x93: {  	s3 =	sld [smem:$0x3FFC];
	_ =	sdelay $0x3  }
0x94: {  	_ =	strace s3  }
0x95: {  	s3 =	sld [smem:$0x3FFD];
	_ =	sdelay $0x3  }
0x96: {  	_ =	strace s3  }
0x97: {  	_ =	strace $0x8FFFFFFF  }
0x98: {  	s19 =	sld [smem:$0x3FDB];
	_ =	sdelay $0x1  }
0x99: {  	s4 =	simm.s32 $_scs_section_size  }
0x9a: {  	s5 =	simm.s32 $_size__tile_overlayer_lowered;
	s6 =	simm.s32 $_tile_overlayer_lowered  }
0x9b: {  	s22 =	simm.s32 $0x1BFF;
	s21 =	sshll.u32 s6, $0x1;
	s3 =	sadd.s32 s4, s19  }
0x9c: {  	s7 =	simm.s32 $0x0;
	s20 =	sshll.u32 s5, $0x1;
	s5 =	sadd.s32 s21, s3  }
0x9d: {  	[timem:s7], [sflag:s22] =	dma.local [hbm:s5], s20  }
0x9e: {  	_ =	swait.ge [sflag:s22], s20  }
0x9f: {  	s4 =	ssub.s32 $0x0, s20;
	[sflag:s22] =	ssyncset.done $0x0  }
0xa0: {  	[sflag:s22] =	ssyncadd.s32 s4;
	_ =	sdelay $0x1  }
0xa1: {  	s23 =	simm.s32 $0x1B8B  }
0xa2: {  	_ =	swait.ge [sflag:s23], $0x1  }
0xa3: {  	[sflag:s23] =	ssyncset.done $0x0  }
0xa4: {  	s25 =	simm.s32 $0x1B8E;
	s24 =	sld [smem:$0x3FFE];
	[sflag:s23] =	ssyncadd.s32 $0xFFFFFFFF  }
0xa5: {  	s26 =	simm.s32 $execute0_lowered;
	[smem:$0x3FD2] =	sst s25  }
0xa6: {  	s5 =	sshll.u32 s26, $0x1;
	_ =	strace $0x80000046;
	[dreg:$0x1] =	wrdreg $0xFFFFFFFF  }
0xa7: {  	s28 =	simm.s32 $_size_execute0_lowered;
	s3 =	sadd.s32 s3, s5;
	[dreg:$0x0] =	wrdreg $0x0  }
0xa8: {  	s5 =	sshll.u32 s28, $0x1;
	[dreg:$0x2] =	wrdreg s3  }
0xa9: {  	[dreg:$0x3] =	wrdreg s5  }
0xaa: {  	[dreg:$0x4] =	wrdreg $0xC0  }
0xab: {  	_ =	task [dreg:s7], $0x5FFFF  }
0xac: {  	[dreg:$0x1] =	wrdreg $0xFFFFFFFF  }
0xad: {  	[dreg:$0x0] =	wrdreg $0x60  }
0xae: {  	[dreg:$0x2] =	wrdreg s24  }
0xaf: {  	[dreg:$0x3] =	wrdreg s2  }
0xb0: {  	[dreg:$0x4] =	wrdreg $0x9  }
0xb1: {  	_ =	task.clear_ibuf [dreg:s7], $0x5FFFF;
	_ =	strace $0x90000046  }
0xb2: {  	s29 =	simm.s32 $0x9;
	_ =	strace $0x80000048  }
0xb3: {  	_ =	swait.ge [sflag:s29], $0x1  }
0xb4: {  	[sflag:s29] =	ssyncadd.s32 $0xFFFFFFFF  }
0xb5: {  	_ =	strace $0x90000048  }
0xb6: {  	_ =	sfence  }
0xb7: {  	s30 =	sld [smem:$0x0];
	_ =	sdelay $0x2  }
0xb8: {  	s31 =	sshll.u32 s1, $0xD;
	s1 =	sshrl.u32 s1, $0x2  }
0xb9: {  	s3 =	sand.u32 $0x4000, s31;
	s1 =	sadd.s32 s1, s30  }
0xba: {  	s0 =	sor.u32 s3, s0;
	s1 =	sshll.u32 s1, $0x11  }
0xbb: {  	s0 =	sor.u32 s1, s0  }
0xbc: {  	s0 =	sadd.s32 $0x8F2B, s0  }
0xbd: {  	[sflag:s0] =	ssyncadd.remote.s32 $0x1  }
0xbe: {  	_ =	sfence.sel $0xFFFF  }
0xbf: {  	[dreg:$0x0] =	wrdreg $0xFFFFFFFF;
	(pc) =	sbr.abs _section_cstart, $3  }
0xc0: {  	[dreg:$0x1] =	wrdreg $0xFFFFFFFF  }
0xc1: {  	_ =	task.clear_ibuf [dreg:s7], $0x2FFFF;
	_ =	strace $0x9FFFFFFF  }
0xc2: {  	(tm) =	ssettm $0x7FFFFFFF  }
0xc3: {  	_ =	shalt  }
tec
execute0_lowered:
.L_overlay_start_1:
0x0: {  	(tag) =	ssettag $0x1  }
0x1: {  	s0 =	rddreg [dreg:$0x0];
	s2 =	simm.s32 $0x0;
	s1 =	srdreg.scid  }
0x2: {  	s4 =	stileid.u32;
	[smem:$0x7FF] =	sst s2;
	s1 =	sand.u32 $0x1, s1  }
0x3: {  	s3 =	sadd.s32 $0x2A00, s0;
	s4 =	sshll.u32 s4, $0x1;
	s0 =	sadd.s32 $0xA00, s0  }
0x4: {  	_ =	strace $0x80000047;
	s29 =	ssub.s32 $0x2, s1;
	s1 =	sor.u32 s1, s4  }
0x5: {  	[dreg:$0x3] =	wrdreg s3;
	s30 =	sshrl.u32 s29, $0x1;
	s1 =	smul.u32 $0x6400, s1  }
0x6: {  	[dreg:$0x4] =	wrdreg s0;
	s31 =	ssub.s32 s29, s30  }
0x7: {  	[dreg:$0x5] =	wrdreg s1;
	s0 =	smax.u32 s31, $0x1  }
0x8: {  	s2 =	simm.s32 $0x1;
	s1 =	simm.s32 $0x0;
	[dreg:$0x6] =	wrdreg s0  }
.LBB2_1:
0x9: {  	[dreg:$0x7] =	wrdreg s1  }
0xa: {  	s0 =	simm.s32 $0x0;
	s31 =	rddreg [dreg:$0x4]  }
0xb: {  	[tilespmem:s0], [sflag:$0x1] =	stream.linear.gather [hbm4b:s31+s0], $0x10000, $0x38;
	[tilespmem:$0x18200] =	vst v63  }
0xc: {  	_ =	swait.ge [sflag:s2], $0x10000  }
0xd: {  	[sflag:s2] =	ssyncset.done $0x0  }
0xe: {  	s0 =	simm.s32 $0x0;
	[sflag:s2] =	ssyncadd.s32 $0xFFFF0000  }
.LBB2_2:
0xf: {  	[dreg:$0x8] =	wrdreg s0  }
0x10: {  	s9 =	sshll.u32 s0, $0x9;
	s1 =	rddreg [dreg:$0x5]  }
0x11: {  	s10 =	rddreg [dreg:$0x3];
	s0 =	sadd.s32 s1, s9  }
0x12: {  	[dreg:$0x9] =	wrdreg s0;
	s0 =	sshrl.u32 s0, $0x3  }
0x13: {  	s11 =	simm.s32 $0x0;
	s3 =	simm.s32 $0x10000;
	s0 =	sadd.s32 s10, s0  }
0x14: {  	[tilespmem:s3], [sflag:$0x1] =	stream.linear.gather [hbm4b:s0+s11], $0x200, $0x38;
	[tilespmem:$0x18200] =	vst v63  }
0x15: {  	_ =	swait.ge [sflag:s2], $0x200  }
0x16: {  	[sflag:s2] =	ssyncset.done $0x0  }
0x17: {  	s12 =	simm.s32 $0x0;
	[sflag:s2] =	ssyncadd.s32 $0xFFFFFE00  }
0x18: {  	v0 =	vld [tilespmem:s12+$0x10000];
	_ =	sdelay $0x4  }
0x19: {  	v1 =	vshrl.u32 v0, $0xA  }
0x1a: {  	v0 =	vand.u32 $0x3FF, v0;
	v1 =	vand.u32 $0x3FF, v1  }
0x1b: {  	v11 =	vshll.u32 v0, $0x5;
	v1 =	vor.u32 $0x400, v1  }
0x1c: {  	(v2sf) =	vpush v11, $0x0;
	v10 =	vshll.u32 v1, $0x5  }
0x1d: {  	(v2sf) =	vpush v10, $0x0;
	_ =	sdelay $0xd  }
0x1e: {  	s13 =	spop (v2sf)  }
0x1f: {  	v0 =	vld [tilespmem:s13+$0x0];
	s15 =	spop (v2sf)  }
0x20: {  	v1 =	vld [tilespmem:s15+$0x0];
	_ =	sdelay $0x4  }
0x21: {  	(v2sf) =	vpush v11, $0x1;
	v0 =	vadd.bf16 v1, v0  }
0x22: {  	(v2sf) =	vpush v10, $0x1  }
0x23: {  	s14 =	simm.s32 $0x10400;
	v1 =	vunpack.i.l.bf16.f32 v0  }
0x24: {  	v0 =	vunpack.i.u.bf16.f32 v0;
	[tilespmem:s14+$0xFFFFFE00] =	vst v1  }
0x25: {  	[tilespmem:s14+$0xFFFFFE10] =	vst v0  }
0x26: {  	v0 =	vld [tilespmem:s15+$0x10]  }
0x27: {  	v1 =	vld [tilespmem:s13+$0x10];
	_ =	sdelay $0x4  }
0x28: {  	v0 =	vadd.bf16 v0, v1;
	_ =	sdelay $0x1  }
0x29: {  	v1 =	vunpack.i.l.bf16.f32 v0  }
0x2a: {  	v0 =	vunpack.i.u.bf16.f32 v0;
	[tilespmem:s14+$0xFFFFFE20] =	vst v1  }
0x2b: {  	s16 =	spop (v2sf);
	[tilespmem:s14+$0xFFFFFE30] =	vst v0  }
0x2c: {  	s17 =	spop (v2sf);
	v0 =	vld [tilespmem:s16+$0x0]  }
0x2d: {  	v1 =	vld [tilespmem:s17+$0x0];
	_ =	sdelay $0x4  }
0x2e: {  	(v2sf) =	vpush v11, $0x2;
	v0 =	vadd.bf16 v1, v0  }
0x2f: {  	(v2sf) =	vpush v10, $0x2  }
0x30: {  	v1 =	vunpack.i.l.bf16.f32 v0  }
0x31: {  	v0 =	vunpack.i.u.bf16.f32 v0;
	[tilespmem:s14+$0xFFFFFE40] =	vst v1  }
0x32: {  	[tilespmem:s14+$0xFFFFFE50] =	vst v0  }
0x33: {  	v0 =	vld [tilespmem:s16+$0x10]  }
0x34: {  	v1 =	vld [tilespmem:s17+$0x10];
	_ =	sdelay $0x4  }
0x35: {  	s18 =	simm.s32 $0x10;
	v0 =	vadd.bf16 v1, v0  }
0x36: {  	v1 =	vld [tilespmem:s18+$0x10000]  }
0x37: {  	v2 =	vunpack.i.l.bf16.f32 v0  }
0x38: {  	v0 =	vunpack.i.u.bf16.f32 v0;
	[tilespmem:s14+$0xFFFFFE60] =	vst v2  }
0x39: {  	s19 =	spop (v2sf);
	[tilespmem:s14+$0xFFFFFE70] =	vst v0  }
0x3a: {  	s20 =	spop (v2sf);
	v0 =	vld [tilespmem:s19+$0x0]  }
0x3b: {  	v3 =	vld [tilespmem:s20+$0x0];
	v2 =	vshrl.u32 v1, $0xA  }
0x3c: {  	v1 =	vand.u32 $0x3FF, v1;
	v2 =	vand.u32 $0x3FF, v2  }
0x3d: {  	v4 =	vshll.u32 v1, $0x5;
	v2 =	vor.u32 $0x400, v2  }
0x3e: {  	(v2sf) =	vpush v4, $0x0;
	v5 =	vshll.u32 v2, $0x5  }
0x3f: {  	(v2sf) =	vpush v5, $0x0  }
0x40: {  	v0 =	vadd.bf16 v3, v0;
	(v2sf) =	vpush v11, $0x3  }
0x41: {  	(v2sf) =	vpush v10, $0x3  }
0x42: {  	v1 =	vunpack.i.l.bf16.f32 v0  }
0x43: {  	v0 =	vunpack.i.u.bf16.f32 v0;
	[tilespmem:s14+$0xFFFFFE80] =	vst v1  }
0x44: {  	[tilespmem:s14+$0xFFFFFE90] =	vst v0  }
0x45: {  	v0 =	vld [tilespmem:s19+$0x10]  }
0x46: {  	v1 =	vld [tilespmem:s20+$0x10];
	_ =	sdelay $0x4  }
0x47: {  	v0 =	vadd.bf16 v1, v0;
	_ =	sdelay $0x1  }
0x48: {  	v1 =	vunpack.i.l.bf16.f32 v0;
	s21 =	spop (v2sf)  }
0x49: {  	v0 =	vunpack.i.u.bf16.f32 v0;
	[tilespmem:s14+$0xFFFFFEA0] =	vst v1;
	s22 =	spop (v2sf)  }
0x4a: {  	[tilespmem:s14+$0xFFFFFEB0] =	vst v0;
	s23 =	spop (v2sf)  }
0x4b: {  	v0 =	vld [tilespmem:s23+$0x0];
	s24 =	spop (v2sf)  }
0x4c: {  	v1 =	vld [tilespmem:s24+$0x0]  }
0x4d: {  	v2 =	vld [tilespmem:s21+$0x0]  }
0x4e: {  	v3 =	vld [tilespmem:s22+$0x0]  }
0x4f: {  	(v2sf) =	vpush v4, $0x1  }
0x50: {  	(v2sf) =	vpush v5, $0x1  }
0x51: {  	(v2sf) =	vpush v11, $0x4;
	v0 =	vadd.bf16 v1, v0  }
0x52: {  	(v2sf) =	vpush v10, $0x4  }
0x53: {  	v1 =	vadd.bf16 v3, v2;
	v2 =	vunpack.i.l.bf16.f32 v0  }
0x54: {  	v0 =	vunpack.i.u.bf16.f32 v0;
	[tilespmem:s14+$0xFFFFFEC0] =	vst v2  }
0x55: {  	s15 =	simm.s32 $0x10800;
	v2 =	vunpack.i.l.bf16.f32 v1;
	[tilespmem:s14+$0xFFFFFED0] =	vst v0  }
0x56: {  	v0 =	vunpack.i.u.bf16.f32 v1;
	[tilespmem:s15+$0xFFFFFE00] =	vst v2;
	v1 =	vld [tilespmem:s23+$0x10]  }
0x57: {  	[tilespmem:s15+$0xFFFFFE10] =	vst v0;
	v0 =	vld [tilespmem:s24+$0x10]  }
0x58: {  	v2 =	vld [tilespmem:s22+$0x10]  }
0x59: {  	v3 =	vld [tilespmem:s21+$0x10];
	_ =	sdelay $0x2  }
0x5a: {  	v0 =	vadd.bf16 v0, v1;
	_ =	sdelay $0x1  }
0x5b: {  	s25 =	spop (v2sf);
	v1 =	vadd.bf16 v2, v3;
	v2 =	vunpack.i.l.bf16.f32 v0  }
0x5c: {  	s26 =	spop (v2sf);
	v0 =	vunpack.i.u.bf16.f32 v0;
	[tilespmem:s14+$0xFFFFFEE0] =	vst v2  }
0x5d: {  	s28 =	spop (v2sf);
	v2 =	vunpack.i.l.bf16.f32 v1;
	[tilespmem:s14+$0xFFFFFEF0] =	vst v0  }
0x5e: {  	v0 =	vunpack.i.u.bf16.f32 v1;
	s29 =	spop (v2sf);
	[tilespmem:s15+$0xFFFFFE20] =	vst v2;
	v1 =	vld [tilespmem:s28+$0x0]  }
0x5f: {  	[tilespmem:s15+$0xFFFFFE30] =	vst v0;
	v0 =	vld [tilespmem:s29+$0x0]  }
0x60: {  	v2 =	vld [tilespmem:s25+$0x0]  }
0x61: {  	v3 =	vld [tilespmem:s26+$0x0]  }
0x62: {  	(v2sf) =	vpush v4, $0x2  }
0x63: {  	(v2sf) =	vpush v5, $0x2  }
0x64: {  	(v2sf) =	vpush v11, $0x5;
	v0 =	vadd.bf16 v0, v1  }
0x65: {  	(v2sf) =	vpush v10, $0x5  }
0x66: {  	v2 =	vadd.bf16 v3, v2;
	v3 =	vunpack.i.l.bf16.f32 v0  }
0x67: {  	s4 =	simm.s32 $0x20;
	v0 =	vunpack.i.u.bf16.f32 v0;
	[tilespmem:s14+$0xFFFFFF00] =	vst v3  }
0x68: {  	v1 =	vld [tilespmem:s4+$0x10000];
	v3 =	vunpack.i.l.bf16.f32 v2;
	[tilespmem:s14+$0xFFFFFF10] =	vst v0  }
0x69: {  	v0 =	vunpack.i.u.bf16.f32 v2;
	[tilespmem:s15+$0xFFFFFE40] =	vst v3;
	v2 =	vld [tilespmem:s28+$0x10]  }
0x6a: {  	[tilespmem:s15+$0xFFFFFE50] =	vst v0;
	v3 =	vld [tilespmem:s29+$0x10]  }
0x6b: {  	v6 =	vld [tilespmem:s25+$0x10]  }
0x6c: {  	v7 =	vld [tilespmem:s26+$0x10]  }
0x6d: {  	v0 =	vshrl.u32 v1, $0xA  }
0x6e: {  	v1 =	vand.u32 $0x3FF, v1;
	v0 =	vand.u32 $0x3FF, v0  }
0x6f: {  	v8 =	vor.u32 $0x400, v0;
	v0 =	vshll.u32 v1, $0x5;
	v2 =	vadd.bf16 v3, v2  }
0x70: {  	v1 =	vshll.u32 v8, $0x5;
	(v2sf) =	vpush v0, $0x0  }
0x71: {  	s30 =	spop (v2sf);
	(v2sf) =	vpush v1, $0x0;
	v3 =	vadd.bf16 v7, v6;
	v6 =	vunpack.i.l.bf16.f32 v2  }
0x72: {  	s31 =	spop (v2sf);
	v2 =	vunpack.i.u.bf16.f32 v2;
	[tilespmem:s14+$0xFFFFFF20] =	vst v6  }
0x73: {  	s3 =	spop (v2sf);
	v6 =	vunpack.i.l.bf16.f32 v3;
	[tilespmem:s14+$0xFFFFFF30] =	vst v2  }
0x74: {  	s4 =	spop (v2sf);
	v2 =	vunpack.i.u.bf16.f32 v3;
	[tilespmem:s15+$0xFFFFFE60] =	vst v6;
	v3 =	vld [tilespmem:s3+$0x0]  }
0x75: {  	[tilespmem:s15+$0xFFFFFE70] =	vst v2;
	v2 =	vld [tilespmem:s4+$0x0]  }
0x76: {  	v6 =	vld [tilespmem:s30+$0x0]  }
0x77: {  	v7 =	vld [tilespmem:s31+$0x0];
	_ =	sdelay $0x2  }
0x78: {  	v2 =	vadd.bf16 v2, v3;
	_ =	sdelay $0x1  }
0x79: {  	v3 =	vadd.bf16 v7, v6;
	v6 =	vunpack.i.l.bf16.f32 v2  }
0x7a: {  	(v2sf) =	vpush v11, $0x6;
	v2 =	vunpack.i.u.bf16.f32 v2;
	[tilespmem:s14+$0xFFFFFF40] =	vst v6  }
0x7b: {  	(v2sf) =	vpush v10, $0x6;
	[tilespmem:s14+$0xFFFFFF50] =	vst v2  }
0x7c: {  	v6 =	vunpack.i.l.bf16.f32 v3;
	v2 =	vunpack.i.u.bf16.f32 v3;
	v3 =	vld [tilespmem:s3+$0x10];
	s6 =	spop (v2sf);
	(v2sf) =	vpush v4, $0x3  }
0x7d: {  	v7 =	vld [tilespmem:s6+$0x0];
	s5 =	spop (v2sf);
	(v2sf) =	vpush v5, $0x3  }
0x7e: {  	[tilespmem:s15+$0xFFFFFE80] =	vst v6;
	v8 =	vld [tilespmem:s5+$0x0]  }
0x7f: {  	[tilespmem:s15+$0xFFFFFE90] =	vst v2;
	v2 =	vld [tilespmem:s4+$0x10]  }
0x80: {  	v6 =	vld [tilespmem:s30+$0x10]  }
0x81: {  	v9 =	vld [tilespmem:s31+$0x10];
	_ =	sdelay $0x1  }
0x82: {  	v7 =	vadd.bf16 v8, v7  }
0x83: {  	v2 =	vadd.bf16 v2, v3  }
0x84: {  	s16 =	simm.s32 $0x10C00;
	v3 =	vunpack.i.l.bf16.f32 v7  }
0x85: {  	[tilespmem:s16+$0xFFFFFE00] =	vst v3;
	v3 =	vadd.bf16 v9, v6;
	v6 =	vunpack.i.l.bf16.f32 v2  }
0x86: {  	v2 =	vunpack.i.u.bf16.f32 v2;
	[tilespmem:s14+$0xFFFFFF60] =	vst v6  }
0x87: {  	[tilespmem:s14+$0xFFFFFF70] =	vst v2;
	v6 =	vunpack.i.l.bf16.f32 v3  }
0x88: {  	s7 =	spop (v2sf);
	v2 =	vunpack.i.u.bf16.f32 v3;
	[tilespmem:s15+$0xFFFFFEA0] =	vst v6  }
0x89: {  	(v2sf) =	vpush v0, $0x1;
	s8 =	spop (v2sf);
	v3 =	vld [tilespmem:s7+$0x0];
	v6 =	vunpack.i.u.bf16.f32 v7;
	[tilespmem:s15+$0xFFFFFEB0] =	vst v2  }
0x8a: {  	(v2sf) =	vpush v1, $0x1;
	v2 =	vld [tilespmem:s8+$0x0];
	[tilespmem:s16+$0xFFFFFE10] =	vst v6;
	s9 =	spop (v2sf)  }
0x8b: {  	v6 =	vld [tilespmem:s9+$0x0];
	s3 =	spop (v2sf)  }
0x8c: {  	v7 =	vld [tilespmem:s3+$0x0];
	_ =	sdelay $0x2  }
0x8d: {  	(v2sf) =	vpush v11, $0x7  }
0x8e: {  	(v2sf) =	vpush v10, $0x7  }
0x8f: {  	(v2sf) =	vpush v4, $0x4;
	v6 =	vadd.bf16 v7, v6  }
0x90: {  	v8 =	vld [tilespmem:s6+$0x10];
	(v2sf) =	vpush v5, $0x4  }
0x91: {  	v7 =	vld [tilespmem:s5+$0x10];
	v9 =	vunpack.i.l.bf16.f32 v6  }
0x92: {  	v2 =	vadd.bf16 v2, v3;
	v3 =	vunpack.i.u.bf16.f32 v6;
	[tilespmem:s15+$0xFFFFFEC0] =	vst v9  }
0x93: {  	[tilespmem:s15+$0xFFFFFED0] =	vst v3  }
0x94: {  	v3 =	vunpack.i.l.bf16.f32 v2;
	v6 =	vld [tilespmem:s9+$0x10]  }
0x95: {  	v2 =	vunpack.i.u.bf16.f32 v2;
	[tilespmem:s14+$0xFFFFFF80] =	vst v3;
	v3 =	vld [tilespmem:s3+$0x10]  }
0x96: {  	[tilespmem:s14+$0xFFFFFF90] =	vst v2;
	v2 =	vadd.bf16 v7, v8  }
0x97: {  	v7 =	vld [tilespmem:s7+$0x10]  }
0x98: {  	v8 =	vld [tilespmem:s8+$0x10];
	v9 =	vunpack.i.l.bf16.f32 v2  }
0x99: {  	v2 =	vunpack.i.u.bf16.f32 v2;
	[tilespmem:s16+$0xFFFFFE20] =	vst v9  }
0x9a: {  	s10 =	spop (v2sf);
	[tilespmem:s16+$0xFFFFFE30] =	vst v2;
	v2 =	vadd.bf16 v3, v6  }
0x9b: {  	s11 =	spop (v2sf);
	v3 =	vld [tilespmem:s10+$0x0]  }
0x9c: {  	v6 =	vld [tilespmem:s11+$0x0];
	s12 =	spop (v2sf);
	v9 =	vunpack.i.l.bf16.f32 v2  }
0x9d: {  	v7 =	vadd.bf16 v8, v7;
	v2 =	vunpack.i.u.bf16.f32 v2;
	s13 =	spop (v2sf);
	[tilespmem:s15+$0xFFFFFEE0] =	vst v9  }
0x9e: {  	[tilespmem:s15+$0xFFFFFEF0] =	vst v2;
	s17 =	spop (v2sf)  }
0x9f: {  	v2 =	vunpack.i.l.bf16.f32 v7;
	v8 =	vld [tilespmem:s17+$0x0];
	s18 =	spop (v2sf)  }
0xa0: {  	v7 =	vunpack.i.u.bf16.f32 v7;
	[tilespmem:s14+$0xFFFFFFA0] =	vst v2;
	v2 =	vld [tilespmem:s18+$0x0]  }
0xa1: {  	(v2sf) =	vpush v0, $0x2;
	[tilespmem:s14+$0xFFFFFFB0] =	vst v7;
	v3 =	vadd.bf16 v6, v3  }
0xa2: {  	(v2sf) =	vpush v1, $0x2;
	v6 =	vld [tilespmem:s12+$0x0]  }
0xa3: {  	(v2sf) =	vpush v11, $0x8;
	v7 =	vld [tilespmem:s13+$0x0];
	v9 =	vunpack.i.l.bf16.f32 v3  }
0xa4: {  	(v2sf) =	vpush v10, $0x8;
	v3 =	vunpack.i.u.bf16.f32 v3;
	[tilespmem:s16+$0xFFFFFE40] =	vst v9  }
0xa5: {  	(v2sf) =	vpush v4, $0x5;
	[tilespmem:s16+$0xFFFFFE50] =	vst v3;
	v2 =	vadd.bf16 v2, v8  }
0xa6: {  	(v2sf) =	vpush v5, $0x5;
	v3 =	vld [tilespmem:s10+$0x10]  }
0xa7: {  	v8 =	vld [tilespmem:s11+$0x10];
	v9 =	vunpack.i.l.bf16.f32 v2  }
0xa8: {  	s19 =	simm.s32 $0x30;
	v6 =	vadd.bf16 v7, v6;
	v2 =	vunpack.i.u.bf16.f32 v2;
	[tilespmem:s15+$0xFFFFFF00] =	vst v9  }
0xa9: {  	v7 =	vld [tilespmem:s19+$0x10000];
	[tilespmem:s15+$0xFFFFFF10] =	vst v2  }
0xaa: {  	v2 =	vunpack.i.l.bf16.f32 v6;
	v9 =	vld [tilespmem:s17+$0x10]  }
0xab: {  	v6 =	vunpack.i.u.bf16.f32 v6;
	[tilespmem:s14+$0xFFFFFFC0] =	vst v2;
	v12 =	vld [tilespmem:s18+$0x10]  }
0xac: {  	[tilespmem:s14+$0xFFFFFFD0] =	vst v6;
	v2 =	vadd.bf16 v8, v3  }
0xad: {  	v6 =	vld [tilespmem:s12+$0x10]  }
0xae: {  	v3 =	vshrl.u32 v7, $0xA;
	v8 =	vld [tilespmem:s13+$0x10];
	v13 =	vunpack.i.l.bf16.f32 v2  }
0xaf: {  	v7 =	vand.u32 $0x3FF, v7;
	v3 =	vand.u32 $0x3FF, v3;
	v14 =	vunpack.i.u.bf16.f32 v2;
	[tilespmem:s16+$0xFFFFFE60] =	vst v13  }
0xb0: {  	s20 =	spop (v2sf);
	v3 =	vor.u32 $0x400, v3;
	v2 =	vshll.u32 v7, $0x5;
	[tilespmem:s16+$0xFFFFFE70] =	vst v14;
	v7 =	vadd.bf16 v12, v9  }
0xb1: {  	s21 =	spop (v2sf);
	v3 =	vshll.u32 v3, $0x5;
	(v2sf) =	vpush v2, $0x0;
	v9 =	vld [tilespmem:s20+$0x0]  }
0xb2: {  	s22 =	spop (v2sf);
	(v2sf) =	vpush v3, $0x0;
	v12 =	vld [tilespmem:s21+$0x0];
	v13 =	vunpack.i.l.bf16.f32 v7  }
0xb3: {  	s23 =	spop (v2sf);
	v6 =	vadd.bf16 v8, v6;
	(v2sf) =	vpush v11, $0x9;
	v7 =	vunpack.i.u.bf16.f32 v7;
	[tilespmem:s15+$0xFFFFFF20] =	vst v13  }
0xb4: {  	s24 =	spop (v2sf);
	(v2sf) =	vpush v10, $0x9;
	[tilespmem:s15+$0xFFFFFF30] =	vst v7  }
0xb5: {  	s6 =	spop (v2sf);
	v7 =	vunpack.i.l.bf16.f32 v6;
	(v2sf) =	vpush v4, $0x6;
	v8 =	vld [tilespmem:s24+$0x0]  }
0xb6: {  	v6 =	vunpack.i.u.bf16.f32 v6;
	[tilespmem:s14+$0xFFFFFFE0] =	vst v7;
	v7 =	vld [tilespmem:s6+$0x0];
	(v2sf) =	vpush v5, $0x6  }
0xb7: {  	[tilespmem:s14+$0xFFFFFFF0] =	vst v6;
	v6 =	vadd.bf16 v12, v9;
	(v2sf) =	vpush v0, $0x3  }
0xb8: {  	v9 =	vld [tilespmem:s22+$0x0];
	(v2sf) =	vpush v1, $0x3  }
0xb9: {  	v12 =	vld [tilespmem:s23+$0x0];
	v13 =	vunpack.i.l.bf16.f32 v6  }
0xba: {  	v6 =	vunpack.i.u.bf16.f32 v6;
	[tilespmem:s16+$0xFFFFFE80] =	vst v13  }
0xbb: {  	[tilespmem:s16+$0xFFFFFE90] =	vst v6;
	v7 =	vadd.bf16 v7, v8  }
0xbc: {  	v6 =	vld [tilespmem:s20+$0x10]  }
0xbd: {  	v13 =	vld [tilespmem:s21+$0x10];
	v8 =	vunpack.i.l.bf16.f32 v7  }
0xbe: {  	v9 =	vadd.bf16 v12, v9;
	v7 =	vunpack.i.u.bf16.f32 v7;
	[tilespmem:s15+$0xFFFFFF40] =	vst v8  }
0xbf: {  	[tilespmem:s15+$0xFFFFFF50] =	vst v7  }
0xc0: {  	v7 =	vunpack.i.l.bf16.f32 v9;
	v8 =	vld [tilespmem:s24+$0x10];
	s25 =	spop (v2sf)  }
0xc1: {  	v9 =	vunpack.i.u.bf16.f32 v9;
	[tilespmem:s14+$0x0] =	vst v7;
	v7 =	vld [tilespmem:s6+$0x10];
	s26 =	spop (v2sf)  }
0xc2: {  	[tilespmem:s14+$0x10] =	vst v9;
	v6 =	vadd.bf16 v13, v6;
	s28 =	spop (v2sf)  }
0xc3: {  	v9 =	vld [tilespmem:s22+$0x10];
	s29 =	spop (v2sf)  }
0xc4: {  	v12 =	vld [tilespmem:s23+$0x10];
	v13 =	vunpack.i.l.bf16.f32 v6;
	s30 =	spop (v2sf)  }
0xc5: {  	v6 =	vunpack.i.u.bf16.f32 v6;
	[tilespmem:s16+$0xFFFFFEA0] =	vst v13;
	s31 =	spop (v2sf)  }
0xc6: {  	[tilespmem:s16+$0xFFFFFEB0] =	vst v6;
	v7 =	vadd.bf16 v7, v8;
	s8 =	spop (v2sf)  }
0xc7: {  	v6 =	vld [tilespmem:s8+$0x0];
	s7 =	spop (v2sf)  }
0xc8: {  	v8 =	vunpack.i.l.bf16.f32 v7;
	v13 =	vld [tilespmem:s7+$0x0]  }
0xc9: {  	v14 =	vld [tilespmem:s25+$0x0];
	(v2sf) =	vpush v2, $0x1;
	v9 =	vadd.bf16 v12, v9;
	v7 =	vunpack.i.u.bf16.f32 v7;
	[tilespmem:s15+$0xFFFFFF60] =	vst v8  }
0xca: {  	(v2sf) =	vpush v3, $0x1;
	v8 =	vld [tilespmem:s26+$0x0];
	[tilespmem:s15+$0xFFFFFF70] =	vst v7  }
0xcb: {  	(v2sf) =	vpush v4, $0x7;
	v7 =	vunpack.i.l.bf16.f32 v9;
	v12 =	vld [tilespmem:s30+$0x0]  }
0xcc: {  	(v2sf) =	vpush v5, $0x7;
	v9 =	vunpack.i.u.bf16.f32 v9;
	[tilespmem:s14+$0x20] =	vst v7;
	v7 =	vld [tilespmem:s31+$0x0]  }
0xcd: {  	(v2sf) =	vpush v0, $0x4;
	[tilespmem:s14+$0x30] =	vst v9;
	v6 =	vadd.bf16 v13, v6  }
0xce: {  	(v2sf) =	vpush v1, $0x4;
	v9 =	vld [tilespmem:s28+$0x0]  }
0xcf: {  	v8 =	vadd.bf16 v8, v14;
	v13 =	vld [tilespmem:s29+$0x0];
	v14 =	vunpack.i.l.bf16.f32 v6  }
0xd0: {  	v6 =	vunpack.i.u.bf16.f32 v6;
	[tilespmem:s16+$0xFFFFFEC0] =	vst v14  }
0xd1: {  	s17 =	simm.s32 $0x11000;
	v7 =	vadd.bf16 v7, v12;
	v14 =	vunpack.i.l.bf16.f32 v8;
	[tilespmem:s16+$0xFFFFFED0] =	vst v6  }
0xd2: {  	v6 =	vunpack.i.u.bf16.f32 v8;
	[tilespmem:s17+$0xFFFFFE00] =	vst v14;
	v8 =	vld [tilespmem:s8+$0x10]  }
0xd3: {  	[tilespmem:s17+$0xFFFFFE10] =	vst v6;
	v6 =	vunpack.i.l.bf16.f32 v7;
	v12 =	vld [tilespmem:s7+$0x10]  }
0xd4: {  	(v2sf) =	vpush v11, $0xA;
	v7 =	vunpack.i.u.bf16.f32 v7;
	v9 =	vadd.bf16 v13, v9;
	v13 =	vld [tilespmem:s26+$0x10];
	[tilespmem:s15+$0xFFFFFF80] =	vst v6  }
0xd5: {  	(v2sf) =	vpush v10, $0xA;
	v6 =	vld [tilespmem:s25+$0x10];
	[tilespmem:s15+$0xFFFFFF90] =	vst v7  }
0xd6: {  	v14 =	vld [tilespmem:s30+$0x10];
	v7 =	vunpack.i.l.bf16.f32 v9  }
0xd7: {  	v9 =	vunpack.i.u.bf16.f32 v9;
	[tilespmem:s14+$0x40] =	vst v7;
	v7 =	vld [tilespmem:s31+$0x10]  }
0xd8: {  	s9 =	spop (v2sf);
	[tilespmem:s14+$0x50] =	vst v9;
	v8 =	vadd.bf16 v12, v8  }
0xd9: {  	s10 =	spop (v2sf);
	v9 =	vld [tilespmem:s28+$0x10]  }
0xda: {  	s11 =	spop (v2sf);
	v12 =	vld [tilespmem:s29+$0x10];
	v6 =	vadd.bf16 v13, v6;
	v13 =	vunpack.i.l.bf16.f32 v8  }
0xdb: {  	s12 =	spop (v2sf);
	v8 =	vunpack.i.u.bf16.f32 v8;
	[tilespmem:s16+$0xFFFFFEE0] =	vst v13  }
0xdc: {  	s13 =	spop (v2sf);
	v13 =	vunpack.i.l.bf16.f32 v6;
	[tilespmem:s16+$0xFFFFFEF0] =	vst v8;
	v7 =	vadd.bf16 v7, v14  }
0xdd: {  	s18 =	spop (v2sf);
	v6 =	vunpack.i.u.bf16.f32 v6;
	[tilespmem:s17+$0xFFFFFE20] =	vst v13;
	v8 =	vld [tilespmem:s13+$0x0]  }
0xde: {  	(v2sf) =	vpush v2, $0x2;
	[tilespmem:s17+$0xFFFFFE30] =	vst v6;
	v13 =	vld [tilespmem:s18+$0x0];
	v6 =	vunpack.i.l.bf16.f32 v7  }
0xdf: {  	(v2sf) =	vpush v10, $0xB;
	v14 =	vld [tilespmem:s9+$0x0];
	v7 =	vunpack.i.u.bf16.f32 v7;
	[tilespmem:s15+$0xFFFFFFA0] =	vst v6;
	v6 =	vadd.bf16 v12, v9  }
0xe0: {  	(v2sf) =	vpush v3, $0x2;
	v9 =	vld [tilespmem:s10+$0x0];
	[tilespmem:s15+$0xFFFFFFB0] =	vst v7  }
0xe1: {  	(v2sf) =	vpush v4, $0x8;
	v7 =	vld [tilespmem:s11+$0x0];
	v12 =	vunpack.i.l.bf16.f32 v6  }
0xe2: {  	(v2sf) =	vpush v5, $0x8;
	v15 =	vld [tilespmem:s12+$0x0];
	v6 =	vunpack.i.u.bf16.f32 v6;
	[tilespmem:s14+$0x60] =	vst v12  }
0xe3: {  	(v2sf) =	vpush v0, $0x5;
	s19 =	spop (v2sf);
	[tilespmem:s14+$0x70] =	vst v6;
	v6 =	vadd.bf16 v13, v8  }
0xe4: {  	(v2sf) =	vpush v1, $0x5;
	s20 =	spop (v2sf);
	v8 =	vld [tilespmem:s19+$0x0]  }
0xe5: {  	v12 =	vld [tilespmem:s20+$0x0];
	v9 =	vadd.bf16 v9, v14;
	v13 =	vunpack.i.l.bf16.f32 v6  }
0xe6: {  	s8 =	simm.s32 $0x40;
	v6 =	vunpack.i.u.bf16.f32 v6;
	[tilespmem:s16+$0xFFFFFF00] =	vst v13  }
0xe7: {  	v13 =	vld [tilespmem:s8+$0x10000];
	v7 =	vadd.bf16 v15, v7;
	[tilespmem:s16+$0xFFFFFF10] =	vst v6;
	v14 =	vunpack.i.l.bf16.f32 v9  }
0xe8: {  	v6 =	vunpack.i.u.bf16.f32 v9;
	v9 =	vld [tilespmem:s13+$0x10];
	[tilespmem:s17+$0xFFFFFE40] =	vst v14  }
0xe9: {  	[tilespmem:s17+$0xFFFFFE50] =	vst v6;
	v6 =	vunpack.i.l.bf16.f32 v7;
	v14 =	vld [tilespmem:s18+$0x10]  }
0xea: {  	(v2sf) =	vpush v11, $0xB;
	v7 =	vunpack.i.u.bf16.f32 v7;
	v15 =	vld [tilespmem:s9+$0x10];
	[tilespmem:s15+$0xFFFFFFC0] =	vst v6;
	v6 =	vadd.bf16 v12, v8  }
0xeb: {  	v8 =	vld [tilespmem:s10+$0x10];
	[tilespmem:s15+$0xFFFFFFD0] =	vst v7  }
0xec: {  	v7 =	vld [tilespmem:s11+$0x10];
	v12 =	vunpack.i.l.bf16.f32 v6  }
0xed: {  	s21 =	spop (v2sf);
	v16 =	vld [tilespmem:s12+$0x10];
	v6 =	vunpack.i.u.bf16.f32 v6;
	[tilespmem:s14+$0x80] =	vst v12  }
0xee: {  	s22 =	spop (v2sf);
	[tilespmem:s14+$0x90] =	vst v6;
	v6 =	vadd.bf16 v14, v9  }
0xef: {  	s23 =	spop (v2sf);
	v9 =	vld [tilespmem:s19+$0x10]  }
0xf0: {  	s24 =	spop (v2sf);
	v12 =	vld [tilespmem:s20+$0x10];
	v8 =	vadd.bf16 v8, v15;
	v14 =	vunpack.i.l.bf16.f32 v6  }
0xf1: {  	s25 =	spop (v2sf);
	v15 =	vshrl.u32 v13, $0xA;
	v6 =	vunpack.i.u.bf16.f32 v6;
	[tilespmem:s16+$0xFFFFFF20] =	vst v14  }
0xf2: {  	s26 =	spop (v2sf);
	v16 =	vadd.bf16 v16, v7;
	v14 =	vand.u32 $0x3FF, v15;
	v15 =	vunpack.i.l.bf16.f32 v8;
	[tilespmem:s16+$0xFFFFFF30] =	vst v6  }
0xf3: {  	s28 =	spop (v2sf);
	v6 =	vand.u32 $0x3FF, v13;
	v8 =	vunpack.i.u.bf16.f32 v8;
	v13 =	vor.u32 $0x400, v14;
	[tilespmem:s17+$0xFFFFFE60] =	vst v15;
	v14 =	vld [tilespmem:s26+$0x0]  }
0xf4: {  	v7 =	vshll.u32 v6, $0x5;
	[tilespmem:s17+$0xFFFFFE70] =	vst v8;
	v8 =	vunpack.i.l.bf16.f32 v16;
	v6 =	vshll.u32 v13, $0x5;
	v13 =	vld [tilespmem:s28+$0x0]  }
0xf5: {  	v16 =	vunpack.i.u.bf16.f32 v16;
	(v2sf) =	vpush v7, $0x0;
	v15 =	vld [tilespmem:s21+$0x0];
	[tilespmem:s15+$0xFFFFFFE0] =	vst v8;
	v8 =	vadd.bf16 v12, v9  }
0xf6: {  	v9 =	vld [tilespmem:s23+$0x0];
	[tilespmem:s15+$0xFFFFFFF0] =	vst v16;
	(v2sf) =	vpush v6, $0x0  }
0xf7: {  	v12 =	vld [tilespmem:s24+$0x0];
	v16 =	vunpack.i.l.bf16.f32 v8;
	(v2sf) =	vpush v4, $0x9  }
0xf8: {  	v17 =	vld [tilespmem:s25+$0x0];
	v8 =	vunpack.i.u.bf16.f32 v8;
	[tilespmem:s14+$0xA0] =	vst v16;
	(v2sf) =	vpush v5, $0x9  }
0xf9: {  	s29 =	spop (v2sf);
	[tilespmem:s14+$0xB0] =	vst v8;
	(v2sf) =	vpush v0, $0x6;
	v8 =	vadd.bf16 v13, v14  }
0xfa: {  	v13 =	vld [tilespmem:s29+$0x0];
	(v2sf) =	vpush v1, $0x6  }
0xfb: {  	v9 =	vadd.bf16 v9, v15;
	v14 =	vld [tilespmem:s22+$0x0];
	(v2sf) =	vpush v2, $0x3;
	v15 =	vunpack.i.l.bf16.f32 v8  }
0xfc: {  	(v2sf) =	vpush v3, $0x3;
	v8 =	vunpack.i.u.bf16.f32 v8;
	[tilespmem:s16+$0xFFFFFF40] =	vst v15  }
0xfd: {  	v12 =	vadd.bf16 v17, v12;
	v15 =	vunpack.i.l.bf16.f32 v9;
	[tilespmem:s16+$0xFFFFFF50] =	vst v8  }
0xfe: {  	v8 =	vunpack.i.u.bf16.f32 v9;
	[tilespmem:s17+$0xFFFFFE80] =	vst v15;
	v9 =	vld [tilespmem:s26+$0x10]  }
0xff: {  	(v2sf) =	vpush v11, $0xC;
	v15 =	vunpack.i.l.bf16.f32 v12;
	[tilespmem:s17+$0xFFFFFE90] =	vst v8;
	v8 =	vld [tilespmem:s28+$0x10]  }
0x100: {  	v12 =	vunpack.i.u.bf16.f32 v12;
	(v2sf) =	vpush v10, $0xC;
	[tilespmem:s15+$0x0] =	vst v15;
	v13 =	vadd.bf16 v14, v13;
	v14 =	vld [tilespmem:s21+$0x10]  }
0x101: {  	[tilespmem:s15+$0x10] =	vst v12;
	v12 =	vld [tilespmem:s23+$0x10]  }
0x102: {  	v15 =	vld [tilespmem:s24+$0x10];
	v16 =	vunpack.i.l.bf16.f32 v13  }
0x103: {  	v17 =	vld [tilespmem:s25+$0x10];
	v13 =	vunpack.i.u.bf16.f32 v13;
	[tilespmem:s14+$0xC0] =	vst v16  }
0x104: {  	[tilespmem:s14+$0xD0] =	vst v13;
	v8 =	vadd.bf16 v8, v9;
	s30 =	spop (v2sf)  }
0x105: {  	v9 =	vld [tilespmem:s29+$0x10];
	s31 =	spop (v2sf)  }
0x106: {  	v13 =	vld [tilespmem:s22+$0x10];
	v12 =	vadd.bf16 v12, v14;
	v14 =	vunpack.i.l.bf16.f32 v8;
	s0 =	spop (v2sf)  }
0x107: {  	v16 =	vld [tilespmem:s30+$0x0];
	v8 =	vunpack.i.u.bf16.f32 v8;
	[tilespmem:s16+$0xFFFFFF60] =	vst v14;
	s8 =	spop (v2sf)  }
0x108: {  	v15 =	vadd.bf16 v17, v15;
	v14 =	vld [tilespmem:s31+$0x0];
	v17 =	vunpack.i.l.bf16.f32 v12;
	[tilespmem:s16+$0xFFFFFF70] =	vst v8;
	s10 =	spop (v2sf)  }
0x109: {  	v8 =	vunpack.i.u.bf16.f32 v12;
	[tilespmem:s17+$0xFFFFFEA0] =	vst v17;
	v12 =	vld [tilespmem:s10+$0x0];
	s11 =	spop (v2sf)  }
0x10a: {  	v17 =	vunpack.i.l.bf16.f32 v15;
	[tilespmem:s17+$0xFFFFFEB0] =	vst v8;
	s12 =	spop (v2sf);
	v8 =	vld [tilespmem:s11+$0x0]  }
0x10b: {  	v15 =	vunpack.i.u.bf16.f32 v15;
	[tilespmem:s15+$0x20] =	vst v17;
	v9 =	vadd.bf16 v13, v9;
	v13 =	vld [tilespmem:s12+$0x0];
	s13 =	spop (v2sf)  }
0x10c: {  	[tilespmem:s15+$0x30] =	vst v15;
	v15 =	vld [tilespmem:s13+$0x0]  }
0x10d: {  	(v2sf) =	vpush v7, $0x1;
	v18 =	vld [tilespmem:s8+$0x0];
	v17 =	vunpack.i.l.bf16.f32 v9;
	v14 =	vadd.bf16 v14, v16  }
0x10e: {  	(v2sf) =	vpush v6, $0x1;
	v9 =	vunpack.i.u.bf16.f32 v9;
	v16 =	vld [tilespmem:s0+$0x0];
	[tilespmem:s14+$0xE0] =	vst v17;
	s19 =	spop (v2sf)  }
0x10f: {  	s18 =	simm.s32 $0x11400;
	(v2sf) =	vpush v0, $0x7;
	[tilespmem:s14+$0xF0] =	vst v9;
	v9 =	vunpack.i.u.bf16.f32 v14;
	s9 =	spop (v2sf);
	v8 =	vadd.bf16 v8, v12  }
0x110: {  	(v2sf) =	vpush v1, $0x7;
	v17 =	vunpack.i.l.bf16.f32 v14;
	[tilespmem:s18+$0xFFFFFE10] =	vst v9;
	v9 =	vld [tilespmem:s9+$0x0]  }
0x111: {  	(v2sf) =	vpush v2, $0x4;
	[tilespmem:s18+$0xFFFFFE00] =	vst v17;
	v12 =	vld [tilespmem:s19+$0x0];
	v13 =	vadd.bf16 v15, v13;
	v14 =	vunpack.i.l.bf16.f32 v8  }
0x112: {  	(v2sf) =	vpush v3, $0x4;
	v15 =	vld [tilespmem:s31+$0x10];
	v8 =	vunpack.i.u.bf16.f32 v8;
	[tilespmem:s16+$0xFFFFFF80] =	vst v14  }
0x113: {  	v14 =	vadd.bf16 v18, v16;
	v16 =	vld [tilespmem:s30+$0x10];
	[tilespmem:s16+$0xFFFFFF90] =	vst v8;
	v17 =	vunpack.i.l.bf16.f32 v13  }
0x114: {  	(v2sf) =	vpush v4, $0xA;
	v8 =	vunpack.i.u.bf16.f32 v13;
	v13 =	vld [tilespmem:s10+$0x10];
	[tilespmem:s17+$0xFFFFFEC0] =	vst v17  }
0x115: {  	(v2sf) =	vpush v5, $0xA;
	v17 =	vunpack.i.l.bf16.f32 v14;
	[tilespmem:s17+$0xFFFFFED0] =	vst v8;
	v8 =	vld [tilespmem:s11+$0x10]  }
0x116: {  	v14 =	vunpack.i.u.bf16.f32 v14;
	v9 =	vadd.bf16 v9, v12;
	[tilespmem:s15+$0x40] =	vst v17;
	v12 =	vld [tilespmem:s12+$0x10]  }
0x117: {  	(v2sf) =	vpush v10, $0xD;
	[tilespmem:s15+$0x50] =	vst v14;
	v14 =	vld [tilespmem:s13+$0x10]  }
0x118: {  	(v2sf) =	vpush v7, $0x2;
	v17 =	vld [tilespmem:s0+$0x10];
	v18 =	vunpack.i.l.bf16.f32 v9;
	v15 =	vadd.bf16 v15, v16  }
0x119: {  	(v2sf) =	vpush v11, $0xD;
	v9 =	vunpack.i.u.bf16.f32 v9;
	[tilespmem:s14+$0x100] =	vst v18;
	v16 =	vld [tilespmem:s8+$0x10]  }
0x11a: {  	[tilespmem:s14+$0x110] =	vst v9;
	v9 =	vunpack.i.l.bf16.f32 v15;
	v8 =	vadd.bf16 v8, v13  }
0x11b: {  	v13 =	vld [tilespmem:s19+$0x10];
	v15 =	vunpack.i.u.bf16.f32 v15;
	[tilespmem:s18+$0xFFFFFE20] =	vst v9  }
0x11c: {  	s20 =	spop (v2sf);
	v9 =	vld [tilespmem:s9+$0x10];
	[tilespmem:s18+$0xFFFFFE30] =	vst v15;
	v12 =	vadd.bf16 v14, v12;
	v14 =	vunpack.i.l.bf16.f32 v8  }
0x11d: {  	s21 =	spop (v2sf);
	v15 =	vld [tilespmem:s20+$0x0];
	v8 =	vunpack.i.u.bf16.f32 v8;
	[tilespmem:s16+$0xFFFFFFA0] =	vst v14  }
0x11e: {  	s22 =	spop (v2sf);
	v14 =	vadd.bf16 v16, v17;
	v16 =	vld [tilespmem:s21+$0x0];
	v17 =	vunpack.i.l.bf16.f32 v12;
	[tilespmem:s16+$0xFFFFFFB0] =	vst v8  }
0x11f: {  	s23 =	spop (v2sf);
	v8 =	vunpack.i.u.bf16.f32 v12;
	[tilespmem:s17+$0xFFFFFEE0] =	vst v17;
	v12 =	vld [tilespmem:s22+$0x0]  }
0x120: {  	s24 =	spop (v2sf);
	[tilespmem:s17+$0xFFFFFEF0] =	vst v8;
	v8 =	vld [tilespmem:s23+$0x0]  }
0x121: {  	(v2sf) =	vpush v11, $0xE;
	s25 =	spop (v2sf);
	v17 =	vunpack.i.l.bf16.f32 v14;
	v18 =	vld [tilespmem:s24+$0x0]  }
0x122: {  	s29 =	simm.s32 $0x50;
	(v2sf) =	vpush v5, $0xB;
	v14 =	vunpack.i.u.bf16.f32 v14;
	[tilespmem:s15+$0x60] =	vst v17;
	v17 =	vld [tilespmem:s25+$0x0]  }
0x123: {  	v20 =	vld [tilespmem:s29+$0x10000];
	(v2sf) =	vpush v6, $0x2;
	s26 =	spop (v2sf);
	[tilespmem:s15+$0x70] =	vst v14;
	v9 =	vadd.bf16 v9, v13  }
0x124: {  	(v2sf) =	vpush v0, $0x8;
	s28 =	spop (v2sf);
	v13 =	vld [tilespmem:s26+$0x0]  }
0x125: {  	(v2sf) =	vpush v1, $0x8;
	v14 =	vld [tilespmem:s28+$0x0];
	v19 =	vunpack.i.u.bf16.f32 v9;
	v8 =	vadd.bf16 v8, v12  }
0x126: {  	(v2sf) =	vpush v2, $0x5;
	s30 =	spop (v2sf);
	v9 =	vunpack.i.l.bf16.f32 v9;
	[tilespmem:s14+$0x130] =	vst v19  }
0x127: {  	s31 =	spop (v2sf);
	v12 =	vadd.bf16 v16, v15;
	[tilespmem:s14+$0x120] =	vst v9;
	v9 =	vadd.bf16 v17, v18;
	v15 =	vunpack.i.l.bf16.f32 v8  }
0x128: {  	(v2sf) =	vpush v3, $0x5;
	s10 =	spop (v2sf);
	v16 =	vld [tilespmem:s30+$0x0];
	v8 =	vunpack.i.u.bf16.f32 v8;
	[tilespmem:s16+$0xFFFFFFC0] =	vst v15  }
0x129: {  	v17 =	vld [tilespmem:s10+$0x0];
	[tilespmem:s16+$0xFFFFFFD0] =	vst v8;
	v18 =	vunpack.i.l.bf16.f32 v9  }
0x12a: {  	v13 =	vadd.bf16 v14, v13;
	v8 =	vshrl.u32 v20, $0xA;
	v9 =	vunpack.i.u.bf16.f32 v9;
	v14 =	vld [tilespmem:s22+$0x10];
	[tilespmem:s17+$0xFFFFFF00] =	vst v18  }
0x12b: {  	(v2sf) =	vpush v4, $0xB;
	v15 =	vunpack.i.l.bf16.f32 v12;
	v8 =	vand.u32 $0x3FF, v8;
	v19 =	vld [tilespmem:s23+$0x10];
	[tilespmem:s17+$0xFFFFFF10] =	vst v9  }
0x12c: {  	[tilespmem:s18+$0xFFFFFE40] =	vst v15;
	v18 =	vand.u32 $0x3FF, v20;
	v9 =	vunpack.i.u.bf16.f32 v12;
	v12 =	vor.u32 $0x400, v8;
	v15 =	vld [tilespmem:s24+$0x10]  }
0x12d: {  	v8 =	vshll.u32 v18, $0x5;
	[tilespmem:s18+$0xFFFFFE50] =	vst v9;
	v18 =	vunpack.i.l.bf16.f32 v13;
	v9 =	vshll.u32 v12, $0x5;
	v12 =	vld [tilespmem:s25+$0x10]  }
0x12e: {  	v13 =	vunpack.i.u.bf16.f32 v13;
	v20 =	vld [tilespmem:s20+$0x10];
	[tilespmem:s15+$0x80] =	vst v18;
	v16 =	vadd.bf16 v16, v17  }
0x12f: {  	v17 =	vld [tilespmem:s21+$0x10];
	[tilespmem:s15+$0x90] =	vst v13  }
0x130: {  	v13 =	vld [tilespmem:s26+$0x10];
	v18 =	vunpack.i.l.bf16.f32 v16;
	v14 =	vadd.bf16 v19, v14  }
0x131: {  	s2 =	spop (v2sf);
	(v2sf) =	vpush v8, $0x0;
	v19 =	vld [tilespmem:s28+$0x10];
	v16 =	vunpack.i.u.bf16.f32 v16;
	[tilespmem:s14+$0x140] =	vst v18  }
0x132: {  	s3 =	spop (v2sf);
	(v2sf) =	vpush v9, $0x0;
	[tilespmem:s14+$0x150] =	vst v16;
	v12 =	vadd.bf16 v12, v15;
	v15 =	vunpack.i.l.bf16.f32 v14  }
0x133: {  	s4 =	spop (v2sf);
	(v2sf) =	vpush v10, $0xE;
	v16 =	vld [tilespmem:s10+$0x10];
	v14 =	vunpack.i.u.bf16.f32 v14;
	[tilespmem:s16+$0xFFFFFFE0] =	vst v15  }
0x134: {  	s9 =	spop (v2sf);
	v15 =	vadd.bf16 v17, v20;
	v17 =	vld [tilespmem:s30+$0x10];
	[tilespmem:s16+$0xFFFFFFF0] =	vst v14;
	v18 =	vunpack.i.l.bf16.f32 v12  }
0x135: {  	s10 =	spop (v2sf);
	v12 =	vunpack.i.u.bf16.f32 v12;
	v14 =	vld [tilespmem:s9+$0x0];
	[tilespmem:s17+$0xFFFFFF20] =	vst v18  }
0x136: {  	s12 =	spop (v2sf);
	v18 =	vunpack.i.l.bf16.f32 v15;
	v13 =	vadd.bf16 v19, v13;
	[tilespmem:s17+$0xFFFFFF30] =	vst v12;
	v12 =	vld [tilespmem:s10+$0x0]  }
0x137: {  	s13 =	spop (v2sf);
	v15 =	vunpack.i.u.bf16.f32 v15;
	[tilespmem:s18+$0xFFFFFE60] =	vst v18;
	v18 =	vld [tilespmem:s12+$0x0]  }
0x138: {  	[tilespmem:s18+$0xFFFFFE70] =	vst v15;
	v19 =	vld [tilespmem:s13+$0x0];
	v15 =	vunpack.i.l.bf16.f32 v13  }
0x139: {  	(v2sf) =	vpush v0, $0x9;
	v20 =	vld [tilespmem:s31+$0x0];
	v13 =	vunpack.i.u.bf16.f32 v13;
	[tilespmem:s15+$0xA0] =	vst v15;
	v15 =	vadd.bf16 v17, v16  }
0x13a: {  	s11 =	spop (v2sf);
	v16 =	vld [tilespmem:s4+$0x0];
	[tilespmem:s15+$0xB0] =	vst v13  }
0x13b: {  	(v2sf) =	vpush v1, $0x9;
	v13 =	vld [tilespmem:s11+$0x0];
	v17 =	vunpack.i.l.bf16.f32 v15;
	v12 =	vadd.bf16 v12, v14  }
0x13c: {  	(v2sf) =	vpush v2, $0x6;
	v14 =	vld [tilespmem:s3+$0x0];
	v15 =	vunpack.i.u.bf16.f32 v15;
	[tilespmem:s14+$0x160] =	vst v17  }
0x13d: {  	(v2sf) =	vpush v3, $0x6;
	[tilespmem:s14+$0x170] =	vst v15;
	v15 =	vadd.bf16 v19, v18;
	v17 =	vunpack.i.l.bf16.f32 v12  }
0x13e: {  	v12 =	vunpack.i.u.bf16.f32 v12;
	[tilespmem:s16+$0x0] =	vst v17  }
0x13f: {  	v18 =	vld [tilespmem:s2+$0x0];
	v17 =	vunpack.i.l.bf16.f32 v15;
	[tilespmem:s16+$0x10] =	vst v12  }
0x140: {  	(v2sf) =	vpush v7, $0x3;
	s19 =	spop (v2sf);
	v16 =	vadd.bf16 v16, v20;
	v15 =	vunpack.i.u.bf16.f32 v15;
	[tilespmem:s17+$0xFFFFFF40] =	vst v17;
	v17 =	vld [tilespmem:s9+$0x10]  }
0x141: {  	(v2sf) =	vpush v6, $0x3;
	s20 =	spop (v2sf);
	[tilespmem:s17+$0xFFFFFF50] =	vst v15;
	v13 =	vadd.bf16 v14, v13;
	v14 =	vld [tilespmem:s10+$0x10]  }
0x142: {  	s21 =	spop (v2sf);
	v19 =	vunpack.i.l.bf16.f32 v16;
	v15 =	vunpack.i.u.bf16.f32 v16;
	v16 =	vld [tilespmem:s12+$0x10]  }
0x143: {  	v12 =	vld [tilespmem:s21+$0x0]  }
0x144: {  	(v2sf) =	vpush v4, $0xC;
	[tilespmem:s18+$0xFFFFFE90] =	vst v15;
	v15 =	vld [tilespmem:s13+$0x10]  }
0x145: {  	(v2sf) =	vpush v5, $0xC;
	[tilespmem:s18+$0xFFFFFE80] =	vst v19;
	v19 =	vunpack.i.l.bf16.f32 v13  }
0x146: {  	v13 =	vunpack.i.u.bf16.f32 v13;
	[tilespmem:s15+$0xC0] =	vst v19;
	v19 =	vld [tilespmem:s31+$0x10]  }
0x147: {  	[tilespmem:s15+$0xD0] =	vst v13;
	v13 =	vld [tilespmem:s4+$0x10];
	v14 =	vadd.bf16 v14, v17  }
0x148: {  	s23 =	spop (v2sf);
	(v2sf) =	vpush v8, $0x1  }
0x149: {  	v20 =	vld [tilespmem:s3+$0x10];
	v12 =	vadd.bf16 v12, v18;
	v15 =	vadd.bf16 v15, v16;
	v16 =	vunpack.i.l.bf16.f32 v14  }
0x14a: {  	s24 =	spop (v2sf);
	(v2sf) =	vpush v9, $0x1;
	v17 =	vld [tilespmem:s11+$0x10];
	v14 =	vunpack.i.u.bf16.f32 v14;
	[tilespmem:s16+$0x20] =	vst v16  }
0x14b: {  	s25 =	spop (v2sf);
	(v2sf) =	vpush v11, $0xF;
	v18 =	vunpack.i.l.bf16.f32 v12;
	v16 =	vld [tilespmem:s20+$0x0];
	[tilespmem:s16+$0x30] =	vst v14  }
0x14c: {  	s26 =	spop (v2sf);
	(v2sf) =	vpush v10, $0xF;
	v13 =	vadd.bf16 v13, v19;
	v19 =	vunpack.i.l.bf16.f32 v15;
	[tilespmem:s14+$0x180] =	vst v18;
	v18 =	vld [tilespmem:s19+$0x0]  }
0x14d: {  	v14 =	vunpack.i.u.bf16.f32 v15;
	[tilespmem:s17+$0xFFFFFF60] =	vst v19;
	v15 =	vld [tilespmem:s23+$0x0]  }
0x14e: {  	[tilespmem:s17+$0xFFFFFF70] =	vst v14;
	v14 =	vld [tilespmem:s24+$0x0];
	v19 =	vunpack.i.l.bf16.f32 v13  }
0x14f: {  	s28 =	spop (v2sf);
	v17 =	vadd.bf16 v20, v17;
	v13 =	vunpack.i.u.bf16.f32 v13;
	[tilespmem:s18+$0xFFFFFEA0] =	vst v19;
	v19 =	vld [tilespmem:s25+$0x0]  }
0x150: {  	s29 =	spop (v2sf);
	v12 =	vunpack.i.u.bf16.f32 v12;
	[tilespmem:s18+$0xFFFFFEB0] =	vst v13;
	v13 =	vld [tilespmem:s26+$0x0]  }
0x151: {  	[tilespmem:s14+$0x190] =	vst v12;
	v20 =	vunpack.i.l.bf16.f32 v17;
	v11 =	vld [tilespmem:s29+$0x0];
	v16 =	vadd.bf16 v16, v18  }
0x152: {  	v17 =	vunpack.i.u.bf16.f32 v17;
	[tilespmem:s15+$0xE0] =	vst v20;
	v18 =	vld [tilespmem:s28+$0x0]  }
0x153: {  	s22 =	simm.s32 $0x11800;
	s30 =	spop (v2sf);
	[tilespmem:s15+$0xF0] =	vst v17;
	v17 =	vld [tilespmem:s21+$0x10];
	v14 =	vadd.bf16 v14, v15;
	v10 =	vunpack.i.l.bf16.f32 v16  }
0x154: {  	(v2sf) =	vpush v2, $0x7;
	s31 =	spop (v2sf);
	v15 =	vld [tilespmem:s30+$0x0];
	v12 =	vunpack.i.u.bf16.f32 v16;
	[tilespmem:s22+$0xFFFFFE00] =	vst v10  }
0x155: {  	(v2sf) =	vpush v3, $0x7;
	v13 =	vadd.bf16 v13, v19;
	v16 =	vunpack.i.l.bf16.f32 v14;
	[tilespmem:s22+$0xFFFFFE10] =	vst v12;
	v12 =	vld [tilespmem:s31+$0x0]  }
0x156: {  	v14 =	vunpack.i.u.bf16.f32 v14;
	v10 =	vld [tilespmem:s2+$0x10];
	[tilespmem:s16+$0x40] =	vst v16  }
0x157: {  	(v2sf) =	vpush v7, $0x4;
	[tilespmem:s16+$0x50] =	vst v14;
	v16 =	vld [tilespmem:s20+$0x10];
	v11 =	vadd.bf16 v11, v18;
	v18 =	vunpack.i.l.bf16.f32 v13  }
0x158: {  	(v2sf) =	vpush v6, $0x4;
	s1 =	spop (v2sf);
	v14 =	vld [tilespmem:s19+$0x10];
	v13 =	vunpack.i.u.bf16.f32 v13;
	[tilespmem:s17+$0xFFFFFF80] =	vst v18  }
0x159: {  	s4 =	spop (v2sf);
	v19 =	vld [tilespmem:s23+$0x10];
	[tilespmem:s17+$0xFFFFFF90] =	vst v13;
	v18 =	vunpack.i.l.bf16.f32 v11  }
0x15a: {  	s21 =	spop (v2sf);
	(v2sf) =	vpush v0, $0xA;
	v11 =	vunpack.i.u.bf16.f32 v11;
	v13 =	vld [tilespmem:s25+$0x10];
	v12 =	vadd.bf16 v12, v15;
	[tilespmem:s18+$0xFFFFFEC0] =	vst v18  }
0x15b: {  	s20 =	spop (v2sf);
	(v2sf) =	vpush v1, $0xA;
	[tilespmem:s18+$0xFFFFFED0] =	vst v11;
	v11 =	vld [tilespmem:s26+$0x10]  }
0x15c: {  	(v2sf) =	vpush v5, $0xD;
	v10 =	vadd.bf16 v17, v10;
	v17 =	vld [tilespmem:s28+$0x10];
	v15 =	vunpack.i.l.bf16.f32 v12  }
0x15d: {  	(v2sf) =	vpush v8, $0x2;
	v12 =	vunpack.i.u.bf16.f32 v12;
	[tilespmem:s15+$0x100] =	vst v15;
	v15 =	vld [tilespmem:s29+$0x10]  }
0x15e: {  	(v2sf) =	vpush v4, $0xD;
	v14 =	vadd.bf16 v16, v14;
	v16 =	vld [tilespmem:s24+$0x10];
	[tilespmem:s15+$0x110] =	vst v12;
	v12 =	vunpack.i.l.bf16.f32 v10  }
0x15f: {  	v10 =	vunpack.i.u.bf16.f32 v10;
	[tilespmem:s14+$0x1A0] =	vst v12;
	v18 =	vld [tilespmem:s30+$0x10]  }
0x160: {  	v12 =	vunpack.i.l.bf16.f32 v14;
	[tilespmem:s14+$0x1B0] =	vst v10;
	v10 =	vadd.bf16 v11, v13;
	v11 =	vld [tilespmem:s31+$0x10]  }
0x161: {  	v13 =	vunpack.i.u.bf16.f32 v14;
	[tilespmem:s22+$0xFFFFFE20] =	vst v12;
	v20 =	vld [tilespmem:s21+$0x0]  }
0x162: {  	v21 =	vld [tilespmem:s20+$0x0];
	[tilespmem:s22+$0xFFFFFE30] =	vst v13;
	v14 =	vunpack.i.l.bf16.f32 v10;
	v12 =	vadd.bf16 v15, v17  }
0x163: {  	s7 =	spop (v2sf);
	v13 =	vld [tilespmem:s1+$0x0];
	v10 =	vunpack.i.u.bf16.f32 v10;
	[tilespmem:s17+$0xFFFFFFA0] =	vst v14  }
0x164: {  	s6 =	spop (v2sf);
	v17 =	vadd.bf16 v16, v19;
	v16 =	vld [tilespmem:s4+$0x0];
	[tilespmem:s17+$0xFFFFFFB0] =	vst v10;
	v14 =	vunpack.i.l.bf16.f32 v12  }
0x165: {  	v15 =	vld [tilespmem:s6+$0x0];
	v10 =	vunpack.i.u.bf16.f32 v12;
	[tilespmem:s18+$0xFFFFFEE0] =	vst v14;
	v14 =	vadd.bf16 v11, v18  }
0x166: {  	s2 =	spop (v2sf);
	v12 =	vld [tilespmem:s7+$0x0];
	[tilespmem:s18+$0xFFFFFEF0] =	vst v10;
	v10 =	vunpack.i.l.bf16.f32 v17  }
0x167: {  	s5 =	simm.s32 $0x180;
	s19 =	simm.s32 $0x11800;
	s3 =	spop (v2sf);
	v18 =	vunpack.i.u.bf16.f32 v17;
	v11 =	vld [tilespmem:s2+$0x0];
	[tilespmem:s16+$0x60] =	vst v10;
	v10 =	vadd.bf16 v21, v20;
	v17 =	vunpack.i.u.bf16.f32 v14  }
.LBB2_3:
0x168: {  	s0 =	smov.u32 s5  }
0x169: {  	s11 =	sshra.s32 s5, $0x2;
	v19 =	vld [tilespmem:s3+$0x0];
	[tilespmem:s16+$0x70] =	vst v18;
	s9 =	spop (v2sf);
	(v2sf) =	vpush v4, $0xE;
	s0 =	sadd.s32 $0x40, s5  }
0x16a: {  	p0 =	sne.s32 s5, $0x7C0;
	v13 =	vadd.bf16 v16, v13;
	v16 =	vld [tilespmem:s9+$0x0];
	(v2sf) =	vpush v1, $0xB;
	s10 =	spop (v2sf);
	[tilespmem:s15+$0x130] =	vst v17;
	v17 =	vunpack.i.l.bf16.f32 v10  }
0x16b: {  	v14 =	vunpack.i.l.bf16.f32 v14;
	(v2sf) =	vpush v9, $0x2;
	v18 =	vld [tilespmem:s10+$0x0];
	s8 =	spop (v2sf);
	[tilespmem:s14+$0x1C0] =	vst v17  }
0x16c: {  	v20 =	vunpack.i.l.bf16.f32 v13;
	v12 =	vadd.bf16 v15, v12;
	v17 =	vld [tilespmem:s11+$0x10000];
	s5 =	spop (v2sf);
	(v2sf) =	vpush v2, $0x8;
	[tilespmem:s15+$0x120] =	vst v14  }
0x16d: {  	v13 =	vunpack.i.u.bf16.f32 v13;
	[tilespmem:s22+$0xFFFFFE40] =	vst v20;
	(v2sf) =	vpush v3, $0x8;
	v14 =	vld [tilespmem:s8+$0x0];
	s11 =	spop (v2sf)  }
0x16e: {  	v11 =	vadd.bf16 v19, v11;
	[tilespmem:s22+$0xFFFFFE50] =	vst v13;
	(v2sf) =	vpush v7, $0x5;
	v13 =	vunpack.i.l.bf16.f32 v12;
	v15 =	vld [tilespmem:s11+$0x0]  }
0x16f: {  	v12 =	vunpack.i.u.bf16.f32 v12;
	v19 =	vld [tilespmem:s1+$0x10];
	(v2sf) =	vpush v6, $0x5;
	[tilespmem:s17+$0xFFFFFFC0] =	vst v13  }
0x170: {  	v20 =	vunpack.i.l.bf16.f32 v11;
	v13 =	vld [tilespmem:s4+$0x10];
	[tilespmem:s17+$0xFFFFFFD0] =	vst v12;
	v12 =	vadd.bf16 v18, v16;
	(v2sf) =	vpush v0, $0xB  }
0x171: {  	v11 =	vunpack.i.u.bf16.f32 v11;
	v16 =	vand.u32 $0x3FF, v17;
	v17 =	vshrl.u32 v17, $0xA;
	[tilespmem:s18+$0xFFFFFF00] =	vst v20;
	v18 =	vld [tilespmem:s7+$0x10]  }
0x172: {  	v17 =	vand.u32 $0x3FF, v17;
	[tilespmem:s18+$0xFFFFFF10] =	vst v11;
	v20 =	vld [tilespmem:s6+$0x10];
	v21 =	vunpack.i.u.bf16.f32 v12;
	v11 =	vunpack.i.l.bf16.f32 v12  }
0x173: {  	v12 =	vshll.u32 v16, $0x5;
	v17 =	vor.u32 $0x400, v17;
	v16 =	vld [tilespmem:s2+$0x10];
	[tilespmem:s16+$0x80] =	vst v11;
	v14 =	vadd.bf16 v14, v15  }
0x174: {  	v10 =	vunpack.i.u.bf16.f32 v10;
	v11 =	vshll.u32 v17, $0x5;
	(v2sf) =	vpush v12, $0x0;
	v15 =	vld [tilespmem:s3+$0x10];
	[tilespmem:s16+$0x90] =	vst v21  }
0x175: {  	(v2sf) =	vpush v11, $0x0;
	v13 =	vadd.bf16 v13, v19;
	v17 =	vld [tilespmem:s9+$0x10];
	v19 =	vunpack.i.l.bf16.f32 v14;
	[tilespmem:s14+$0x1D0] =	vst v10  }
0x176: {  	v14 =	vunpack.i.u.bf16.f32 v14;
	v10 =	vld [tilespmem:s10+$0x10];
	[tilespmem:s15+$0x140] =	vst v19;
	(v2sf) =	vpush v5, $0xE  }
0x177: {  	v19 =	vunpack.i.l.bf16.f32 v13;
	v18 =	vadd.bf16 v20, v18;
	[tilespmem:s15+$0x150] =	vst v14;
	v14 =	vld [tilespmem:s21+$0x10]  }
0x178: {  	v13 =	vunpack.i.u.bf16.f32 v13;
	[tilespmem:s22+$0xFFFFFE60] =	vst v19;
	v19 =	vld [tilespmem:s11+$0x10];
	s2 =	spop (v2sf)  }
0x179: {  	[tilespmem:s22+$0xFFFFFE70] =	vst v13;
	v13 =	vadd.bf16 v15, v16;
	v15 =	vunpack.i.l.bf16.f32 v18;
	s1 =	spop (v2sf);
	v16 =	vld [tilespmem:s8+$0x10]  }
0x17a: {  	v18 =	vunpack.i.u.bf16.f32 v18;
	v20 =	vld [tilespmem:s5+$0x0];
	s4 =	spop (v2sf);
	[tilespmem:s17+$0xFFFFFFE0] =	vst v15  }
0x17b: {  	v15 =	vld [tilespmem:s4+$0x0];
	v21 =	vunpack.i.l.bf16.f32 v13;
	[tilespmem:s17+$0xFFFFFFF0] =	vst v18;
	s11 =	spop (v2sf);
	v10 =	vadd.bf16 v10, v17  }
0x17c: {  	v13 =	vunpack.i.u.bf16.f32 v13;
	[tilespmem:s18+$0xFFFFFF20] =	vst v21;
	v17 =	vld [tilespmem:s11+$0x0];
	s12 =	spop (v2sf)  }
0x17d: {  	[tilespmem:s18+$0xFFFFFF30] =	vst v13;
	s10 =	spop (v2sf);
	v13 =	vld [tilespmem:s12+$0x0];
	v18 =	vunpack.i.l.bf16.f32 v10  }
0x17e: {  	v10 =	vunpack.i.u.bf16.f32 v10;
	v21 =	vld [tilespmem:s10+$0x0];
	s9 =	spop (v2sf);
	[tilespmem:s16+$0xA0] =	vst v18;
	v16 =	vadd.bf16 v16, v19  }
0x17f: {  	v18 =	vld [tilespmem:s9+$0x0];
	[tilespmem:s16+$0xB0] =	vst v10;
	s8 =	spop (v2sf)  }
0x180: {  	v10 =	vadd.bf16 v15, v20;
	v15 =	vld [tilespmem:s8+$0x0];
	v19 =	vunpack.i.l.bf16.f32 v16  }
0x181: {  	v16 =	vunpack.i.u.bf16.f32 v16;
	v20 =	vld [tilespmem:s1+$0x0];
	[tilespmem:s15+$0x160] =	vst v19  }
0x182: {  	v19 =	vunpack.i.l.bf16.f32 v10;
	v13 =	vadd.bf16 v13, v17;
	(v2sf) =	vpush v2, $0x9;
	[tilespmem:s15+$0x170] =	vst v16;
	v16 =	vld [tilespmem:s20+$0x10]  }
0x183: {  	s3 =	spop (v2sf);
	[tilespmem:s22+$0xFFFFFE80] =	vst v19;
	(v2sf) =	vpush v3, $0x9;
	v17 =	vld [tilespmem:s2+$0x0]  }
0x184: {  	v19 =	vld [tilespmem:s3+$0x0];
	s6 =	spop (v2sf);
	v18 =	vadd.bf16 v18, v21;
	(v2sf) =	vpush v7, $0x6;
	v21 =	vunpack.i.l.bf16.f32 v13  }
0x185: {  	v13 =	vunpack.i.u.bf16.f32 v13;
	v22 =	vld [tilespmem:s6+$0x0];
	(v2sf) =	vpush v6, $0x6;
	[tilespmem:s17+$0x0] =	vst v21;
	s7 =	spop (v2sf)  }
0x186: {  	(v2sf) =	vpush v8, $0x3;
	v21 =	vunpack.i.l.bf16.f32 v18;
	[tilespmem:s17+$0x10] =	vst v13;
	v13 =	vadd.bf16 v20, v15;
	v15 =	vld [tilespmem:s7+$0x0]  }
0x187: {  	v18 =	vunpack.i.u.bf16.f32 v18;
	(v2sf) =	vpush v9, $0x3;
	[tilespmem:s18+$0xFFFFFF40] =	vst v21;
	v20 =	vld [tilespmem:s11+$0x10];
	v14 =	vadd.bf16 v16, v14  }
0x188: {  	[tilespmem:s18+$0xFFFFFF50] =	vst v18;
	v16 =	vld [tilespmem:s12+$0x10];
	v18 =	vunpack.i.l.bf16.f32 v13;
	(v2sf) =	vpush v0, $0xC  }
0x189: {  	v10 =	vunpack.i.u.bf16.f32 v10;
	v21 =	vld [tilespmem:s10+$0x10];
	[tilespmem:s16+$0xC0] =	vst v18;
	(v2sf) =	vpush v1, $0xC  }
0x18a: {  	s22 =	sadd.s32 $0x400, s22;
	v13 =	vunpack.i.u.bf16.f32 v13;
	v18 =	vadd.bf16 v22, v19;
	(v2sf) =	vpush v12, $0x1;
	[tilespmem:s19+$0xFFFFFE90] =	vst v10;
	v10 =	vld [tilespmem:s9+$0x10]  }
0x18b: {  	(v2sf) =	vpush v11, $0x1;
	v19 =	vld [tilespmem:s5+$0x10];
	[tilespmem:s16+$0xD0] =	vst v13;
	v13 =	vadd.bf16 v15, v17;
	v15 =	vunpack.i.l.bf16.f32 v14  }
0x18c: {  	v17 =	vunpack.i.l.bf16.f32 v18;
	v22 =	vld [tilespmem:s4+$0x10];
	[tilespmem:s14+$0x1E0] =	vst v15  }
0x18d: {  	v15 =	vunpack.i.u.bf16.f32 v18;
	[tilespmem:s22+$0xFFFFFE00] =	vst v17;
	v16 =	vadd.bf16 v16, v20;
	v17 =	vld [tilespmem:s8+$0x10];
	v18 =	vunpack.i.l.bf16.f32 v13  }
0x18e: {  	v20 =	vld [tilespmem:s1+$0x10];
	[tilespmem:s15+$0x180] =	vst v18  }
0x18f: {  	[tilespmem:s22+$0xFFFFFE10] =	vst v15;
	v10 =	vadd.bf16 v10, v21;
	v15 =	vunpack.i.l.bf16.f32 v16  }
0x190: {  	v16 =	vunpack.i.u.bf16.f32 v16;
	[tilespmem:s17+$0x20] =	vst v15  }
0x191: {  	v15 =	vadd.bf16 v22, v19;
	v18 =	vunpack.i.l.bf16.f32 v10;
	[tilespmem:s17+$0x30] =	vst v16;
	s8 =	spop (v2sf)  }
0x192: {  	v10 =	vunpack.i.u.bf16.f32 v10;
	[tilespmem:s18+$0xFFFFFF60] =	vst v18;
	v16 =	vld [tilespmem:s8+$0x0];
	s5 =	spop (v2sf)  }
0x193: {  	v18 =	vunpack.i.l.bf16.f32 v15;
	[tilespmem:s18+$0xFFFFFF70] =	vst v10;
	s11 =	spop (v2sf);
	v10 =	vld [tilespmem:s5+$0x0];
	v17 =	vadd.bf16 v20, v17  }
0x194: {  	v15 =	vunpack.i.u.bf16.f32 v15;
	[tilespmem:s19+$0xFFFFFEA0] =	vst v18;
	v18 =	vld [tilespmem:s11+$0x0];
	s13 =	spop (v2sf)  }
0x195: {  	[tilespmem:s19+$0xFFFFFEB0] =	vst v15;
	s9 =	spop (v2sf);
	v15 =	vld [tilespmem:s13+$0x0];
	v19 =	vunpack.i.l.bf16.f32 v17  }
0x196: {  	v17 =	vunpack.i.u.bf16.f32 v17;
	v20 =	vld [tilespmem:s9+$0x0];
	s10 =	spop (v2sf);
	[tilespmem:s16+$0xE0] =	vst v19;
	(v2sf) =	vpush v4, $0xF;
	v4 =	vmovc v0;
	v0 =	vmovc v2;
	v2 =	vmov v7  }
0x197: {  	v13 =	vunpack.i.u.bf16.f32 v13;
	v7 =	vmovc v8;
	v8 =	vmovc v12;
	v19 =	vld [tilespmem:s10+$0x0];
	[tilespmem:s16+$0xF0] =	vst v17;
	s12 =	spop (v2sf);
	(v2sf) =	vpush v5, $0xF;
	v5 =	vmov v1  }
0x198: {  	v1 =	vmovc v3;
	v3 =	vmovc v6;
	v6 =	vmov v9;
	v10 =	vadd.bf16 v10, v16;
	v12 =	vld [tilespmem:s12+$0x0];
	s20 =	spop (v2sf);
	[tilespmem:s15+$0x190] =	vst v13;
	v13 =	vunpack.i.u.bf16.f32 v14  }
0x199: {  	v9 =	vmov v11;
	s1 =	spop (v2sf);
	v14 =	vld [tilespmem:s20+$0x0];
	[tilespmem:s14+$0x1F0] =	vst v13;
	s14 =	smov.u32 s15;
	s15 =	smov.u32 s16  }
0x19a: {  	s16 =	smov.u32 s17;
	s17 =	smov.u32 s18;
	s4 =	spop (v2sf);
	v11 =	vadd.bf16 v15, v18;
	(v2sf) =	vpush v2, $0x7;
	v13 =	vunpack.i.l.bf16.f32 v10;
	v15 =	vld [tilespmem:s2+$0x10]  }
0x19b: {  	s18 =	smov.u32 s19;
	s19 =	smov.u32 s22;
	v10 =	vunpack.i.u.bf16.f32 v10;
	(v2sf) =	vpush v3, $0x7;
	[tilespmem:s16+$0x40] =	vst v13;
	v13 =	vld [tilespmem:s7+$0x10]  }
0x19c: {  	v16 =	vld [tilespmem:s6+$0x10];
	v17 =	vadd.bf16 v19, v20;
	(v2sf) =	vpush v7, $0x4;
	v18 =	vunpack.i.l.bf16.f32 v11;
	[tilespmem:s16+$0x50] =	vst v10  }
0x19d: {  	v11 =	vunpack.i.u.bf16.f32 v11;
	v10 =	vld [tilespmem:s3+$0x10];
	(v2sf) =	vpush v6, $0x4;
	[tilespmem:s17+$0xFFFFFF80] =	vst v18  }
0x19e: {  	v18 =	vunpack.i.l.bf16.f32 v17;
	[tilespmem:s17+$0xFFFFFF90] =	vst v11;
	v11 =	vld [tilespmem:s8+$0x10];
	(v2sf) =	vpush v0, $0xA;
	v12 =	vadd.bf16 v14, v12  }
0x19f: {  	v14 =	vunpack.i.u.bf16.f32 v17;
	[tilespmem:s18+$0xFFFFFEC0] =	vst v18;
	v17 =	vld [tilespmem:s11+$0x10];
	(v2sf) =	vpush v1, $0xA  }
0x1a0: {  	[tilespmem:s18+$0xFFFFFED0] =	vst v14;
	v14 =	vld [tilespmem:s13+$0x10];
	v18 =	vunpack.i.l.bf16.f32 v12;
	(v2sf) =	vpush v5, $0xD;
	v13 =	vadd.bf16 v13, v15  }
0x1a1: {  	v12 =	vunpack.i.u.bf16.f32 v12;
	(v2sf) =	vpush v8, $0x2;
	v15 =	vld [tilespmem:s9+$0x10];
	[tilespmem:s15+$0x100] =	vst v18  }
0x1a2: {  	v10 =	vadd.bf16 v16, v10;
	v16 =	vld [tilespmem:s10+$0x10];
	[tilespmem:s15+$0x110] =	vst v12;
	(v2sf) =	vpush v4, $0xD;
	v12 =	vunpack.i.l.bf16.f32 v13  }
0x1a3: {  	v13 =	vunpack.i.u.bf16.f32 v13;
	v18 =	vld [tilespmem:s5+$0x10];
	[tilespmem:s14+$0x1A0] =	vst v12  }
0x1a4: {  	v12 =	vunpack.i.l.bf16.f32 v10;
	v19 =	vld [tilespmem:s12+$0x10];
	[tilespmem:s14+$0x1B0] =	vst v13  }
0x1a5: {  	v10 =	vunpack.i.u.bf16.f32 v10;
	[tilespmem:s22+$0xFFFFFE20] =	vst v12;
	v12 =	vadd.bf16 v14, v17;
	v14 =	vld [tilespmem:s20+$0x10];
	s21 =	spop (v2sf)  }
0x1a6: {  	v20 =	vld [tilespmem:s21+$0x0];
	s20 =	spop (v2sf)  }
0x1a7: {  	[tilespmem:s22+$0xFFFFFE30] =	vst v10;
	v10 =	vadd.bf16 v16, v15;
	v15 =	vunpack.i.l.bf16.f32 v12;
	v21 =	vld [tilespmem:s20+$0x0]  }
.Ltmp0:
0x1a8: {  	v12 =	vunpack.i.u.bf16.f32 v12;
	v13 =	vld [tilespmem:s1+$0x0];
	[tilespmem:s17+$0xFFFFFFA0] =	vst v15;
	v17 =	vadd.bf16 v18, v11;
	(pc) =	sbr.rel @p0 .LBB2_3-.Ltmp0, $4  }
0x1a9: {  	v16 =	vld [tilespmem:s4+$0x0];
	v11 =	vunpack.i.l.bf16.f32 v10;
	[tilespmem:s17+$0xFFFFFFB0] =	vst v12;
	s7 =	spop (v2sf)  }
0x1aa: {  	v10 =	vunpack.i.u.bf16.f32 v10;
	[tilespmem:s18+$0xFFFFFEE0] =	vst v11;
	v12 =	vld [tilespmem:s7+$0x0];
	s6 =	spop (v2sf);
	v14 =	vadd.bf16 v14, v19  }
0x1ab: {  	[tilespmem:s18+$0xFFFFFEF0] =	vst v10;
	s2 =	spop (v2sf);
	v15 =	vld [tilespmem:s6+$0x0];
	v10 =	vunpack.i.l.bf16.f32 v17  }
0x1ac: {  	s5 =	smov.u32 s0;
	v18 =	vunpack.i.u.bf16.f32 v17;
	v11 =	vld [tilespmem:s2+$0x0];
	s3 =	spop (v2sf);
	[tilespmem:s16+$0x60] =	vst v10;
	v17 =	vunpack.i.u.bf16.f32 v14;
	v10 =	vadd.bf16 v21, v20  }
0x1ad: {  	(v2sf) =	vpush v4, $0xE  }
0x1ae: {  	v13 =	vadd.bf16 v16, v13  }
0x1af: {  	(v2sf) =	vpush v1, $0xB  }
0x1b0: {  	[tilespmem:s16+$0x70] =	vst v18;
	v16 =	vunpack.i.l.bf16.f32 v13  }
0x1b1: {  	v51 =	vld [tilespmem:s3+$0x0];
	s30 =	spop (v2sf);
	(v2sf) =	vpush v9, $0x2;
	v13 =	vunpack.i.u.bf16.f32 v13;
	[tilespmem:s22+$0xFFFFFE40] =	vst v16  }
0x1b2: {  	s31 =	spop (v2sf);
	[tilespmem:s22+$0xFFFFFE50] =	vst v13;
	v13 =	vld [tilespmem:s30+$0x0]  }
0x1b3: {  	[tilespmem:s15+$0x130] =	vst v17;
	s12 =	spop (v2sf);
	v19 =	vld [tilespmem:s1+$0x10]  }
0x1b4: {  	v53 =	vunpack.i.l.bf16.f32 v10;
	v52 =	vld [tilespmem:s4+$0x10];
	[dreg:$0xd] =	wrdreg s12  }
0x1b5: {  	v54 =	vunpack.i.l.bf16.f32 v14;
	v12 =	vadd.bf16 v15, v12;
	s0 =	spop (v2sf);
	[tilespmem:s14+$0x1C0] =	vst v53  }
0x1b6: {  	s13 =	spop (v2sf);
	v14 =	vld [tilespmem:s31+$0x0];
	[tilespmem:s15+$0x120] =	vst v54  }
0x1b7: {  	v55 =	vadd.bf16 v51, v11;
	v56 =	vunpack.i.l.bf16.f32 v12;
	v11 =	vld [tilespmem:s12+$0x0];
	[dreg:$0xf] =	wrdreg s13  }
0x1b8: {  	v57 =	vunpack.i.u.bf16.f32 v12;
	[tilespmem:s17+$0xFFFFFFC0] =	vst v56  }
0x1b9: {  	v58 =	vunpack.i.l.bf16.f32 v55;
	[tilespmem:s17+$0xFFFFFFD0] =	vst v57;
	v59 =	vadd.bf16 v52, v19  }
0x1ba: {  	v60 =	vunpack.i.u.bf16.f32 v55;
	[tilespmem:s18+$0xFFFFFF00] =	vst v58  }
0x1bb: {  	[tilespmem:s18+$0xFFFFFF10] =	vst v60;
	v62 =	vunpack.i.l.bf16.f32 v59  }
0x1bc: {  	v12 =	vld [tilespmem:s13+$0x0];
	[tilespmem:s22+$0xFFFFFE60] =	vst v62;
	s23 =	spop (v2sf)  }
0x1bd: {  	(v2sf) =	vpush v2, $0x8;
	v61 =	vld [tilespmem:s7+$0x10];
	v17 =	vunpack.i.u.bf16.f32 v59;
	[dreg:$0xc] =	wrdreg s23  }
0x1be: {  	(v2sf) =	vpush v3, $0x8;
	s24 =	spop (v2sf);
	[tilespmem:s22+$0xFFFFFE70] =	vst v17  }
0x1bf: {  	(v2sf) =	vpush v7, $0x5;
	[dreg:$0x18] =	wrdreg s24  }
0x1c0: {  	(v2sf) =	vpush v6, $0x5;
	s25 =	spop (v2sf);
	v16 =	vld [tilespmem:s0+$0x0]  }
0x1c1: {  	(v2sf) =	vpush v0, $0xB;
	v17 =	vld [tilespmem:s25+$0x0]  }
0x1c2: {  	(v2sf) =	vpush v5, $0xE  }
0x1c3: {  	(v2sf) =	vpush v2, $0x9  }
0x1c4: {  	(v2sf) =	vpush v3, $0x9  }
0x1c5: {  	(v2sf) =	vpush v7, $0x6  }
0x1c6: {  	(v2sf) =	vpush v6, $0x6;
	v16 =	vadd.bf16 v17, v16  }
0x1c7: {  	(v2sf) =	vpush v8, $0x3  }
0x1c8: {  	(v2sf) =	vpush v9, $0x3;
	v17 =	vunpack.i.l.bf16.f32 v16  }
0x1c9: {  	v16 =	vunpack.i.u.bf16.f32 v16;
	[tilespmem:s22+$0xFFFFFE80] =	vst v17  }
0x1ca: {  	[tilespmem:s19+$0xFFFFFE90] =	vst v16  }
0x1cb: {  	v16 =	vld [tilespmem:s0+$0x10]  }
0x1cc: {  	s22 =	spop (v2sf);
	v17 =	vld [tilespmem:s25+$0x10]  }
0x1cd: {  	s11 =	spop (v2sf)  }
0x1ce: {  	s5 =	spop (v2sf)  }
0x1cf: {  	s4 =	spop (v2sf)  }
0x1d0: {  	s26 =	spop (v2sf)  }
0x1d1: {  	s28 =	spop (v2sf);
	v16 =	vadd.bf16 v17, v16  }
0x1d2: {  	[dreg:$0x1a] =	wrdreg s26;
	s13 =	spop (v2sf)  }
0x1d3: {  	[dreg:$0xe] =	wrdreg s28;
	s24 =	spop (v2sf);
	v17 =	vunpack.i.l.bf16.f32 v16  }
0x1d4: {  	s23 =	spop (v2sf);
	v16 =	vunpack.i.u.bf16.f32 v16;
	[tilespmem:s19+$0xFFFFFEA0] =	vst v17  }
0x1d5: {  	s25 =	spop (v2sf);
	[tilespmem:s19+$0xFFFFFEB0] =	vst v16  }
0x1d6: {  	s0 =	spop (v2sf)  }
0x1d7: {  	(v2sf) =	vpush v0, $0xC;
	v63 =	vld [tilespmem:s0+$0x0];
	s29 =	spop (v2sf)  }
0x1d8: {  	(v2sf) =	vpush v1, $0xC;
	v20 =	vld [tilespmem:s29+$0x0]  }
0x1d9: {  	(v2sf) =	vpush v4, $0xF  }
0x1da: {  	(v2sf) =	vpush v5, $0xF  }
0x1db: {  	(v2sf) =	vpush v7, $0x7  }
0x1dc: {  	(v2sf) =	vpush v6, $0x7  }
0x1dd: {  	v21 =	vadd.bf16 v20, v63;
	(v2sf) =	vpush v8, $0x4  }
0x1de: {  	(v2sf) =	vpush v9, $0x4  }
0x1df: {  	v22 =	vunpack.i.l.bf16.f32 v21  }
0x1e0: {  	v4 =	vunpack.i.u.bf16.f32 v21;
	[tilespmem:s19+$0xFFFFFEC0] =	vst v22  }
0x1e1: {  	[tilespmem:s19+$0xFFFFFED0] =	vst v4  }
0x1e2: {  	v4 =	vld [tilespmem:s0+$0x10]  }
0x1e3: {  	v5 =	vld [tilespmem:s29+$0x10];
	_ =	sdelay $0x2  }
0x1e4: {  	s7 =	spop (v2sf)  }
0x1e5: {  	[dreg:$0x17] =	wrdreg s7;
	s8 =	spop (v2sf)  }
0x1e6: {  	v4 =	vadd.bf16 v5, v4;
	[dreg:$0x16] =	wrdreg s8;
	s9 =	spop (v2sf)  }
0x1e7: {  	(v2sf) =	vpush v2, $0xA;
	[dreg:$0xb] =	wrdreg s9;
	s10 =	spop (v2sf)  }
0x1e8: {  	(v2sf) =	vpush v3, $0xA;
	v5 =	vunpack.i.l.bf16.f32 v4;
	[dreg:$0xa] =	wrdreg s10;
	s0 =	spop (v2sf)  }
0x1e9: {  	(v2sf) =	vpush v1, $0xD;
	v4 =	vunpack.i.u.bf16.f32 v4;
	[tilespmem:s19+$0xFFFFFEE0] =	vst v5;
	s1 =	spop (v2sf)  }
0x1ea: {  	(v2sf) =	vpush v0, $0xD;
	[tilespmem:s19+$0xFFFFFEF0] =	vst v4;
	s9 =	spop (v2sf)  }
0x1eb: {  	(v2sf) =	vpush v0, $0xE;
	v4 =	vld [tilespmem:s9+$0x0];
	s10 =	spop (v2sf)  }
0x1ec: {  	v5 =	vld [tilespmem:s10+$0x0];
	_ =	sdelay $0x2  }
0x1ed: {  	(v2sf) =	vpush v3, $0xB  }
0x1ee: {  	(v2sf) =	vpush v7, $0x8  }
0x1ef: {  	(v2sf) =	vpush v6, $0x8;
	v4 =	vadd.bf16 v5, v4  }
0x1f0: {  	(v2sf) =	vpush v8, $0x5  }
0x1f1: {  	v23 =	vld [tilespmem:s2+$0x10];
	(v2sf) =	vpush v9, $0x5;
	v5 =	vunpack.i.l.bf16.f32 v4  }
0x1f2: {  	v24 =	vld [tilespmem:s3+$0x10];
	v4 =	vunpack.i.u.bf16.f32 v4;
	[tilespmem:s19+$0xFFFFFF00] =	vst v5  }
0x1f3: {  	[tilespmem:s19+$0xFFFFFF10] =	vst v4  }
0x1f4: {  	v4 =	vld [tilespmem:s9+$0x10];
	s9 =	spop (v2sf)  }
0x1f5: {  	v25 =	vld [tilespmem:s10+$0x10];
	s10 =	spop (v2sf)  }
0x1f6: {  	s12 =	spop (v2sf)  }
0x1f7: {  	v5 =	vadd.bf16 v24, v23;
	[dreg:$0x15] =	wrdreg s12;
	s26 =	spop (v2sf)  }
0x1f8: {  	[dreg:$0x14] =	wrdreg s26;
	s28 =	spop (v2sf)  }
0x1f9: {  	v16 =	vunpack.i.l.bf16.f32 v5;
	[dreg:$0x10] =	wrdreg s28  }
0x1fa: {  	v5 =	vunpack.i.u.bf16.f32 v5;
	[tilespmem:s18+$0xFFFFFF20] =	vst v16  }
0x1fb: {  	v4 =	vadd.bf16 v25, v4;
	[tilespmem:s18+$0xFFFFFF30] =	vst v5  }
0x1fc: {  	s28 =	spop (v2sf);
	v16 =	vld [tilespmem:s5+$0x0]  }
0x1fd: {  	s8 =	spop (v2sf);
	v26 =	vunpack.i.l.bf16.f32 v4;
	v27 =	vld [tilespmem:s4+$0x0]  }
0x1fe: {  	v4 =	vunpack.i.u.bf16.f32 v4;
	s7 =	spop (v2sf);
	[tilespmem:s19+$0xFFFFFF20] =	vst v26  }
0x1ff: {  	[tilespmem:s19+$0xFFFFFF30] =	vst v4;
	s12 =	spop (v2sf)  }
0x200: {  	(v2sf) =	vpush v2, $0xB;
	v4 =	vld [tilespmem:s12+$0x0];
	s26 =	spop (v2sf)  }
0x201: {  	(v2sf) =	vpush v1, $0xE;
	v28 =	vld [tilespmem:s26+$0x0]  }
0x202: {  	v5 =	vadd.bf16 v27, v16;
	_ =	sdelay $0x1  }
0x203: {  	(v2sf) =	vpush v7, $0x9;
	v16 =	vunpack.i.l.bf16.f32 v5  }
0x204: {  	(v2sf) =	vpush v6, $0x9;
	v5 =	vunpack.i.u.bf16.f32 v5;
	[tilespmem:s18+$0xFFFFFF40] =	vst v16  }
0x205: {  	(v2sf) =	vpush v8, $0x6;
	v4 =	vadd.bf16 v28, v4;
	[tilespmem:s18+$0xFFFFFF50] =	vst v5  }
0x206: {  	(v2sf) =	vpush v9, $0x6;
	v16 =	vld [tilespmem:s5+$0x10]  }
0x207: {  	v30 =	vld [tilespmem:s4+$0x10];
	v29 =	vunpack.i.l.bf16.f32 v4  }
0x208: {  	v4 =	vunpack.i.u.bf16.f32 v4;
	[tilespmem:s19+$0xFFFFFF40] =	vst v29  }
0x209: {  	[tilespmem:s19+$0xFFFFFF50] =	vst v4  }
0x20a: {  	v4 =	vld [tilespmem:s12+$0x10]  }
0x20b: {  	v31 =	vld [tilespmem:s26+$0x10]  }
0x20c: {  	v5 =	vadd.bf16 v30, v16;
	_ =	sdelay $0x1  }
0x20d: {  	s12 =	spop (v2sf);
	v16 =	vunpack.i.l.bf16.f32 v5  }
0x20e: {  	s29 =	spop (v2sf);
	[tilespmem:s18+$0xFFFFFF60] =	vst v16  }
0x20f: {  	v5 =	vunpack.i.u.bf16.f32 v5;
	v4 =	vadd.bf16 v31, v4;
	[dreg:$0x13] =	wrdreg s29  }
0x210: {  	[tilespmem:s18+$0xFFFFFF70] =	vst v5  }
0x211: {  	s5 =	spop (v2sf);
	v32 =	vunpack.i.l.bf16.f32 v4;
	v16 =	vld [tilespmem:s23+$0x0]  }
0x212: {  	s4 =	spop (v2sf);
	v4 =	vunpack.i.u.bf16.f32 v4;
	[tilespmem:s19+$0xFFFFFF60] =	vst v32;
	v33 =	vld [tilespmem:s25+$0x0]  }
0x213: {  	s3 =	spop (v2sf);
	[tilespmem:s19+$0xFFFFFF70] =	vst v4  }
0x214: {  	s29 =	spop (v2sf);
	v4 =	vld [tilespmem:s3+$0x0]  }
0x215: {  	(v2sf) =	vpush v2, $0xC;
	v34 =	vld [tilespmem:s29+$0x0]  }
0x216: {  	(v2sf) =	vpush v3, $0xC  }
0x217: {  	(v2sf) =	vpush v0, $0xF;
	v5 =	vadd.bf16 v33, v16;
	_ =	sdelay $0x1  }
0x218: {  	(v2sf) =	vpush v1, $0xF;
	v35 =	vunpack.i.l.bf16.f32 v5  }
0x219: {  	v36 =	vadd.bf16 v34, v4;
	v37 =	vunpack.i.u.bf16.f32 v5;
	[tilespmem:s18+$0xFFFFFF80] =	vst v35  }
0x21a: {  	[tilespmem:s18+$0xFFFFFF90] =	vst v37  }
0x21b: {  	(v2sf) =	vpush v8, $0x7;
	v38 =	vunpack.i.l.bf16.f32 v36;
	v4 =	vld [tilespmem:s23+$0x10]  }
0x21c: {  	(v2sf) =	vpush v9, $0x7;
	v1 =	vunpack.i.u.bf16.f32 v36;
	[tilespmem:s19+$0xFFFFFF80] =	vst v38;
	v39 =	vld [tilespmem:s25+$0x10]  }
0x21d: {  	[tilespmem:s19+$0xFFFFFF90] =	vst v1  }
0x21e: {  	v1 =	vld [tilespmem:s3+$0x10]  }
0x21f: {  	v40 =	vld [tilespmem:s29+$0x10];
	_ =	sdelay $0x1  }
0x220: {  	v0 =	vadd.bf16 v39, v4;
	_ =	sdelay $0x1  }
0x221: {  	s23 =	spop (v2sf);
	v4 =	vunpack.i.l.bf16.f32 v0  }
0x222: {  	s25 =	spop (v2sf);
	v1 =	vadd.bf16 v40, v1;
	v0 =	vunpack.i.u.bf16.f32 v0;
	[tilespmem:s18+$0xFFFFFFA0] =	vst v4  }
0x223: {  	s26 =	spop (v2sf);
	[tilespmem:s18+$0xFFFFFFB0] =	vst v0  }
0x224: {  	v41 =	vunpack.i.l.bf16.f32 v1;
	[dreg:$0x11] =	wrdreg s26  }
0x225: {  	s29 =	spop (v2sf);
	[tilespmem:s19+$0xFFFFFFA0] =	vst v41  }
0x226: {  	v4 =	vld [tilespmem:s0+$0x0];
	[dreg:$0x12] =	wrdreg s29  }
0x227: {  	v1 =	vunpack.i.u.bf16.f32 v1;
	v42 =	vld [tilespmem:s1+$0x0]  }
0x228: {  	(v2sf) =	vpush v7, $0xA;
	s2 =	spop (v2sf);
	[tilespmem:s19+$0xFFFFFFB0] =	vst v1  }
0x229: {  	(v2sf) =	vpush v6, $0xA;
	s3 =	spop (v2sf);
	v1 =	vld [tilespmem:s2+$0x0]  }
0x22a: {  	(v2sf) =	vpush v3, $0xD;
	v43 =	vld [tilespmem:s3+$0x0]  }
0x22b: {  	(v2sf) =	vpush v2, $0xD  }
0x22c: {  	(v2sf) =	vpush v2, $0xE;
	v0 =	vadd.bf16 v42, v4;
	_ =	sdelay $0x1  }
0x22d: {  	(v2sf) =	vpush v6, $0xB;
	v44 =	vld [tilespmem:s6+$0x10];
	v4 =	vunpack.i.l.bf16.f32 v0  }
0x22e: {  	(v2sf) =	vpush v8, $0x8;
	v1 =	vadd.bf16 v43, v1;
	v0 =	vunpack.i.u.bf16.f32 v0;
	[tilespmem:s18+$0xFFFFFFC0] =	vst v4  }
0x22f: {  	(v2sf) =	vpush v9, $0x8;
	[tilespmem:s18+$0xFFFFFFD0] =	vst v0  }
0x230: {  	v45 =	vunpack.i.l.bf16.f32 v1;
	v46 =	vld [tilespmem:s0+$0x10]  }
0x231: {  	v1 =	vunpack.i.u.bf16.f32 v1;
	[tilespmem:s19+$0xFFFFFFC0] =	vst v45;
	v47 =	vld [tilespmem:s1+$0x10]  }
0x232: {  	v4 =	vadd.bf16 v44, v61;
	[tilespmem:s19+$0xFFFFFFD0] =	vst v1  }
0x233: {  	v1 =	vld [tilespmem:s2+$0x10]  }
0x234: {  	v48 =	vld [tilespmem:s3+$0x10];
	v15 =	vunpack.i.l.bf16.f32 v4  }
0x235: {  	v4 =	vunpack.i.u.bf16.f32 v4;
	[tilespmem:s17+$0xFFFFFFE0] =	vst v15  }
0x236: {  	s2 =	spop (v2sf);
	[tilespmem:s17+$0xFFFFFFF0] =	vst v4;
	v0 =	vadd.bf16 v47, v46  }
0x237: {  	s3 =	spop (v2sf);
	v50 =	vld [tilespmem:s22+$0x0]  }
0x238: {  	s29 =	spop (v2sf);
	v51 =	vld [tilespmem:s11+$0x0];
	v49 =	vunpack.i.l.bf16.f32 v0  }
0x239: {  	s26 =	spop (v2sf);
	v1 =	vadd.bf16 v48, v1;
	v0 =	vunpack.i.u.bf16.f32 v0;
	[tilespmem:s18+$0xFFFFFFE0] =	vst v49  }
0x23a: {  	s6 =	spop (v2sf);
	[tilespmem:s18+$0xFFFFFFF0] =	vst v0  }
0x23b: {  	v52 =	vunpack.i.l.bf16.f32 v1;
	[dreg:$0x19] =	wrdreg s6  }
0x23c: {  	v1 =	vunpack.i.u.bf16.f32 v1;
	s6 =	spop (v2sf);
	v53 =	vld [tilespmem:s8+$0x0];
	[tilespmem:s19+$0xFFFFFFE0] =	vst v52  }
0x23d: {  	v4 =	vadd.bf16 v51, v50;
	v54 =	vld [tilespmem:s7+$0x0];
	[tilespmem:s19+$0xFFFFFFF0] =	vst v1;
	s1 =	spop (v2sf)  }
0x23e: {  	v1 =	vld [tilespmem:s1+$0x0];
	s0 =	spop (v2sf)  }
0x23f: {  	v5 =	vunpack.i.l.bf16.f32 v4;
	v55 =	vld [tilespmem:s0+$0x0]  }
0x240: {  	v4 =	vunpack.i.u.bf16.f32 v4;
	[tilespmem:s17+$0x0] =	vst v5  }
0x241: {  	[tilespmem:s17+$0x10] =	vst v4  }
0x242: {  	(v2sf) =	vpush v7, $0xB;
	v5 =	vld [tilespmem:s22+$0x10];
	v0 =	vadd.bf16 v54, v53  }
0x243: {  	(v2sf) =	vpush v3, $0xE;
	v57 =	vld [tilespmem:s11+$0x10]  }
0x244: {  	(v2sf) =	vpush v8, $0x9;
	v56 =	vunpack.i.l.bf16.f32 v0;
	v1 =	vadd.bf16 v55, v1  }
0x245: {  	(v2sf) =	vpush v9, $0x9;
	v0 =	vunpack.i.u.bf16.f32 v0;
	[tilespmem:s18+$0x0] =	vst v56  }
0x246: {  	[tilespmem:s18+$0x10] =	vst v0;
	v58 =	vunpack.i.l.bf16.f32 v1  }
0x247: {  	v59 =	vld [tilespmem:s8+$0x10];
	v1 =	vunpack.i.u.bf16.f32 v1;
	[tilespmem:s19+$0x0] =	vst v58  }
0x248: {  	v4 =	vadd.bf16 v57, v5;
	v60 =	vld [tilespmem:s7+$0x10];
	[tilespmem:s19+$0x10] =	vst v1  }
0x249: {  	v1 =	vld [tilespmem:s1+$0x10]  }
0x24a: {  	v5 =	vunpack.i.l.bf16.f32 v4;
	v61 =	vld [tilespmem:s0+$0x10]  }
0x24b: {  	v4 =	vunpack.i.u.bf16.f32 v4;
	[tilespmem:s17+$0x20] =	vst v5  }
0x24c: {  	[tilespmem:s17+$0x30] =	vst v4  }
0x24d: {  	v5 =	vld [tilespmem:s13+$0x0];
	v0 =	vadd.bf16 v60, v59  }
0x24e: {  	v63 =	vld [tilespmem:s24+$0x0]  }
0x24f: {  	v62 =	vunpack.i.l.bf16.f32 v0;
	v1 =	vadd.bf16 v61, v1  }
0x250: {  	v0 =	vunpack.i.u.bf16.f32 v0;
	[tilespmem:s18+$0x20] =	vst v62  }
0x251: {  	s22 =	spop (v2sf);
	[tilespmem:s18+$0x30] =	vst v0;
	v19 =	vunpack.i.l.bf16.f32 v1  }
0x252: {  	s8 =	spop (v2sf);
	v20 =	vld [tilespmem:s5+$0x0];
	v1 =	vunpack.i.u.bf16.f32 v1;
	[tilespmem:s19+$0x20] =	vst v19  }
0x253: {  	s1 =	spop (v2sf);
	v4 =	vadd.bf16 v63, v5;
	v21 =	vld [tilespmem:s4+$0x0];
	[tilespmem:s19+$0x30] =	vst v1  }
0x254: {  	s7 =	spop (v2sf);
	v1 =	vld [tilespmem:s1+$0x0]  }
0x255: {  	v5 =	vunpack.i.l.bf16.f32 v4;
	v22 =	vld [tilespmem:s7+$0x0]  }
0x256: {  	(v2sf) =	vpush v7, $0xC;
	v23 =	vunpack.i.u.bf16.f32 v4;
	[tilespmem:s17+$0x40] =	vst v5  }
0x257: {  	(v2sf) =	vpush v6, $0xC;
	[tilespmem:s17+$0x50] =	vst v23  }
0x258: {  	(v2sf) =	vpush v2, $0xF;
	v25 =	vld [tilespmem:s13+$0x10];
	v0 =	vadd.bf16 v21, v20  }
0x259: {  	(v2sf) =	vpush v3, $0xF;
	v26 =	vld [tilespmem:s24+$0x10]  }
0x25a: {  	(v2sf) =	vpush v8, $0xA;
	v24 =	vunpack.i.l.bf16.f32 v0;
	v1 =	vadd.bf16 v22, v1  }
0x25b: {  	(v2sf) =	vpush v9, $0xA;
	v0 =	vunpack.i.u.bf16.f32 v0;
	[tilespmem:s18+$0x40] =	vst v24  }
0x25c: {  	[tilespmem:s18+$0x50] =	vst v0;
	v27 =	vunpack.i.l.bf16.f32 v1  }
0x25d: {  	v28 =	vld [tilespmem:s5+$0x10];
	v1 =	vunpack.i.u.bf16.f32 v1;
	[tilespmem:s19+$0x40] =	vst v27  }
0x25e: {  	v2 =	vadd.bf16 v26, v25;
	v29 =	vld [tilespmem:s4+$0x10];
	[tilespmem:s19+$0x50] =	vst v1  }
0x25f: {  	v1 =	vld [tilespmem:s1+$0x10]  }
0x260: {  	v3 =	vunpack.i.l.bf16.f32 v2;
	v30 =	vld [tilespmem:s7+$0x10]  }
0x261: {  	v2 =	vunpack.i.u.bf16.f32 v2;
	[tilespmem:s17+$0x60] =	vst v3  }
0x262: {  	[tilespmem:s17+$0x70] =	vst v2  }
0x263: {  	v3 =	vld [tilespmem:s9+$0x0];
	v0 =	vadd.bf16 v29, v28  }
0x264: {  	v32 =	vld [tilespmem:s10+$0x0]  }
0x265: {  	s0 =	spop (v2sf);
	v31 =	vunpack.i.l.bf16.f32 v0;
	v1 =	vadd.bf16 v30, v1  }
0x266: {  	s1 =	spop (v2sf);
	v0 =	vunpack.i.u.bf16.f32 v0;
	[tilespmem:s18+$0x60] =	vst v31  }
0x267: {  	v36 =	vadd.bf16 v14, v13;
	s5 =	spop (v2sf);
	[tilespmem:s18+$0x70] =	vst v0;
	v33 =	vunpack.i.l.bf16.f32 v1  }
0x268: {  	s13 =	spop (v2sf);
	v34 =	vld [tilespmem:s2+$0x0];
	v1 =	vunpack.i.u.bf16.f32 v1;
	[tilespmem:s19+$0x60] =	vst v33  }
0x269: {  	v14 =	vunpack.i.l.bf16.f32 v36;
	s11 =	spop (v2sf);
	v2 =	vadd.bf16 v32, v3;
	v35 =	vld [tilespmem:s3+$0x0];
	[tilespmem:s19+$0x70] =	vst v1  }
0x26a: {  	[tilespmem:s16+$0x80] =	vst v14;
	s24 =	spop (v2sf);
	v1 =	vunpack.i.u.bf16.f32 v36;
	v37 =	vld [tilespmem:s11+$0x0]  }
0x26b: {  	v39 =	vunpack.i.l.bf16.f32 v2;
	v38 =	vld [tilespmem:s24+$0x0];
	[tilespmem:s16+$0x90] =	vst v1  }
0x26c: {  	v2 =	vunpack.i.u.bf16.f32 v2;
	[tilespmem:s17+$0x80] =	vst v39;
	v40 =	vld [tilespmem:s30+$0x10]  }
0x26d: {  	(v2sf) =	vpush v6, $0xD;
	[tilespmem:s17+$0x90] =	vst v2;
	v41 =	vld [tilespmem:s31+$0x10]  }
0x26e: {  	(v2sf) =	vpush v7, $0xD;
	v44 =	vld [tilespmem:s9+$0x10];
	v0 =	vadd.bf16 v35, v34  }
0x26f: {  	(v2sf) =	vpush v7, $0xE;
	v45 =	vld [tilespmem:s10+$0x10]  }
0x270: {  	(v2sf) =	vpush v9, $0xB;
	v42 =	vunpack.i.l.bf16.f32 v0;
	v43 =	vadd.bf16 v38, v37  }
0x271: {  	(v2sf) =	vpush v8, $0xB;
	v0 =	vunpack.i.u.bf16.f32 v0;
	[tilespmem:s18+$0x80] =	vst v42  }
0x272: {  	[tilespmem:s18+$0x90] =	vst v0;
	v1 =	vadd.bf16 v41, v40;
	v46 =	vunpack.i.l.bf16.f32 v43  }
0x273: {  	v4 =	vunpack.i.u.bf16.f32 v43;
	[tilespmem:s19+$0x80] =	vst v46  }
0x274: {  	v2 =	vadd.bf16 v45, v44;
	v47 =	vld [tilespmem:s2+$0x10];
	[tilespmem:s19+$0x90] =	vst v4;
	v50 =	vunpack.i.l.bf16.f32 v1  }
0x275: {  	v48 =	vld [tilespmem:s3+$0x10];
	v1 =	vunpack.i.u.bf16.f32 v1;
	[tilespmem:s16+$0xA0] =	vst v50  }
0x276: {  	v51 =	vunpack.i.l.bf16.f32 v2;
	v4 =	vld [tilespmem:s11+$0x10];
	[tilespmem:s16+$0xB0] =	vst v1  }
0x277: {  	v49 =	vld [tilespmem:s24+$0x10];
	s4 =	rddreg [dreg:$0x1a];
	[tilespmem:s17+$0xA0] =	vst v51  }
0x278: {  	v2 =	vunpack.i.u.bf16.f32 v2;
	v52 =	vld [tilespmem:s4+$0x0];
	s10 =	rddreg [dreg:$0x18]  }
0x279: {  	[tilespmem:s17+$0xB0] =	vst v2;
	v53 =	vld [tilespmem:s10+$0x0]  }
0x27a: {  	v0 =	vadd.bf16 v48, v47;
	v55 =	vld [tilespmem:s12+$0x0]  }
0x27b: {  	v56 =	vld [tilespmem:s28+$0x0]  }
0x27c: {  	s11 =	spop (v2sf);
	v54 =	vunpack.i.l.bf16.f32 v0;
	v3 =	vadd.bf16 v49, v4  }
0x27d: {  	s24 =	spop (v2sf);
	v0 =	vunpack.i.u.bf16.f32 v0;
	[tilespmem:s18+$0xA0] =	vst v54  }
0x27e: {  	s7 =	spop (v2sf);
	[tilespmem:s18+$0xB0] =	vst v0;
	v57 =	vunpack.i.l.bf16.f32 v3;
	v1 =	vadd.bf16 v53, v52  }
0x27f: {  	s30 =	spop (v2sf);
	v58 =	vld [tilespmem:s22+$0x0];
	v3 =	vunpack.i.u.bf16.f32 v3;
	[tilespmem:s19+$0xA0] =	vst v57  }
0x280: {  	s31 =	spop (v2sf);
	v59 =	vld [tilespmem:s6+$0x0];
	[tilespmem:s19+$0xB0] =	vst v3;
	v2 =	vadd.bf16 v56, v55;
	v61 =	vunpack.i.l.bf16.f32 v1  }
0x281: {  	v3 =	vld [tilespmem:s31+$0x0];
	v1 =	vunpack.i.u.bf16.f32 v1;
	[tilespmem:s16+$0xC0] =	vst v61  }
0x282: {  	v60 =	vld [tilespmem:s30+$0x0];
	v62 =	vunpack.i.l.bf16.f32 v2;
	[tilespmem:s16+$0xD0] =	vst v1  }
0x283: {  	v16 =	vunpack.i.u.bf16.f32 v2;
	[tilespmem:s17+$0xC0] =	vst v62;
	v63 =	vld [tilespmem:s4+$0x10]  }
0x284: {  	[tilespmem:s17+$0xD0] =	vst v16;
	v17 =	vld [tilespmem:s10+$0x10]  }
0x285: {  	v0 =	vadd.bf16 v59, v58;
	v19 =	vld [tilespmem:s12+$0x10]  }
0x286: {  	v20 =	vld [tilespmem:s28+$0x10]  }
0x287: {  	(v2sf) =	vpush v6, $0xE;
	v18 =	vunpack.i.l.bf16.f32 v0;
	v3 =	vadd.bf16 v60, v3  }
0x288: {  	(v2sf) =	vpush v8, $0xC;
	v0 =	vunpack.i.u.bf16.f32 v0;
	[tilespmem:s18+$0xC0] =	vst v18  }
0x289: {  	(v2sf) =	vpush v9, $0xC;
	[tilespmem:s18+$0xD0] =	vst v0;
	v21 =	vunpack.i.l.bf16.f32 v3;
	v2 =	vadd.bf16 v17, v63  }
0x28a: {  	v22 =	vld [tilespmem:s22+$0x10];
	v23 =	vunpack.i.u.bf16.f32 v3;
	[tilespmem:s19+$0xC0] =	vst v21  }
0x28b: {  	v24 =	vld [tilespmem:s6+$0x10];
	[tilespmem:s19+$0xD0] =	vst v23;
	v1 =	vadd.bf16 v20, v19;
	v26 =	vunpack.i.l.bf16.f32 v2  }
0x28c: {  	v2 =	vunpack.i.u.bf16.f32 v2;
	[tilespmem:s16+$0xE0] =	vst v26  }
0x28d: {  	v0 =	vld [tilespmem:s31+$0x10];
	v27 =	vunpack.i.l.bf16.f32 v1;
	[tilespmem:s16+$0xF0] =	vst v2  }
0x28e: {  	v25 =	vld [tilespmem:s30+$0x10];
	s6 =	rddreg [dreg:$0x17];
	[tilespmem:s17+$0xE0] =	vst v27  }
0x28f: {  	v1 =	vunpack.i.u.bf16.f32 v1;
	v28 =	vld [tilespmem:s6+$0x0];
	s10 =	rddreg [dreg:$0x16]  }
0x290: {  	v3 =	vadd.bf16 v24, v22;
	[tilespmem:s17+$0xF0] =	vst v1;
	v29 =	vld [tilespmem:s10+$0x0]  }
0x291: {  	v31 =	vld [tilespmem:s23+$0x0]  }
0x292: {  	v30 =	vunpack.i.l.bf16.f32 v3;
	v32 =	vld [tilespmem:s25+$0x0]  }
0x293: {  	v0 =	vadd.bf16 v25, v0;
	v3 =	vunpack.i.u.bf16.f32 v3;
	[tilespmem:s18+$0xE0] =	vst v30  }
0x294: {  	[tilespmem:s18+$0xF0] =	vst v3  }
0x295: {  	v33 =	vunpack.i.l.bf16.f32 v0;
	v34 =	vld [tilespmem:s0+$0x0];
	v36 =	vadd.bf16 v29, v28  }
0x296: {  	s4 =	spop (v2sf);
	v0 =	vunpack.i.u.bf16.f32 v0;
	v35 =	vld [tilespmem:s1+$0x0];
	[tilespmem:s19+$0xE0] =	vst v33  }
0x297: {  	s12 =	spop (v2sf);
	[tilespmem:s19+$0xF0] =	vst v0;
	v1 =	vadd.bf16 v32, v31;
	v39 =	vunpack.i.l.bf16.f32 v36  }
0x298: {  	s22 =	spop (v2sf);
	v37 =	vld [tilespmem:s12+$0x0];
	v0 =	vunpack.i.u.bf16.f32 v36;
	[tilespmem:s16+$0x100] =	vst v39  }
0x299: {  	v38 =	vld [tilespmem:s22+$0x0];
	v40 =	vunpack.i.l.bf16.f32 v1;
	[tilespmem:s16+$0x110] =	vst v0  }
0x29a: {  	v1 =	vunpack.i.u.bf16.f32 v1;
	[tilespmem:s17+$0x100] =	vst v40;
	v41 =	vld [tilespmem:s6+$0x10]  }
0x29b: {  	v3 =	vadd.bf16 v35, v34;
	[tilespmem:s17+$0x110] =	vst v1;
	v42 =	vld [tilespmem:s10+$0x10]  }
0x29c: {  	(v2sf) =	vpush v7, $0xF;
	v44 =	vld [tilespmem:s23+$0x10]  }
0x29d: {  	(v2sf) =	vpush v6, $0xF;
	v43 =	vunpack.i.l.bf16.f32 v3;
	v45 =	vld [tilespmem:s25+$0x10]  }
0x29e: {  	(v2sf) =	vpush v9, $0xD;
	v2 =	vadd.bf16 v38, v37;
	v3 =	vunpack.i.u.bf16.f32 v3;
	[tilespmem:s18+$0x100] =	vst v43  }
0x29f: {  	(v2sf) =	vpush v8, $0xD;
	[tilespmem:s18+$0x110] =	vst v3  }
0x2a0: {  	v46 =	vunpack.i.l.bf16.f32 v2;
	v47 =	vld [tilespmem:s0+$0x10];
	v0 =	vadd.bf16 v42, v41  }
0x2a1: {  	v2 =	vunpack.i.u.bf16.f32 v2;
	v48 =	vld [tilespmem:s1+$0x10];
	[tilespmem:s19+$0x100] =	vst v46  }
0x2a2: {  	[tilespmem:s19+$0x110] =	vst v2;
	v1 =	vadd.bf16 v45, v44;
	v50 =	vunpack.i.u.bf16.f32 v0  }
0x2a3: {  	v2 =	vld [tilespmem:s12+$0x10];
	v0 =	vunpack.i.l.bf16.f32 v0;
	[tilespmem:s16+$0x130] =	vst v50  }
0x2a4: {  	v49 =	vld [tilespmem:s22+$0x10];
	v51 =	vunpack.i.u.bf16.f32 v1;
	[tilespmem:s16+$0x120] =	vst v0  }
0x2a5: {  	s28 =	rddreg [dreg:$0x15];
	[tilespmem:s17+$0x130] =	vst v51  }
0x2a6: {  	v3 =	vadd.bf16 v48, v47;
	v52 =	vld [tilespmem:s28+$0x0];
	s30 =	rddreg [dreg:$0x14]  }
0x2a7: {  	v53 =	vunpack.i.l.bf16.f32 v1;
	v54 =	vld [tilespmem:s30+$0x0]  }
0x2a8: {  	v60 =	vadd.bf16 v11, v12;
	v55 =	vunpack.i.u.bf16.f32 v3;
	[tilespmem:s17+$0x120] =	vst v53  }
0x2a9: {  	v2 =	vadd.bf16 v49, v2;
	v57 =	vunpack.i.l.bf16.f32 v3;
	[tilespmem:s18+$0x130] =	vst v55;
	v56 =	vld [tilespmem:s29+$0x0]  }
0x2aa: {  	v11 =	vunpack.i.l.bf16.f32 v60;
	[tilespmem:s18+$0x120] =	vst v57;
	v58 =	vld [tilespmem:s26+$0x0]  }
0x2ab: {  	s0 =	spop (v2sf);
	[tilespmem:s15+$0x140] =	vst v11;
	v59 =	vunpack.i.u.bf16.f32 v2  }
0x2ac: {  	s3 =	spop (v2sf);
	v61 =	vld [tilespmem:s11+$0x0];
	v62 =	vunpack.i.l.bf16.f32 v2;
	[tilespmem:s19+$0x130] =	vst v59;
	v1 =	vadd.bf16 v52, v54  }
0x2ad: {  	v6 =	vunpack.i.u.bf16.f32 v60;
	s31 =	spop (v2sf);
	v63 =	vld [tilespmem:s24+$0x0];
	[tilespmem:s19+$0x120] =	vst v62  }
0x2ae: {  	s12 =	spop (v2sf);
	[tilespmem:s15+$0x150] =	vst v6;
	v12 =	vld [tilespmem:s31+$0x0];
	v14 =	vunpack.i.l.bf16.f32 v1  }
0x2af: {  	v13 =	vld [tilespmem:s12+$0x0];
	s22 =	rddreg [dreg:$0xf];
	v3 =	vadd.bf16 v56, v58;
	[tilespmem:s16+$0x140] =	vst v14  }
0x2b0: {  	v15 =	vld [tilespmem:s22+$0x10];
	v1 =	vunpack.i.u.bf16.f32 v1;
	s23 =	rddreg [dreg:$0xd]  }
0x2b1: {  	v17 =	vunpack.i.l.bf16.f32 v3;
	[tilespmem:s16+$0x150] =	vst v1;
	v16 =	vld [tilespmem:s23+$0x10]  }
0x2b2: {  	v2 =	vadd.bf16 v61, v63;
	v3 =	vunpack.i.u.bf16.f32 v3;
	[tilespmem:s17+$0x140] =	vst v17;
	v18 =	vld [tilespmem:s30+$0x10]  }
0x2b3: {  	[tilespmem:s17+$0x150] =	vst v3;
	v19 =	vld [tilespmem:s28+$0x10]  }
0x2b4: {  	v20 =	vunpack.i.l.bf16.f32 v2;
	v0 =	vadd.bf16 v12, v13;
	v21 =	vld [tilespmem:s26+$0x10]  }
0x2b5: {  	(v2sf) =	vpush v8, $0xE;
	v2 =	vunpack.i.u.bf16.f32 v2;
	[tilespmem:s18+$0x140] =	vst v20;
	v22 =	vld [tilespmem:s29+$0x10]  }
0x2b6: {  	(v2sf) =	vpush v9, $0xE;
	[tilespmem:s18+$0x150] =	vst v2;
	v23 =	vunpack.i.l.bf16.f32 v0;
	v4 =	vadd.bf16 v16, v15  }
0x2b7: {  	v0 =	vunpack.i.u.bf16.f32 v0;
	[tilespmem:s19+$0x140] =	vst v23  }
0x2b8: {  	v24 =	vld [tilespmem:s24+$0x10];
	[tilespmem:s19+$0x150] =	vst v0;
	v1 =	vadd.bf16 v19, v18;
	v6 =	vunpack.i.l.bf16.f32 v4  }
0x2b9: {  	v25 =	vld [tilespmem:s11+$0x10];
	v4 =	vunpack.i.u.bf16.f32 v4;
	[tilespmem:s15+$0x160] =	vst v6  }
0x2ba: {  	v0 =	vld [tilespmem:s12+$0x10];
	v3 =	vadd.bf16 v22, v21;
	v27 =	vunpack.i.l.bf16.f32 v1;
	[tilespmem:s15+$0x170] =	vst v4  }
0x2bb: {  	v26 =	vld [tilespmem:s31+$0x10];
	v1 =	vunpack.i.u.bf16.f32 v1;
	s24 =	rddreg [dreg:$0xc];
	[tilespmem:s16+$0x160] =	vst v27  }
0x2bc: {  	v30 =	vunpack.i.l.bf16.f32 v3;
	v28 =	vld [tilespmem:s24+$0x0];
	s25 =	rddreg [dreg:$0xe];
	[tilespmem:s16+$0x170] =	vst v1  }
0x2bd: {  	v29 =	vld [tilespmem:s25+$0x0];
	s26 =	rddreg [dreg:$0x10];
	[tilespmem:s17+$0x160] =	vst v30  }
0x2be: {  	v2 =	vadd.bf16 v25, v24;
	v3 =	vunpack.i.u.bf16.f32 v3;
	v31 =	vld [tilespmem:s26+$0x0];
	s28 =	rddreg [dreg:$0x13]  }
0x2bf: {  	[tilespmem:s17+$0x170] =	vst v3;
	v32 =	vld [tilespmem:s28+$0x0]  }
0x2c0: {  	v0 =	vadd.bf16 v26, v0;
	v33 =	vunpack.i.l.bf16.f32 v2;
	s29 =	rddreg [dreg:$0x19];
	v35 =	vld [tilespmem:s8+$0x0]  }
0x2c1: {  	v2 =	vunpack.i.u.bf16.f32 v2;
	[tilespmem:s18+$0x160] =	vst v33;
	v34 =	vld [tilespmem:s29+$0x0]  }
0x2c2: {  	v36 =	vunpack.i.l.bf16.f32 v0;
	[tilespmem:s18+$0x170] =	vst v2;
	v4 =	vadd.bf16 v29, v28  }
0x2c3: {  	v0 =	vunpack.i.u.bf16.f32 v0;
	[tilespmem:s19+$0x160] =	vst v36;
	v37 =	vld [tilespmem:s7+$0x0]  }
0x2c4: {  	s30 =	spop (v2sf);
	[tilespmem:s19+$0x170] =	vst v0;
	v39 =	vld [tilespmem:s4+$0x0];
	v40 =	vunpack.i.l.bf16.f32 v4;
	v1 =	vadd.bf16 v32, v31  }
0x2c5: {  	s31 =	spop (v2sf);
	v41 =	vld [tilespmem:s30+$0x0];
	v42 =	vunpack.i.u.bf16.f32 v4;
	[tilespmem:s15+$0x180] =	vst v40  }
0x2c6: {  	v43 =	vld [tilespmem:s31+$0x0];
	[tilespmem:s15+$0x190] =	vst v42;
	v3 =	vadd.bf16 v35, v34;
	v45 =	vunpack.i.l.bf16.f32 v1  }
0x2c7: {  	v46 =	vld [tilespmem:s24+$0x10];
	v47 =	vunpack.i.u.bf16.f32 v1;
	[tilespmem:s16+$0x180] =	vst v45  }
0x2c8: {  	v48 =	vld [tilespmem:s25+$0x10];
	[tilespmem:s16+$0x190] =	vst v47;
	v49 =	vunpack.i.l.bf16.f32 v3  }
0x2c9: {  	v5 =	vadd.bf16 v39, v37;
	v51 =	vunpack.i.u.bf16.f32 v3;
	v50 =	vld [tilespmem:s26+$0x10];
	[tilespmem:s17+$0x180] =	vst v49  }
0x2ca: {  	v38 =	vunpack.i.u.bf16.f32 v10;
	v52 =	vld [tilespmem:s28+$0x10];
	[tilespmem:s17+$0x190] =	vst v51  }
0x2cb: {  	(v2sf) =	vpush v8, $0xF;
	[tilespmem:s14+$0x1D0] =	vst v38;
	v2 =	vadd.bf16 v43, v41;
	v53 =	vunpack.i.l.bf16.f32 v5;
	v54 =	vld [tilespmem:s29+$0x10]  }
0x2cc: {  	(v2sf) =	vpush v9, $0xF;
	v55 =	vunpack.i.u.bf16.f32 v5;
	[tilespmem:s18+$0x180] =	vst v53;
	v56 =	vld [tilespmem:s8+$0x10]  }
0x2cd: {  	v44 =	vld [tilespmem:s21+$0x10];
	v57 =	vunpack.i.l.bf16.f32 v2;
	[tilespmem:s18+$0x190] =	vst v55;
	v1 =	vadd.bf16 v48, v46  }
0x2ce: {  	v59 =	vunpack.i.u.bf16.f32 v2;
	[tilespmem:s19+$0x180] =	vst v57;
	v58 =	vld [tilespmem:s7+$0x10]  }
0x2cf: {  	[tilespmem:s19+$0x190] =	vst v59;
	v60 =	vld [tilespmem:s4+$0x10];
	v61 =	vunpack.i.l.bf16.f32 v1;
	v3 =	vadd.bf16 v52, v50  }
0x2d0: {  	v62 =	vld [tilespmem:s30+$0x10];
	v1 =	vunpack.i.u.bf16.f32 v1;
	[tilespmem:s15+$0x1A0] =	vst v61  }
0x2d1: {  	v63 =	vld [tilespmem:s31+$0x10];
	[tilespmem:s15+$0x1B0] =	vst v1;
	v4 =	vadd.bf16 v56, v54;
	v13 =	vunpack.i.l.bf16.f32 v3  }
0x2d2: {  	v12 =	vld [tilespmem:s20+$0x10];
	s20 =	rddreg [dreg:$0xb];
	v3 =	vunpack.i.u.bf16.f32 v3;
	[tilespmem:s16+$0x1A0] =	vst v13  }
0x2d3: {  	v14 =	vld [tilespmem:s20+$0x0];
	v16 =	vunpack.i.l.bf16.f32 v4;
	s21 =	rddreg [dreg:$0xa];
	[tilespmem:s16+$0x1B0] =	vst v3  }
0x2d4: {  	v2 =	vadd.bf16 v60, v58;
	v15 =	vld [tilespmem:s21+$0x0];
	s22 =	rddreg [dreg:$0x11];
	[tilespmem:s17+$0x1A0] =	vst v16  }
0x2d5: {  	v4 =	vunpack.i.u.bf16.f32 v4;
	v17 =	vld [tilespmem:s22+$0x0];
	s23 =	rddreg [dreg:$0x12]  }
0x2d6: {  	v0 =	vadd.bf16 v63, v62;
	v19 =	vunpack.i.l.bf16.f32 v2;
	[tilespmem:s17+$0x1B0] =	vst v4;
	v18 =	vld [tilespmem:s23+$0x0]  }
0x2d7: {  	v2 =	vunpack.i.u.bf16.f32 v2;
	[tilespmem:s18+$0x1A0] =	vst v19;
	v20 =	vld [tilespmem:s5+$0x0]  }
0x2d8: {  	v21 =	vadd.bf16 v12, v44;
	v23 =	vunpack.i.l.bf16.f32 v0;
	[tilespmem:s18+$0x1B0] =	vst v2;
	v22 =	vld [tilespmem:s13+$0x0]  }
0x2d9: {  	v0 =	vunpack.i.u.bf16.f32 v0;
	[tilespmem:s19+$0x1A0] =	vst v23;
	v24 =	vld [tilespmem:s0+$0x0];
	v1 =	vadd.bf16 v15, v14  }
0x2da: {  	s24 =	spop (v2sf);
	v25 =	vunpack.i.l.bf16.f32 v21;
	[tilespmem:s19+$0x1B0] =	vst v0;
	v26 =	vld [tilespmem:s3+$0x0]  }
0x2db: {  	s25 =	spop (v2sf);
	[tilespmem:s14+$0x1E0] =	vst v25;
	v29 =	vld [tilespmem:s24+$0x0];
	v27 =	vunpack.i.l.bf16.f32 v1;
	v28 =	vadd.bf16 v18, v17  }
0x2dc: {  	v31 =	vld [tilespmem:s25+$0x0];
	v30 =	vunpack.i.u.bf16.f32 v1;
	[tilespmem:s15+$0x1C0] =	vst v27  }
0x2dd: {  	v33 =	vadd.bf16 v22, v20;
	[tilespmem:s15+$0x1D0] =	vst v30;
	v32 =	vunpack.i.l.bf16.f32 v28  }
0x2de: {  	v34 =	vld [tilespmem:s20+$0x10];
	v35 =	vunpack.i.u.bf16.f32 v28;
	[tilespmem:s16+$0x1C0] =	vst v32  }
0x2df: {  	v5 =	vadd.bf16 v26, v24;
	v36 =	vld [tilespmem:s21+$0x10];
	v37 =	vunpack.i.l.bf16.f32 v33;
	[tilespmem:s16+$0x1D0] =	vst v35  }
0x2e0: {  	v39 =	vunpack.i.u.bf16.f32 v33;
	[tilespmem:s17+$0x1C0] =	vst v37;
	v38 =	vld [tilespmem:s22+$0x10]  }
0x2e1: {  	v1 =	vadd.bf16 v31, v29;
	v41 =	vunpack.i.l.bf16.f32 v5;
	[tilespmem:s17+$0x1D0] =	vst v39;
	v40 =	vld [tilespmem:s23+$0x10]  }
0x2e2: {  	v43 =	vunpack.i.u.bf16.f32 v5;
	[tilespmem:s18+$0x1C0] =	vst v41;
	v42 =	vld [tilespmem:s5+$0x10]  }
0x2e3: {  	v45 =	vunpack.i.l.bf16.f32 v1;
	[tilespmem:s18+$0x1D0] =	vst v43;
	v44 =	vld [tilespmem:s13+$0x10]  }
0x2e4: {  	v47 =	vunpack.i.u.bf16.f32 v1;
	[tilespmem:s19+$0x1C0] =	vst v45;
	v46 =	vld [tilespmem:s0+$0x10];
	v2 =	vadd.bf16 v36, v34  }
0x2e5: {  	v48 =	vunpack.i.u.bf16.f32 v21;
	[tilespmem:s19+$0x1D0] =	vst v47;
	v49 =	vld [tilespmem:s3+$0x10]  }
0x2e6: {  	[tilespmem:s14+$0x1F0] =	vst v48;
	v52 =	vld [tilespmem:s24+$0x10];
	v50 =	vunpack.i.l.bf16.f32 v2;
	v51 =	vadd.bf16 v40, v38  }
0x2e7: {  	v54 =	vld [tilespmem:s25+$0x10];
	v53 =	vunpack.i.u.bf16.f32 v2;
	[tilespmem:s15+$0x1E0] =	vst v50  }
0x2e8: {  	v3 =	vadd.bf16 v44, v42;
	[tilespmem:s15+$0x1F0] =	vst v53;
	v55 =	vunpack.i.l.bf16.f32 v51  }
0x2e9: {  	v56 =	vunpack.i.u.bf16.f32 v51;
	[tilespmem:s16+$0x1E0] =	vst v55  }
0x2ea: {  	v58 =	vadd.bf16 v49, v46;
	v57 =	vunpack.i.l.bf16.f32 v3;
	[tilespmem:s16+$0x1F0] =	vst v56  }
0x2eb: {  	v59 =	vunpack.i.u.bf16.f32 v3;
	[tilespmem:s17+$0x1E0] =	vst v57  }
0x2ec: {  	v2 =	vadd.bf16 v54, v52;
	v60 =	vunpack.i.l.bf16.f32 v58;
	[tilespmem:s17+$0x1F0] =	vst v59  }
0x2ed: {  	v61 =	vunpack.i.u.bf16.f32 v58;
	[tilespmem:s18+$0x1E0] =	vst v60  }
0x2ee: {  	v62 =	vunpack.i.l.bf16.f32 v2;
	[tilespmem:s18+$0x1F0] =	vst v61  }
0x2ef: {  	[tilespmem:s19+$0x1E0] =	vst v62  }
0x2f0: {  	s26 =	rddreg [dreg:$0x9]  }
0x2f1: {  	s2 =	simm.s32 $0x1;
	s28 =	rddreg [dreg:$0x1];
	v63 =	vunpack.i.u.bf16.f32 v2;
	s0 =	sshll.u32 s26, $0x3  }
0x2f2: {  	s29 =	simm.s32 $0x0;
	s30 =	simm.s32 $0x10200;
	[tilespmem:s19+$0x1F0] =	vst v63;
	s0 =	sadd.s32 s28, s0  }
0x2f3: {  	[hbm4b:s0+s29] =	stream.linear.scatter [tilespmem:s30], [sflag:$0x1], $0x8000, $0x38;
	[tilespmem:$0x18200] =	vst v63  }
0x2f4: {  	_ =	swait.ge [sflag:s2], $0x8000  }
0x2f5: {  	s31 =	rddreg [dreg:$0x8]  }
0x2f6: {  	s0 =	sadd.s32 $0x1, s31  }
0x2f7: {  	p0 =	sne.s32 s0, $0x32  }
.Ltmp1:
0x2f8: {  	_ = 	snop;
	(pc) =	sbr.rel @p0 .LBB2_2-.Ltmp1, $3  }
0x2f9: {  	_ =	sdelay $0x1  }
0x2fa: {  	[sflag:s2] =	ssyncset.done $0x0  }
0x2fb: {  	[sflag:s2] =	ssyncadd.s32 $0xFFFF8000  }
0x2fc: {  	s1 =	rddreg [dreg:$0x7]  }
0x2fd: {  	s0 =	rddreg [dreg:$0x6];
	s1 =	sadd.s32 $0x1, s1  }
0x2fe: {  	p0 =	sne.s32 s1, s0  }
.Ltmp2:
0x2ff: {  	_ = 	snop;
	(pc) =	sbr.rel @p0 .LBB2_1-.Ltmp2, $1  }
0x300: {  	_ =	sdelay $0x3  }
0x301: {  	_ =	sfence.sel $0x180000  }
0x302: {  	[bflag:$0x0] =	sbarrier.arrive $0xFFFF  }
0x303: {  	_ =	strace $0x90000047  }
0x304: {  	s0 =	stileid.u32;
	[bflag:$0x2] =	sbarrier.arrive $0xFFFF  }
0x305: {  	p0 =	sne.s32 s0, $0x0;
	s0 =	rddreg [dreg:$0x2]  }
0x306: {  	s0 =	sadd.s32 @!p0 $0x100000, s0  }
0x307: {  	[sflag:s0] =	ssyncadd.tile.s32 @!p0 $0x1;
	_ =	shalt  }
.Lfunc_end2:
_tile_overlayer_lowered:
.L_overlay_start_2:
0x308: {  	(tag) =	ssettag $0x2  }
0x309: {  	s0 =	rddreg [dreg:$0x0];
	s2 =	stileid.u32  }
0x30a: {  	s1 =	rddreg [dreg:$0x1];
	p0 =	sne.s32 s2, $0x0  }
0x30b: {  	s3 =	rddreg [dreg:$0x2];
	[bflag:$0x3] =	sbarrier.arrive $0xFFFF;
	s2 =	simm.s32 @!p0 $0x1C01  }
0x30c: {  	[timem:s3], [sflag:s2] =	dma.local @!p0 [hbm:s0], s1  }
0x30d: {  	s0 =	simm.s32 @!p0 $0x1  }
0x30e: {  	_ =	swait.ge @!p0 [sflag:s0], s1  }
0x30f: {  	s1 =	ssub.s32 @!p0 $0x0, s1;
	[sflag:s0] =	ssyncset.done @!p0 $0x0  }
0x310: {  	[sflag:s0] =	ssyncadd.s32 @!p0 s1  }
0x311: {  	[bflag:$0x3] =	sbarrier.arrive $0xFFFF  }
0x312: {  	_ =	shalt  }

// kernel: sparse-core-data-format-call.cloned.1.call-start
scs
called_computation_lowered:
.L_overlay_start_0:
0x0: {  	s2 =	sld [smem:$0x3FD9]  }
0x1: {  	s3 =	sld [smem:$0x3FFE];
	_ =	sdelay $0x1  }
0x2: {  	s1 =	srdreg.scid  }
0x3: {  	s0 =	sand.u32 $0x1, s1  }
0x4: {  	s18 =	sshll.u32 s0, $0xA;
	s2 =	sadd.s32 s3, s2  }
0x5: {  	s2 =	sadd.s32 s2, s18  }
0x6: {  	[smem:$0x3FC6] =	sst s2  }
0x7: {  	_ = 	snop  }
0x8: {  	s2 =	sld [smem:$0x3FD0];
	(tm) =	ssettm $0x1  }
0x9: {  	s19 =	sld [smem:$0x3FFB];
	_ =	sdelay $0x3  }
0xa: {  	_ =	strace s19  }
0xb: {  	s3 =	sld [smem:$0x3FFC];
	_ =	sdelay $0x3  }
0xc: {  	_ =	strace s3  }
0xd: {  	s3 =	sld [smem:$0x3FFD];
	_ =	sdelay $0x3  }
0xe: {  	_ =	strace s3  }
0xf: {  	_ =	strace $0x8FFFFFFF  }
0x10: {  	s20 =	sld [smem:$0x3FDB];
	_ =	sdelay $0x1  }
0x11: {  	s4 =	simm.s32 $_scs_section_size  }
0x12: {  	s5 =	simm.s32 $_size__tile_overlayer_lowered;
	s6 =	simm.s32 $_tile_overlayer_lowered  }
0x13: {  	s23 =	simm.s32 $0x1BFF;
	s22 =	sshll.u32 s6, $0x1;
	s3 =	sadd.s32 s4, s20  }
0x14: {  	s7 =	simm.s32 $0x0;
	s21 =	sshll.u32 s5, $0x1;
	s5 =	sadd.s32 s22, s3  }
0x15: {  	[timem:s7], [sflag:s23] =	dma.local [hbm:s5], s21  }
0x16: {  	_ =	swait.ge [sflag:s23], s21  }
0x17: {  	s4 =	ssub.s32 $0x0, s21;
	[sflag:s23] =	ssyncset.done $0x0  }
0x18: {  	[sflag:s23] =	ssyncadd.s32 s4;
	_ =	sdelay $0x1  }
0x19: {  	s24 =	simm.s32 $0x1B8B  }
0x1a: {  	_ =	swait.ge [sflag:s24], $0x1  }
0x1b: {  	[sflag:s24] =	ssyncset.done $0x0  }
0x1c: {  	s26 =	simm.s32 $0x1B8E;
	s25 =	sld [smem:$0x3FFE];
	[sflag:s24] =	ssyncadd.s32 $0xFFFFFFFF  }
0x1d: {  	s27 =	simm.s32 $execute0_lowered;
	[smem:$0x3FD2] =	sst s26  }
0x1e: {  	s5 =	sshll.u32 s27, $0x1;
	_ =	strace $0x80000049;
	[dreg:$0x1] =	wrdreg $0xFFFFFFFF  }
0x1f: {  	s28 =	simm.s32 $_size_execute0_lowered;
	s3 =	sadd.s32 s3, s5;
	[dreg:$0x0] =	wrdreg $0x0  }
0x20: {  	s5 =	sshll.u32 s28, $0x1;
	[dreg:$0x2] =	wrdreg s3  }
0x21: {  	[dreg:$0x3] =	wrdreg s5  }
0x22: {  	[dreg:$0x4] =	wrdreg $0xC0  }
0x23: {  	_ =	task [dreg:s7], $0x5FFFF  }
0x24: {  	[dreg:$0x1] =	wrdreg $0xFFFFFFFF  }
0x25: {  	[dreg:$0x0] =	wrdreg $0x60  }
0x26: {  	[dreg:$0x2] =	wrdreg s25  }
0x27: {  	[dreg:$0x3] =	wrdreg s2  }
0x28: {  	[dreg:$0x4] =	wrdreg $0x9  }
0x29: {  	_ =	task.clear_ibuf [dreg:s7], $0x5FFFF;
	_ =	strace $0x90000049  }
0x2a: {  	s29 =	simm.s32 $0x9;
	_ =	strace $0x8000004B  }
0x2b: {  	_ =	swait.ge [sflag:s29], $0x1  }
0x2c: {  	[sflag:s29] =	ssyncadd.s32 $0xFFFFFFFF  }
0x2d: {  	_ =	strace $0x9000004B  }
0x2e: {  	_ =	sfence  }
0x2f: {  	s30 =	sld [smem:$0x0];
	_ =	sdelay $0x2  }
0x30: {  	s31 =	sshll.u32 s1, $0xD;
	s1 =	sshrl.u32 s1, $0x2  }
0x31: {  	s3 =	sand.u32 $0x4000, s31;
	s1 =	sadd.s32 s1, s30  }
0x32: {  	s0 =	sor.u32 s3, s0;
	s1 =	sshll.u32 s1, $0x11  }
0x33: {  	s0 =	sor.u32 s1, s0  }
0x34: {  	s0 =	sadd.s32 $0x8F2B, s0  }
0x35: {  	[sflag:s0] =	ssyncadd.remote.s32 $0x1  }
0x36: {  	_ =	sfence.sel $0xFFFF  }
0x37: {  	[dreg:$0x0] =	wrdreg $0xFFFFFFFF;
	(pc) =	sbr.abs _section_cstart, $3  }
0x38: {  	[dreg:$0x1] =	wrdreg $0xFFFFFFFF  }
0x39: {  	_ =	task.clear_ibuf [dreg:s7], $0x2FFFF;
	_ =	strace $0x9FFFFFFF  }
0x3a: {  	(tm) =	ssettm $0x7FFFFFFF  }
0x3b: {  	_ =	shalt  }
tec
execute0_lowered:
.L_overlay_start_1:
0x0: {  	(tag) =	ssettag $0x1  }
0x1: {  	s0 =	srdreg.scid  }
0x2: {  	s1 =	sshll.u32 s0, $0x4  }
0x3: {  	s0 =	stileid.u32;
	s1 =	sand.u32 $0x10, s1  }
0x4: {  	s1 =	sor.u32 s0, s1  }
0x5: {  	s6 =	rddreg [dreg:$0x0];
	s4 =	simm.s32 $0x1;
	s2 =	sshll.u32 s1, $0x7  }
0x6: {  	s7 =	simm.s32 $0x2;
	s12 =	simm.s32 $0x0;
	s1 =	ssub.s32 $0x1000, s2  }
0x7: {  	s8 =	simm.s32 $0x8000;
	s13 =	simm.s32 $0x0;
	s3 =	sand.u32 $0xF80, s1  }
0x8: {  	s9 =	simm.s32 $0x0;
	s5 =	sshrl.u32 s1, $0xC;
	p0 =	sne.s32 s3, $0x0  }
.Ltmp0:
0x9: {  	s1 =	rddreg [dreg:$0x2];
	s4 =	simm.s32 @!p0 $0x0;
	(pc) =	sbr.rel .LBB1_1-.Ltmp0, $4  }
0xa: {  	s11 =	simm.s32 $0x0;
	s3 =	rddreg [dreg:$0x1];
	s5 =	sadd.s32 s4, s5  }
0xb: {  	_ =	strace $0x8000004A;
	s4 =	simm.s32 $0x1;
	s5 =	smul.u32 $0xC8, s5  }
0xc: {  	s6 =	sadd.s32 $0xA00, s6;
	s10 =	smov.u32 s2;
	[sflag:s4] =	ssyncpa.u1 $0x0  }
0xd: {  	p0 =	por $0x0, $0x0;
	[sflag:s7] =	ssyncpa.u1 $0x0;
	s7 =	sor.u32 $0x1, s5  }
.LBB1_4:
0xe: {  	s16 =	sshll.u32 s13, $0x3;
	s17 =	sand.u32 $0x78, s13  }
0xf: {  	s30 =	sand.u32 $0x7E00, s13;
	s12 =	sshll.u32 s12, $0xF;
	s16 =	sand.u32 $0xC00, s16  }
0x10: {  	[tilespmem:s15+$0x810 ss:$0x81] =	vst.msk $0xffff, v2;
	s31 =	sand.u32 $0x7, s13;
	s16 =	sor.u32 s17, s16;
	s17 =	sadd.s32 s3, s30  }
0x11: {  	[tilespmem:s15+$0x1020 ss:$0x81] =	vst.msk $0xffff, v0;
	s13 =	sshll.u32 s31, $0x12;
	s12 =	sadd.s32 s12, s17;
	s16 =	sshrl.u32 s16, $0x3  }
0x12: {  	[tilespmem:s15+$0x0 ss:$0x81] =	vst.msk $0xffff, v1;
	s13 =	sor.u32 $0x400, s13;
	s12 =	sadd.s32 s16, s12  }
0x13: {  	[hbm4b:s12+s13] =	stream.strided.scatter [tilespmem:s14], [sflag:$0x2], $0x2000, s8, s13, $0x20;
	[tilespmem:$0x8080] =	vst v63  }
.LBB1_5:
0x14: {  	s14 =	sadd.s32 $0x1, s9  }
0x15: {  	s12 =	sadd.s32 $0x1000, s10;
	s16 =	smov.u32 s10;
	p2 =	sgt.s32 s14, $0xC7  }
0x16: {  	s16 =	smov.u32 @p2 s12  }
0x17: {  	s14 =	simm.s32 @p2 $0x0;
	p2 =	sgt.s32 s16, $0xFFF  }
0x18: {  	s16 =	smov.u32 @p2 s2;
	p2 =	sne.s32 s11, s7  }
.Ltmp1:
0x19: {  	p1 =	slt.u32 s11, $0x2;
	(pc) =	sbr.rel @!p2 .LBB1_6-.Ltmp1, $4  }
0x1a: {  	s15 =	simm.s32 @!p1 $0x2  }
0x1b: {  	s13 =	smov.u32 s10;
	p0 =	por !p0, !p0;
	_ =	swait.ge @!p1 [sflag:s15], $0x2000  }
0x1c: {  	s12 =	smov.u32 s9;
	[sflag:s15] =	ssyncset.done @!p1 $0x0;
	s9 =	smov.u32 s14  }
0x1d: {  	s11 =	sadd.s32 $0x1, s11;
	[sflag:s15] =	ssyncadd.s32 @!p1 $0xFFFFE000;
	s10 =	smov.u32 s16  }
.LBB1_1:
0x1e: {  	p1 =	sge.u32 s11, s5  }
0x1f: {  	s14 =	sand.u32 @!p1 $0x1FFFFFF, s9  }
0x20: {  	s15 =	smulhi.u32 @!p1 $0x147AE15, s14;
	_ =	sdelay $0x1  }
0x21: {  	s15 =	smul.u32 @!p1 $0xC8, s15  }
0x22: {  	s16 =	sxor.u32 @!p1 $0xFFFFFFFF, s11;
	s17 =	smul.u32 @!p1 $0xC80, s10  }
0x23: {  	s31 =	sadd.s32 $0xFFFFFFFF, s11;
	s16 =	sshll.u32 @!p1 s16, $0xD;
	s14 =	ssub.s32 @!p1 s14, s15  }
0x24: {  	s15 =	sand.u32 @!p1 $0x2000, s16;
	s16 =	sadd.s32 @!p1 s6, s17;
	s14 =	sshll.u32 @!p1 s14, $0x4  }
0x25: {  	s17 =	simm.s32 @!p1 $0x6400;
	s14 =	sadd.s32 @!p1 s14, s16;
	s16 =	simm.s32 @!p1 $0x40  }
0x26: {  	[tilespmem:s15], [sflag:$0x1] =	stream.strided.gather @!p1 [hbm4b:s14+s16], $0x2000, s17, s16, $0x38;
	[tilespmem:$0x8080] =	vst v63  }
0x27: {  	p1 =	sge.u32 s31, s5  }
.Ltmp2:
0x28: {  	_ = 	snop;
	(pc) =	sbr.rel @p1 .LBB1_5-.Ltmp2, $1  }
0x29: {  	_ =	sdelay $0x3  }
0x2a: {  	s14 =	simm.s32 $0x1  }
0x2b: {  	_ =	swait.ge [sflag:s4], $0x2000;
	s14 =	simm.s32 @!p0 $0x0  }
0x2c: {  	[sflag:s4] =	ssyncset.done $0x0;
	s15 =	sshll.u32 s14, $0xD  }
0x2d: {  	[sflag:s4] =	ssyncadd.s32 $0xFFFFE000;
	s18 =	sor.u32 $0x20, s15  }
0x2e: {  	s14 =	smul.u32 $0x8100, s14;
	v3 =	vld [tilespmem:s18+$0x10]  }
0x2f: {  	s30 =	sand.u32 $0x1, s11;
	v2 =	vld [tilespmem:s18+$0xFFFFFFF0]  }
0x30: {  	s15 =	smul.u32 $0x8100, s30;
	s14 =	sshrl.u32 s14, $0x2;
	v0 =	vld [tilespmem:s18+$0x0]  }
0x31: {  	v1 =	vld [tilespmem:s18+$0xFFFFFFE0];
	s16 =	sor.u32 $0x4000, s14  }
0x32: {  	s31 =	sshrl.u32 s15, $0x2;
	s15 =	sadd.s32 $0x0, s16  }
0x33: {  	s17 =	simm.s32 $0x4;
	s18 =	sadd.s32 $0x40, s18;
	s14 =	sor.u32 $0x4000, s31;
	[tilespmem:s15+$0x1830 ss:$0x81] =	vst.msk $0xffff, v3  }
.LBB1_3:
0x34: {  	v3 =	vld [tilespmem:s18+$0x10];
	p1 =	sne.s32 s17, $0x1FC;
	[tilespmem:s15+$0x810 ss:$0x81] =	vst.msk $0xffff, v2;
	s19 =	smov.u32 s17;
	s17 =	sadd.s32 $0x4, s17  }
.Ltmp3:
0x35: {  	v2 =	vld [tilespmem:s18+$0xFFFFFFF0];
	[tilespmem:s15+$0x1020 ss:$0x81] =	vst.msk $0xffff, v0;
	(pc) =	sbr.rel @p1 .LBB1_3-.Ltmp3, $4  }
0x36: {  	v0 =	vld [tilespmem:s18+$0x0];
	[tilespmem:s15+$0x0 ss:$0x81] =	vst.msk $0xffff, v1  }
0x37: {  	s15 =	sshra.s32 s19, $0x2;
	v1 =	vld [tilespmem:s18+$0xFFFFFFE0]  }
0x38: {  	s15 =	sadd.s32 s15, s16  }
0x39: {  	s18 =	sadd.s32 $0x40, s18;
	[tilespmem:s15+$0x1830 ss:$0x81] =	vst.msk $0xffff, v3  }
.Ltmp4:
0x3a: {  	_ = 	snop;
	(pc) =	sbr.rel .LBB1_4-.Ltmp4, $1  }
0x3b: {  	_ =	sdelay $0x3  }
.LBB1_6:
0x3c: {  	_ =	sfence.sel $0x180000  }
0x3d: {  	s2 =	simm.s32 $0x1;
	[bflag:$0x0] =	sbarrier.arrive $0xFFFF  }
0x3e: {  	s31 =	simm.s32 $0x2;
	[sflag:s2] =	ssyncpa.u1 $0x1  }
0x3f: {  	[sflag:s31] =	ssyncpa.u1 $0x1  }
0x40: {  	p0 =	sne.s32 s0, $0x0;
	_ =	strace $0x9000004A  }
0x41: {  	s0 =	sadd.s32 @!p0 $0x100000, s1;
	[bflag:$0x2] =	sbarrier.arrive $0xFFFF  }
0x42: {  	[sflag:s0] =	ssyncadd.tile.s32 @!p0 $0x1;
	_ =	shalt  }
.Lfunc_end1:
_tile_overlayer_lowered:
.L_overlay_start_2:
0x43: {  	(tag) =	ssettag $0x2  }
0x44: {  	s0 =	rddreg [dreg:$0x0];
	s2 =	stileid.u32  }
0x45: {  	s1 =	rddreg [dreg:$0x1];
	p0 =	sne.s32 s2, $0x0  }
0x46: {  	s3 =	rddreg [dreg:$0x2];
	[bflag:$0x3] =	sbarrier.arrive $0xFFFF;
	s2 =	simm.s32 @!p0 $0x1C01  }
0x47: {  	[timem:s3], [sflag:s2] =	dma.local @!p0 [hbm:s0], s1  }
0x48: {  	s0 =	simm.s32 @!p0 $0x1  }
0x49: {  	_ =	swait.ge @!p0 [sflag:s0], s1  }
0x4a: {  	s1 =	ssub.s32 @!p0 $0x0, s1;
	[sflag:s0] =	ssyncset.done @!p0 $0x0  }
0x4b: {  	[sflag:s0] =	ssyncadd.s32 @!p0 s1  }
0x4c: {  	[bflag:$0x3] =	sbarrier.arrive $0xFFFF  }
0x4d: {  	_ =	shalt  }

</sc_bundles>
